<compile_context>
chip_gen: v7x
topology: tpu7x:2x2x1
jax: 0.10.2.dev20260603
libtpu: 0.0.44.dev20260713+nightly
codegen_flags: <defaults>
</compile_context>

<pallas_src>
import functools

import jax
import jax.numpy as jnp
from jax import lax
from jax.experimental import pallas as pl
from jax.experimental.pallas import tpu as pltpu
from jax.experimental.pallas import tpu_sc as plsc

N = 10000
E = 160000

NC = 2
NS = 16
LANES = 16

CHUNK = 128
CPW = 2 * -(-E // (NC * NS * CHUNK * 2))
EP = NC * NS * CPW * CHUNK
NPAD = 10240
ROWS_OUT = NPAD // NS
ZSLABS = NPAD // (NS * CHUNK)


def _spmm_sc(d):
    mesh = plsc.VectorSubcoreMesh(core_axis_name="c", subcore_axis_name="s")

    @functools.partial(
        pl.kernel,
        out_type=jax.ShapeDtypeStruct((NC, NPAD, d), jnp.float32),
        mesh=mesh,
        scratch_types=[
            pltpu.VMEM((CPW, CHUNK), jnp.int32),
            pltpu.VMEM((CPW, CHUNK), jnp.int32),
            pltpu.VMEM((2, CHUNK, d), jnp.float32),
            pltpu.VMEM_SHARED((NPAD, d), jnp.float32),
            pltpu.SemaphoreType.DMA,
            pltpu.SemaphoreType.DMA,
        ],
    )
    def spmm(hw_hbm, dst_hbm, src_hbm, dstb_hbm, srcb_hbm, out_hbm,
             dst_v, src_v, rows_v, acc_sh, gsem0, gsem1):
        cid = lax.axis_index("c")
        sid = lax.axis_index("s")
        wid = cid * NS + sid
        gsems = (gsem0, gsem1)

        @pl.when(wid < NC * NS - 1)
        def _():
            pltpu.sync_copy(dst_hbm.at[pl.ds(wid * CPW, CPW)], dst_v)
            pltpu.sync_copy(src_hbm.at[pl.ds(wid * CPW, CPW)], src_v)

        @pl.when(wid == NC * NS - 1)
        def _():
            pltpu.sync_copy(dstb_hbm, dst_v)
            pltpu.sync_copy(srcb_hbm, src_v)

        pltpu.async_copy(hw_hbm.at[dst_v.at[0]], rows_v.at[0], gsem0)

        zeros16 = jnp.zeros((LANES,), jnp.float32)

        def zbody(i, carry):
            for jj in range(d // LANES):
                rows_v[1, i, pl.ds(jj * LANES, LANES)] = zeros16
            return carry

        lax.fori_loop(0, CHUNK, zbody, 0)
        for k in range(ZSLABS):
            pltpu.sync_copy(
                rows_v.at[1], acc_sh.at[pl.ds((sid * ZSLABS + k) * CHUNK, CHUNK)]
            )
        plsc.subcore_barrier()

        def body(t, carry):
            for b in range(2):
                j = 2 * t + b
                nb = 1 - b

                @pl.when(j + 1 < CPW)
                def _():
                    pltpu.async_copy(
                        hw_hbm.at[dst_v.at[j + 1]], rows_v.at[nb], gsems[nb]
                    )

                pltpu.make_async_copy(
                    hw_hbm.at[dst_v.at[j]], rows_v.at[b], gsems[b]
                ).wait()
                pltpu.sync_copy(rows_v.at[b], acc_sh.at[src_v.at[j]], add=True)
            return carry

        lax.fori_loop(0, CPW // 2, body, 0)
        plsc.subcore_barrier()

        pltpu.sync_copy(
            acc_sh.at[pl.ds(sid * ROWS_OUT, ROWS_OUT)],
            out_hbm.at[cid].at[pl.ds(sid * ROWS_OUT, ROWS_OUT)],
        )

    return spmm


_BLK = 2000


def _mm_body(h_ref, w_ref, o_ref):
    o_ref[...] = jnp.dot(
        h_ref[...], w_ref[...],
        preferred_element_type=jnp.float32,
    )


def _fused_body(z_ref, w_ref, o_ref):
    z = z_ref[0] + z_ref[1]
    h = jnp.where(z > 0, z, jnp.exp(z) - 1.0)
    o_ref[...] = jnp.dot(
        h, w_ref[...],
        preferred_element_type=jnp.float32,
    )


def _final_body(z_ref, o_ref):
    z = z_ref[0, :, :64] + z_ref[1, :, :64]
    h = jnp.where(z > 0, z, jnp.exp(z) - 1.0)
    m = jnp.max(h, axis=1, keepdims=True)
    e = jnp.exp(h - m)
    lse = jnp.log(jnp.sum(e, axis=1, keepdims=True))
    o_ref[...] = h - m - lse


def _mm(h, w):
    n, din = h.shape
    dout = w.shape[1]
    return pl.pallas_call(
        _mm_body,
        out_shape=jax.ShapeDtypeStruct((n, dout), jnp.float32),
        grid=(n // _BLK,),
        in_specs=[
            pl.BlockSpec((_BLK, din), lambda i: (i, 0)),
            pl.BlockSpec((din, dout), lambda i: (0, 0)),
        ],
        out_specs=pl.BlockSpec((_BLK, dout), lambda i: (i, 0)),
    )(h, w)


def _fused_mm(zp, w):
    _, _, din = zp.shape
    dout = w.shape[1]
    return pl.pallas_call(
        _fused_body,
        out_shape=jax.ShapeDtypeStruct((N, dout), jnp.float32),
        grid=(N // _BLK,),
        in_specs=[
            pl.BlockSpec((NC, _BLK, din), lambda i: (0, i, 0)),
            pl.BlockSpec((din, dout), lambda i: (0, 0)),
        ],
        out_specs=pl.BlockSpec((_BLK, dout), lambda i: (i, 0)),
    )(zp, w)


def _final(zp):
    _, _, d = zp.shape
    return pl.pallas_call(
        _final_body,
        out_shape=jax.ShapeDtypeStruct((N, 64), jnp.float32),
        grid=(N // _BLK,),
        in_specs=[pl.BlockSpec((NC, _BLK, d), lambda i: (0, i, 0))],
        out_specs=pl.BlockSpec((_BLK, 64), lambda i: (i, 0)),
    )(zp)


def kernel(features, edge_index, W0, W1, W2):
    src = edge_index[0].astype(jnp.int32)
    dst = edge_index[1].astype(jnp.int32)
    pad = EP - E
    nreal = E // CHUNK
    nbridge = nreal - (NC * NS - 1) * CPW
    padsrc = N + (jnp.arange(pad, dtype=jnp.int32) % (NPAD - N))
    paddst = jnp.arange(pad, dtype=jnp.int32) % N
    srcp = src.reshape(nreal, CHUNK)
    dstp = dst.reshape(nreal, CHUNK)
    srcb = jnp.concatenate(
        [srcp[nreal - nbridge:], padsrc.reshape(-1, CHUNK)])
    dstb = jnp.concatenate(
        [dstp[nreal - nbridge:], paddst.reshape(-1, CHUNK)])

    spmm128 = _spmm_sc(128)
    W2p = jnp.pad(W2, ((0, 0), (0, 128 - W2.shape[1])))

    hw = _mm(features, W0)
    zp = spmm128(hw, dstp, srcp, dstb, srcb)
    hw = _fused_mm(zp, W1)
    zp = spmm128(hw, dstp, srcp, dstb, srcb)
    hw = _fused_mm(zp, W2p)
    zp = spmm128(hw, dstp, srcp, dstb, srcb)
    return _final(zp)

# --- scband reference (transcript-rebuilt; emitter-appended) ---
"""Pipeline reference for scband-tensplit-gat-26061861552525 (READ-ONLY COPY).

The authoritative reference and input builder live on the scoring server;
editing this copy changes nothing except your own understanding.
"""

import jax, jax.numpy as jnp
import numpy as np

N = 10000
E = 160000
IN_DIM = 256
HIDDEN = 128
NUM_CLASSES = 64


def setup_inputs(seed: int = 0) -> dict:
    key = jax.random.key(seed)
    k1, k2, k3, k4, k5 = jax.random.split(key, 5)
    features = jax.random.normal(k1, (N, IN_DIM), dtype=jnp.float32)
    edge_index = jax.random.randint(k2, (2, E), 0, N, dtype=jnp.int64)
    # weights match torch.rand init (uniform [0,1)) of the original module
    W0 = jax.random.uniform(k3, (IN_DIM, HIDDEN), dtype=jnp.float32)
    W1 = jax.random.uniform(k4, (HIDDEN, HIDDEN), dtype=jnp.float32)
    W2 = jax.random.uniform(k5, (HIDDEN, NUM_CLASSES), dtype=jnp.float32)
    return {"features": features, "edge_index": edge_index, "W0": W0, "W1": W1, "W2": W2}


def reference(features, edge_index, W0, W1, W2):
    # Single-device (world_size=1) semantics: split()/gather() are identity.
    # First forward pass: hidden_features is None, so attention is the raw
    # adjacency with all-ones values (no softmax, attention weights unused).
    # spmm(A, X): out[row] += X[col] for each edge (row, col).
    src = edge_index[0]
    dst = edge_index[1]
    h = features
    for W in (W0, W1, W2):
        hw = jnp.dot(h, W)  # DistNNLayer: mm
        z = jnp.zeros_like(hw).at[src].add(jnp.take(hw, dst, axis=0))  # DistGraphLayer: spmm
        h = jax.nn.elu(z)
    return jax.nn.log_softmax(h, axis=1)

if __name__ == "__main__":
    import jax
    _d = setup_inputs()
    print(jax.jit(kernel)(*tuple(_d.values())))

</pallas_src>

<mosaic_0001>
#map = affine_map<(d0, d1) -> (0, 0)>
#map1 = affine_map<(d0, d1) -> (0, 0, 0)>
module attributes {stable_mosaic.version = 14 : i64} {
  func.func @spmm(%arg0: i32, %arg1: i32, %arg2: memref<10000x128xf32, #tpu.memory_space<hbm>>, %arg3: memref<1250x128xi32, #tpu.memory_space<hbm>>, %arg4: memref<1250x128xi32, #tpu.memory_space<hbm>>, %arg5: memref<40x128xi32, #tpu.memory_space<hbm>>, %arg6: memref<40x128xi32, #tpu.memory_space<hbm>>, %arg7: memref<2x10240x128xf32, #tpu.memory_space<hbm>>, %arg8: memref<40x128xi32, #tpu.memory_space<vmem>>, %arg9: memref<40x128xi32, #tpu.memory_space<vmem>>, %arg10: memref<2x128x128xf32, #tpu.memory_space<vmem>>, %arg11: memref<10240x128xf32, #tpu.memory_space<vmem_shared>>, %arg12: memref<!tpu.dma_semaphore, #tpu.memory_space<semaphore_mem>>, %arg13: memref<!tpu.dma_semaphore, #tpu.memory_space<semaphore_mem>>) attributes {dimension_semantics = [#tpu.dimension_semantics<core_parallel>, #tpu.dimension_semantics<subcore_parallel>], iteration_bounds = array<i64: 2, 16>, scalar_prefetch = 0 : i64, scratch_operands = 6 : i64, tpu.core_type = #tpu.core_type<sc_vector_subcore>, window_params = [{transform_indices = #map}, {transform_indices = #map}, {transform_indices = #map}, {transform_indices = #map}, {transform_indices = #map}, {transform_indices = #map1}]} {
    %mul3A = arith.constant 16 : i32
    %mul3A_0 = arith.muli %arg0, %mul3A : i32
    %add3A = arith.addi %mul3A_0, %arg1 : i32
    %lt3A = arith.constant 31 : i32
    %lt3A_1 = arith.cmpi slt, %add3A, %lt3A : i32
    %convert_element_type3A = arith.extui %lt3A_1 : i1 to i32
    %cond3A = arith.constant 0 : i32
    %cond3A_2 = arith.cmpi ne, %convert_element_type3A, %cond3A : i32
    scf.if %cond3A_2 {
      %mul3A_69 = arith.constant 40 : i32
      %mul3A_70 = arith.muli %add3A, %mul3A_69 : i32
      "tpu.region"() ({
        %run_scoped3A_73 = tpu.sem_alloc : memref<!tpu.dma_semaphore, #tpu.memory_space<semaphore_mem>>
        %dma_start3A_74 = arith.constant 0 : i32
        %dma_start3A_75 = tpu.memref_slice %arg3[%mul3A_70, %dma_start3A_74] : memref<1250x128xi32, #tpu.memory_space<hbm>> -> memref<40x128xi32, #tpu.memory_space<hbm>>
        %dma_start3A_76 = arith.constant 0 : i32
        %dma_start3A_77 = tpu.memref_slice %arg3[%mul3A_70, %dma_start3A_76] : memref<1250x128xi32, #tpu.memory_space<hbm>> -> memref<40x128xi32, #tpu.memory_space<hbm>>
        tpu.enqueue_dma source(%dma_start3A_77 : memref<40x128xi32, #tpu.memory_space<hbm>>) target(%arg8 : memref<40x128xi32, #tpu.memory_space<vmem>>) target_semaphore(%run_scoped3A_73 : memref<!tpu.dma_semaphore, #tpu.memory_space<semaphore_mem>>)
        %dma_wait3A = arith.constant 0 : i32
        %dma_wait3A_78 = tpu.memref_slice %arg3[%mul3A_70, %dma_wait3A] : memref<1250x128xi32, #tpu.memory_space<hbm>> -> memref<40x128xi32, #tpu.memory_space<hbm>>
        %dma_wait3A_79 = arith.constant 0 : i32
        %dma_wait3A_80 = tpu.memref_slice %arg3[%mul3A_70, %dma_wait3A_79] : memref<1250x128xi32, #tpu.memory_space<hbm>> -> memref<40x128xi32, #tpu.memory_space<hbm>>
        tpu.wait_dma2 semaphore(%run_scoped3A_73 : memref<!tpu.dma_semaphore, #tpu.memory_space<semaphore_mem>>) src(%dma_wait3A_80 : memref<40x128xi32, #tpu.memory_space<hbm>>) dst(%arg8 : memref<40x128xi32, #tpu.memory_space<vmem>>)
        tpu.yield
      }) : () -> ()
      %mul3A_71 = arith.constant 40 : i32
      %mul3A_72 = arith.muli %add3A, %mul3A_71 : i32
      "tpu.region"() ({
        %run_scoped3A_73 = tpu.sem_alloc : memref<!tpu.dma_semaphore, #tpu.memory_space<semaphore_mem>>
        %dma_start3A_74 = arith.constant 0 : i32
        %dma_start3A_75 = tpu.memref_slice %arg4[%mul3A_72, %dma_start3A_74] : memref<1250x128xi32, #tpu.memory_space<hbm>> -> memref<40x128xi32, #tpu.memory_space<hbm>>
        %dma_start3A_76 = arith.constant 0 : i32
        %dma_start3A_77 = tpu.memref_slice %arg4[%mul3A_72, %dma_start3A_76] : memref<1250x128xi32, #tpu.memory_space<hbm>> -> memref<40x128xi32, #tpu.memory_space<hbm>>
        tpu.enqueue_dma source(%dma_start3A_77 : memref<40x128xi32, #tpu.memory_space<hbm>>) target(%arg9 : memref<40x128xi32, #tpu.memory_space<vmem>>) target_semaphore(%run_scoped3A_73 : memref<!tpu.dma_semaphore, #tpu.memory_space<semaphore_mem>>)
        %dma_wait3A = arith.constant 0 : i32
        %dma_wait3A_78 = tpu.memref_slice %arg4[%mul3A_72, %dma_wait3A] : memref<1250x128xi32, #tpu.memory_space<hbm>> -> memref<40x128xi32, #tpu.memory_space<hbm>>
        %dma_wait3A_79 = arith.constant 0 : i32
        %dma_wait3A_80 = tpu.memref_slice %arg4[%mul3A_72, %dma_wait3A_79] : memref<1250x128xi32, #tpu.memory_space<hbm>> -> memref<40x128xi32, #tpu.memory_space<hbm>>
        tpu.wait_dma2 semaphore(%run_scoped3A_73 : memref<!tpu.dma_semaphore, #tpu.memory_space<semaphore_mem>>) src(%dma_wait3A_80 : memref<40x128xi32, #tpu.memory_space<hbm>>) dst(%arg9 : memref<40x128xi32, #tpu.memory_space<vmem>>)
        tpu.yield
      }) : () -> ()
    } else {
    }
    %eq3A = arith.constant 31 : i32
    %eq3A_3 = arith.cmpi eq, %add3A, %eq3A : i32
    %convert_element_type3A_4 = arith.extui %eq3A_3 : i1 to i32
    %cond3A_5 = arith.constant 0 : i32
    %cond3A_6 = arith.cmpi ne, %convert_element_type3A_4, %cond3A_5 : i32
    scf.if %cond3A_6 {
      "tpu.region"() ({
        %run_scoped3A_69 = tpu.sem_alloc : memref<!tpu.dma_semaphore, #tpu.memory_space<semaphore_mem>>
        tpu.enqueue_dma source(%arg5 : memref<40x128xi32, #tpu.memory_space<hbm>>) target(%arg8 : memref<40x128xi32, #tpu.memory_space<vmem>>) target_semaphore(%run_scoped3A_69 : memref<!tpu.dma_semaphore, #tpu.memory_space<semaphore_mem>>)
        tpu.wait_dma2 semaphore(%run_scoped3A_69 : memref<!tpu.dma_semaphore, #tpu.memory_space<semaphore_mem>>) src(%arg5 : memref<40x128xi32, #tpu.memory_space<hbm>>) dst(%arg8 : memref<40x128xi32, #tpu.memory_space<vmem>>)
        tpu.yield
      }) : () -> ()
      "tpu.region"() ({
        %run_scoped3A_69 = tpu.sem_alloc : memref<!tpu.dma_semaphore, #tpu.memory_space<semaphore_mem>>
        tpu.enqueue_dma source(%arg6 : memref<40x128xi32, #tpu.memory_space<hbm>>) target(%arg9 : memref<40x128xi32, #tpu.memory_space<vmem>>) target_semaphore(%run_scoped3A_69 : memref<!tpu.dma_semaphore, #tpu.memory_space<semaphore_mem>>)
        tpu.wait_dma2 semaphore(%run_scoped3A_69 : memref<!tpu.dma_semaphore, #tpu.memory_space<semaphore_mem>>) src(%arg6 : memref<40x128xi32, #tpu.memory_space<hbm>>) dst(%arg9 : memref<40x128xi32, #tpu.memory_space<vmem>>)
        tpu.yield
      }) : () -> ()
    } else {
    }
    %dma_start3A = arith.constant 0 : i32
    %dma_start3A_7 = arith.constant 0 : i32
    %dma_start3A_8 = arith.constant 0 : i32
    %dma_start3A_9 = arith.constant 0 : i32
    %dma_start3A_10 = tpu.memref_slice %arg10[%dma_start3A_7, %dma_start3A_8, %dma_start3A_9] : memref<2x128x128xf32, #tpu.memory_space<vmem>> -> memref<1x128x128xf32, #tpu.memory_space<vmem>>
    %dma_start3A_11 = tpu.memref_squeeze %dma_start3A_10 : memref<1x128x128xf32, #tpu.memory_space<vmem>> -> memref<128x128xf32, #tpu.memory_space<vmem>>
    %dma_start3A_12 = arith.constant 0 : i32
    %dma_start3A_13 = tpu.memref_slice %arg8[%dma_start3A, %dma_start3A_12] : memref<40x128xi32, #tpu.memory_space<vmem>> -> memref<1x128xi32, #tpu.memory_space<vmem>>
    %dma_start3A_14 = tpu.memref_squeeze %dma_start3A_13 : memref<1x128xi32, #tpu.memory_space<vmem>> -> memref<128xi32, #tpu.memory_space<vmem>>
    %dma_start3A_15 = arith.constant 0 : i32
    %dma_start3A_16 = arith.constant 0 : i32
    %dma_start3A_17 = tpu.memref_slice %arg2[%dma_start3A_15, %dma_start3A_16] : memref<10000x128xf32, #tpu.memory_space<hbm>> -> memref<10000x128xf32, #tpu.memory_space<hbm>>
    tpu.enqueue_indirect_dma source(%dma_start3A_17 : memref<10000x128xf32, #tpu.memory_space<hbm>>) target(%dma_start3A_11 : memref<128x128xf32, #tpu.memory_space<vmem>>) offsets(%dma_start3A_14 : memref<128xi32, #tpu.memory_space<vmem>>) semaphore(%arg12 : memref<!tpu.dma_semaphore, #tpu.memory_space<semaphore_mem>>)
    %broadcast_in_dim3A = arith.constant 0.000000e+00 : f32
    %broadcast_in_dim3A_18 = vector.broadcast %broadcast_in_dim3A : f32 to vector<16xf32>
    %scan3A = arith.constant 0 : i32
    %scan3A_19 = arith.constant 0 : i32
    %scan3A_20 = arith.constant 128 : i32
    %scan3A_21 = arith.addi %scan3A_19, %scan3A_20 : i32
    %scan3A_22 = arith.constant 1 : i32
    scf.for %scan3A_69 = %scan3A_19 to %scan3A_21 step %scan3A_22  : i32 {
      %swap3A = arith.constant 1 : i32
      %swap3A_70 = arith.index_cast %swap3A : i32 to index
      %swap3A_71 = arith.index_cast %scan3A_69 : i32 to index
      %swap3A_72 = arith.constant 0 : index
      %swap3A_73 = tpu.vector_load %arg10[%swap3A_70, %swap3A_71, %swap3A_72] {strides = array<i32>} : memref<2x128x128xf32, #tpu.memory_space<vmem>>, vector<1x1x16xf32>,
      %swap3A_74 = vector.shape_cast %swap3A_73 : vector<1x1x16xf32> to vector<16xf32>
      %swap3A_75 = vector.shape_cast %broadcast_in_dim3A_18 : vector<16xf32> to vector<1x1x16xf32>
      tpu.vector_store %arg10[%swap3A_70, %swap3A_71, %swap3A_72], %swap3A_75 {strides = array<i32>} : memref<2x128x128xf32, #tpu.memory_space<vmem>>, vector<1x1x16xf32>,
      %swap3A_76 = arith.constant 1 : i32
      %swap3A_77 = arith.index_cast %swap3A_76 : i32 to index
      %swap3A_78 = arith.index_cast %scan3A_69 : i32 to index
      %swap3A_79 = arith.constant 16 : index
      %swap3A_80 = tpu.vector_load %arg10[%swap3A_77, %swap3A_78, %swap3A_79] {strides = array<i32>} : memref<2x128x128xf32, #tpu.memory_space<vmem>>, vector<1x1x16xf32>,
      %swap3A_81 = vector.shape_cast %swap3A_80 : vector<1x1x16xf32> to vector<16xf32>
      %swap3A_82 = vector.shape_cast %broadcast_in_dim3A_18 : vector<16xf32> to vector<1x1x16xf32>
      tpu.vector_store %arg10[%swap3A_77, %swap3A_78, %swap3A_79], %swap3A_82 {strides = array<i32>} : memref<2x128x128xf32, #tpu.memory_space<vmem>>, vector<1x1x16xf32>,
      %swap3A_83 = arith.constant 1 : i32
      %swap3A_84 = arith.index_cast %swap3A_83 : i32 to index
      %swap3A_85 = arith.index_cast %scan3A_69 : i32 to index
      %swap3A_86 = arith.constant 32 : index
      %swap3A_87 = tpu.vector_load %arg10[%swap3A_84, %swap3A_85, %swap3A_86] {strides = array<i32>} : memref<2x128x128xf32, #tpu.memory_space<vmem>>, vector<1x1x16xf32>,
      %swap3A_88 = vector.shape_cast %swap3A_87 : vector<1x1x16xf32> to vector<16xf32>
      %swap3A_89 = vector.shape_cast %broadcast_in_dim3A_18 : vector<16xf32> to vector<1x1x16xf32>
      tpu.vector_store %arg10[%swap3A_84, %swap3A_85, %swap3A_86], %swap3A_89 {strides = array<i32>} : memref<2x128x128xf32, #tpu.memory_space<vmem>>, vector<1x1x16xf32>,
      %swap3A_90 = arith.constant 1 : i32
      %swap3A_91 = arith.index_cast %swap3A_90 : i32 to index
      %swap3A_92 = arith.index_cast %scan3A_69 : i32 to index
      %swap3A_93 = arith.constant 48 : index
      %swap3A_94 = tpu.vector_load %arg10[%swap3A_91, %swap3A_92, %swap3A_93] {strides = array<i32>} : memref<2x128x128xf32, #tpu.memory_space<vmem>>, vector<1x1x16xf32>,
      %swap3A_95 = vector.shape_cast %swap3A_94 : vector<1x1x16xf32> to vector<16xf32>
      %swap3A_96 = vector.shape_cast %broadcast_in_dim3A_18 : vector<16xf32> to vector<1x1x16xf32>
      tpu.vector_store %arg10[%swap3A_91, %swap3A_92, %swap3A_93], %swap3A_96 {strides = array<i32>} : memref<2x128x128xf32, #tpu.memory_space<vmem>>, vector<1x1x16xf32>,
      %swap3A_97 = arith.constant 1 : i32
      %swap3A_98 = arith.index_cast %swap3A_97 : i32 to index
      %swap3A_99 = arith.index_cast %scan3A_69 : i32 to index
      %swap3A_100 = arith.constant 64 : index
      %swap3A_101 = tpu.vector_load %arg10[%swap3A_98, %swap3A_99, %swap3A_100] {strides = array<i32>} : memref<2x128x128xf32, #tpu.memory_space<vmem>>, vector<1x1x16xf32>,
      %swap3A_102 = vector.shape_cast %swap3A_101 : vector<1x1x16xf32> to vector<16xf32>
      %swap3A_103 = vector.shape_cast %broadcast_in_dim3A_18 : vector<16xf32> to vector<1x1x16xf32>
      tpu.vector_store %arg10[%swap3A_98, %swap3A_99, %swap3A_100], %swap3A_103 {strides = array<i32>} : memref<2x128x128xf32, #tpu.memory_space<vmem>>, vector<1x1x16xf32>,
      %swap3A_104 = arith.constant 1 : i32
      %swap3A_105 = arith.index_cast %swap3A_104 : i32 to index
      %swap3A_106 = arith.index_cast %scan3A_69 : i32 to index
      %swap3A_107 = arith.constant 80 : index
      %swap3A_108 = tpu.vector_load %arg10[%swap3A_105, %swap3A_106, %swap3A_107] {strides = array<i32>} : memref<2x128x128xf32, #tpu.memory_space<vmem>>, vector<1x1x16xf32>,
      %swap3A_109 = vector.shape_cast %swap3A_108 : vector<1x1x16xf32> to vector<16xf32>
      %swap3A_110 = vector.shape_cast %broadcast_in_dim3A_18 : vector<16xf32> to vector<1x1x16xf32>
      tpu.vector_store %arg10[%swap3A_105, %swap3A_106, %swap3A_107], %swap3A_110 {strides = array<i32>} : memref<2x128x128xf32, #tpu.memory_space<vmem>>, vector<1x1x16xf32>,
      %swap3A_111 = arith.constant 1 : i32
      %swap3A_112 = arith.index_cast %swap3A_111 : i32 to index
      %swap3A_113 = arith.index_cast %scan3A_69 : i32 to index
      %swap3A_114 = arith.constant 96 : index
      %swap3A_115 = tpu.vector_load %arg10[%swap3A_112, %swap3A_113, %swap3A_114] {strides = array<i32>} : memref<2x128x128xf32, #tpu.memory_space<vmem>>, vector<1x1x16xf32>,
      %swap3A_116 = vector.shape_cast %swap3A_115 : vector<1x1x16xf32> to vector<16xf32>
      %swap3A_117 = vector.shape_cast %broadcast_in_dim3A_18 : vector<16xf32> to vector<1x1x16xf32>
      tpu.vector_store %arg10[%swap3A_112, %swap3A_113, %swap3A_114], %swap3A_117 {strides = array<i32>} : memref<2x128x128xf32, #tpu.memory_space<vmem>>, vector<1x1x16xf32>,
      %swap3A_118 = arith.constant 1 : i32
      %swap3A_119 = arith.index_cast %swap3A_118 : i32 to index
      %swap3A_120 = arith.index_cast %scan3A_69 : i32 to index
      %swap3A_121 = arith.constant 112 : index
      %swap3A_122 = tpu.vector_load %arg10[%swap3A_119, %swap3A_120, %swap3A_121] {strides = array<i32>} : memref<2x128x128xf32, #tpu.memory_space<vmem>>, vector<1x1x16xf32>,
      %swap3A_123 = vector.shape_cast %swap3A_122 : vector<1x1x16xf32> to vector<16xf32>
      %swap3A_124 = vector.shape_cast %broadcast_in_dim3A_18 : vector<16xf32> to vector<1x1x16xf32>
      tpu.vector_store %arg10[%swap3A_119, %swap3A_120, %swap3A_121], %swap3A_124 {strides = array<i32>} : memref<2x128x128xf32, #tpu.memory_space<vmem>>, vector<1x1x16xf32>,
    }
    %scan3A_23 = arith.constant 128 : i32
    %mul3A_24 = arith.constant 5 : i32
    %mul3A_25 = arith.muli %arg1, %mul3A_24 : i32
    %add3A_26 = arith.constant 0 : i32
    %add3A_27 = arith.addi %mul3A_25, %add3A_26 : i32
    %mul3A_28 = arith.constant 128 : i32
    %mul3A_29 = arith.muli %add3A_27, %mul3A_28 : i32
    %run_scoped3A = arith.constant 1 : i32
    "tpu.region"() ({
      %run_scoped3A_69 = tpu.sem_alloc : memref<!tpu.dma_semaphore, #tpu.memory_space<semaphore_mem>>
      %dma_start3A_70 = arith.constant 0 : i32
      %dma_start3A_71 = arith.constant 0 : i32
      %dma_start3A_72 = tpu.memref_slice %arg10[%run_scoped3A, %dma_start3A_70, %dma_start3A_71] : memref<2x128x128xf32, #tpu.memory_space<vmem>> -> memref<1x128x128xf32, #tpu.memory_space<vmem>>
      %dma_start3A_73 = tpu.memref_squeeze %dma_start3A_72 : memref<1x128x128xf32, #tpu.memory_space<vmem>> -> memref<128x128xf32, #tpu.memory_space<vmem>>
      %dma_start3A_74 = arith.constant 0 : i32
      %dma_start3A_75 = tpu.memref_slice %arg11[%mul3A_29, %dma_start3A_74] : memref<10240x128xf32, #tpu.memory_space<vmem_shared>> -> memref<128x128xf32, #tpu.memory_space<vmem_shared>>
      %dma_start3A_76 = arith.constant 0 : i32
      %dma_start3A_77 = tpu.memref_slice %arg11[%mul3A_29, %dma_start3A_76] : memref<10240x128xf32, #tpu.memory_space<vmem_shared>> -> memref<128x128xf32, #tpu.memory_space<vmem_shared>>
      %dma_start3A_78 = arith.constant 0 : i32
      %dma_start3A_79 = arith.constant 0 : i32
      %dma_start3A_80 = tpu.memref_slice %arg10[%run_scoped3A, %dma_start3A_78, %dma_start3A_79] : memref<2x128x128xf32, #tpu.memory_space<vmem>> -> memref<1x128x128xf32, #tpu.memory_space<vmem>>
      %dma_start3A_81 = tpu.memref_squeeze %dma_start3A_80 : memref<1x128x128xf32, #tpu.memory_space<vmem>> -> memref<128x128xf32, #tpu.memory_space<vmem>>
      tpu.enqueue_dma source(%dma_start3A_81 : memref<128x128xf32, #tpu.memory_space<vmem>>) target(%dma_start3A_77 : memref<128x128xf32, #tpu.memory_space<vmem_shared>>) target_semaphore(%run_scoped3A_69 : memref<!tpu.dma_semaphore, #tpu.memory_space<semaphore_mem>>)
      %dma_wait3A = arith.constant 0 : i32
      %dma_wait3A_82 = arith.constant 0 : i32
      %dma_wait3A_83 = tpu.memref_slice %arg10[%run_scoped3A, %dma_wait3A, %dma_wait3A_82] : memref<2x128x128xf32, #tpu.memory_space<vmem>> -> memref<1x128x128xf32, #tpu.memory_space<vmem>>
      %dma_wait3A_84 = tpu.memref_squeeze %dma_wait3A_83 : memref<1x128x128xf32, #tpu.memory_space<vmem>> -> memref<128x128xf32, #tpu.memory_space<vmem>>
      %dma_wait3A_85 = arith.constant 0 : i32
      %dma_wait3A_86 = tpu.memref_slice %arg11[%mul3A_29, %dma_wait3A_85] : memref<10240x128xf32, #tpu.memory_space<vmem_shared>> -> memref<128x128xf32, #tpu.memory_space<vmem_shared>>
      %dma_wait3A_87 = arith.constant 0 : i32
      %dma_wait3A_88 = tpu.memref_slice %arg11[%mul3A_29, %dma_wait3A_87] : memref<10240x128xf32, #tpu.memory_space<vmem_shared>> -> memref<128x128xf32, #tpu.memory_space<vmem_shared>>
      %dma_wait3A_89 = arith.constant 0 : i32
      %dma_wait3A_90 = arith.constant 0 : i32
      %dma_wait3A_91 = tpu.memref_slice %arg10[%run_scoped3A, %dma_wait3A_89, %dma_wait3A_90] : memref<2x128x128xf32, #tpu.memory_space<vmem>> -> memref<1x128x128xf32, #tpu.memory_space<vmem>>
      %dma_wait3A_92 = tpu.memref_squeeze %dma_wait3A_91 : memref<1x128x128xf32, #tpu.memory_space<vmem>> -> memref<128x128xf32, #tpu.memory_space<vmem>>
      tpu.wait_dma2 semaphore(%run_scoped3A_69 : memref<!tpu.dma_semaphore, #tpu.memory_space<semaphore_mem>>) src(%dma_wait3A_92 : memref<128x128xf32, #tpu.memory_space<vmem>>) dst(%dma_wait3A_88 : memref<128x128xf32, #tpu.memory_space<vmem_shared>>)
      tpu.yield
    }) : () -> ()
    %mul3A_30 = arith.constant 5 : i32
    %mul3A_31 = arith.muli %arg1, %mul3A_30 : i32
    %add3A_32 = arith.constant 1 : i32
    %add3A_33 = arith.addi %mul3A_31, %add3A_32 : i32
    %mul3A_34 = arith.constant 128 : i32
    %mul3A_35 = arith.muli %add3A_33, %mul3A_34 : i32
    %run_scoped3A_36 = arith.constant 1 : i32
    "tpu.region"() ({
      %run_scoped3A_69 = tpu.sem_alloc : memref<!tpu.dma_semaphore, #tpu.memory_space<semaphore_mem>>
      %dma_start3A_70 = arith.constant 0 : i32
      %dma_start3A_71 = arith.constant 0 : i32
      %dma_start3A_72 = tpu.memref_slice %arg10[%run_scoped3A_36, %dma_start3A_70, %dma_start3A_71] : memref<2x128x128xf32, #tpu.memory_space<vmem>> -> memref<1x128x128xf32, #tpu.memory_space<vmem>>
      %dma_start3A_73 = tpu.memref_squeeze %dma_start3A_72 : memref<1x128x128xf32, #tpu.memory_space<vmem>> -> memref<128x128xf32, #tpu.memory_space<vmem>>
      %dma_start3A_74 = arith.constant 0 : i32
      %dma_start3A_75 = tpu.memref_slice %arg11[%mul3A_35, %dma_start3A_74] : memref<10240x128xf32, #tpu.memory_space<vmem_shared>> -> memref<128x128xf32, #tpu.memory_space<vmem_shared>>
      %dma_start3A_76 = arith.constant 0 : i32
      %dma_start3A_77 = tpu.memref_slice %arg11[%mul3A_35, %dma_start3A_76] : memref<10240x128xf32, #tpu.memory_space<vmem_shared>> -> memref<128x128xf32, #tpu.memory_space<vmem_shared>>
      %dma_start3A_78 = arith.constant 0 : i32
      %dma_start3A_79 = arith.constant 0 : i32
      %dma_start3A_80 = tpu.memref_slice %arg10[%run_scoped3A_36, %dma_start3A_78, %dma_start3A_79] : memref<2x128x128xf32, #tpu.memory_space<vmem>> -> memref<1x128x128xf32, #tpu.memory_space<vmem>>
      %dma_start3A_81 = tpu.memref_squeeze %dma_start3A_80 : memref<1x128x128xf32, #tpu.memory_space<vmem>> -> memref<128x128xf32, #tpu.memory_space<vmem>>
      tpu.enqueue_dma source(%dma_start3A_81 : memref<128x128xf32, #tpu.memory_space<vmem>>) target(%dma_start3A_77 : memref<128x128xf32, #tpu.memory_space<vmem_shared>>) target_semaphore(%run_scoped3A_69 : memref<!tpu.dma_semaphore, #tpu.memory_space<semaphore_mem>>)
      %dma_wait3A = arith.constant 0 : i32
      %dma_wait3A_82 = arith.constant 0 : i32
      %dma_wait3A_83 = tpu.memref_slice %arg10[%run_scoped3A_36, %dma_wait3A, %dma_wait3A_82] : memref<2x128x128xf32, #tpu.memory_space<vmem>> -> memref<1x128x128xf32, #tpu.memory_space<vmem>>
      %dma_wait3A_84 = tpu.memref_squeeze %dma_wait3A_83 : memref<1x128x128xf32, #tpu.memory_space<vmem>> -> memref<128x128xf32, #tpu.memory_space<vmem>>
      %dma_wait3A_85 = arith.constant 0 : i32
      %dma_wait3A_86 = tpu.memref_slice %arg11[%mul3A_35, %dma_wait3A_85] : memref<10240x128xf32, #tpu.memory_space<vmem_shared>> -> memref<128x128xf32, #tpu.memory_space<vmem_shared>>
      %dma_wait3A_87 = arith.constant 0 : i32
      %dma_wait3A_88 = tpu.memref_slice %arg11[%mul3A_35, %dma_wait3A_87] : memref<10240x128xf32, #tpu.memory_space<vmem_shared>> -> memref<128x128xf32, #tpu.memory_space<vmem_shared>>
      %dma_wait3A_89 = arith.constant 0 : i32
      %dma_wait3A_90 = arith.constant 0 : i32
      %dma_wait3A_91 = tpu.memref_slice %arg10[%run_scoped3A_36, %dma_wait3A_89, %dma_wait3A_90] : memref<2x128x128xf32, #tpu.memory_space<vmem>> -> memref<1x128x128xf32, #tpu.memory_space<vmem>>
      %dma_wait3A_92 = tpu.memref_squeeze %dma_wait3A_91 : memref<1x128x128xf32, #tpu.memory_space<vmem>> -> memref<128x128xf32, #tpu.memory_space<vmem>>
      tpu.wait_dma2 semaphore(%run_scoped3A_69 : memref<!tpu.dma_semaphore, #tpu.memory_space<semaphore_mem>>) src(%dma_wait3A_92 : memref<128x128xf32, #tpu.memory_space<vmem>>) dst(%dma_wait3A_88 : memref<128x128xf32, #tpu.memory_space<vmem_shared>>)
      tpu.yield
    }) : () -> ()
    %mul3A_37 = arith.constant 5 : i32
    %mul3A_38 = arith.muli %arg1, %mul3A_37 : i32
    %add3A_39 = arith.constant 2 : i32
    %add3A_40 = arith.addi %mul3A_38, %add3A_39 : i32
    %mul3A_41 = arith.constant 128 : i32
    %mul3A_42 = arith.muli %add3A_40, %mul3A_41 : i32
    %run_scoped3A_43 = arith.constant 1 : i32
    "tpu.region"() ({
      %run_scoped3A_69 = tpu.sem_alloc : memref<!tpu.dma_semaphore, #tpu.memory_space<semaphore_mem>>
      %dma_start3A_70 = arith.constant 0 : i32
      %dma_start3A_71 = arith.constant 0 : i32
      %dma_start3A_72 = tpu.memref_slice %arg10[%run_scoped3A_43, %dma_start3A_70, %dma_start3A_71] : memref<2x128x128xf32, #tpu.memory_space<vmem>> -> memref<1x128x128xf32, #tpu.memory_space<vmem>>
      %dma_start3A_73 = tpu.memref_squeeze %dma_start3A_72 : memref<1x128x128xf32, #tpu.memory_space<vmem>> -> memref<128x128xf32, #tpu.memory_space<vmem>>
      %dma_start3A_74 = arith.constant 0 : i32
      %dma_start3A_75 = tpu.memref_slice %arg11[%mul3A_42, %dma_start3A_74] : memref<10240x128xf32, #tpu.memory_space<vmem_shared>> -> memref<128x128xf32, #tpu.memory_space<vmem_shared>>
      %dma_start3A_76 = arith.constant 0 : i32
      %dma_start3A_77 = tpu.memref_slice %arg11[%mul3A_42, %dma_start3A_76] : memref<10240x128xf32, #tpu.memory_space<vmem_shared>> -> memref<128x128xf32, #tpu.memory_space<vmem_shared>>
      %dma_start3A_78 = arith.constant 0 : i32
      %dma_start3A_79 = arith.constant 0 : i32
      %dma_start3A_80 = tpu.memref_slice %arg10[%run_scoped3A_43, %dma_start3A_78, %dma_start3A_79] : memref<2x128x128xf32, #tpu.memory_space<vmem>> -> memref<1x128x128xf32, #tpu.memory_space<vmem>>
      %dma_start3A_81 = tpu.memref_squeeze %dma_start3A_80 : memref<1x128x128xf32, #tpu.memory_space<vmem>> -> memref<128x128xf32, #tpu.memory_space<vmem>>
      tpu.enqueue_dma source(%dma_start3A_81 : memref<128x128xf32, #tpu.memory_space<vmem>>) target(%dma_start3A_77 : memref<128x128xf32, #tpu.memory_space<vmem_shared>>) target_semaphore(%run_scoped3A_69 : memref<!tpu.dma_semaphore, #tpu.memory_space<semaphore_mem>>)
      %dma_wait3A = arith.constant 0 : i32
      %dma_wait3A_82 = arith.constant 0 : i32
      %dma_wait3A_83 = tpu.memref_slice %arg10[%run_scoped3A_43, %dma_wait3A, %dma_wait3A_82] : memref<2x128x128xf32, #tpu.memory_space<vmem>> -> memref<1x128x128xf32, #tpu.memory_space<vmem>>
      %dma_wait3A_84 = tpu.memref_squeeze %dma_wait3A_83 : memref<1x128x128xf32, #tpu.memory_space<vmem>> -> memref<128x128xf32, #tpu.memory_space<vmem>>
      %dma_wait3A_85 = arith.constant 0 : i32
      %dma_wait3A_86 = tpu.memref_slice %arg11[%mul3A_42, %dma_wait3A_85] : memref<10240x128xf32, #tpu.memory_space<vmem_shared>> -> memref<128x128xf32, #tpu.memory_space<vmem_shared>>
      %dma_wait3A_87 = arith.constant 0 : i32
      %dma_wait3A_88 = tpu.memref_slice %arg11[%mul3A_42, %dma_wait3A_87] : memref<10240x128xf32, #tpu.memory_space<vmem_shared>> -> memref<128x128xf32, #tpu.memory_space<vmem_shared>>
      %dma_wait3A_89 = arith.constant 0 : i32
      %dma_wait3A_90 = arith.constant 0 : i32
      %dma_wait3A_91 = tpu.memref_slice %arg10[%run_scoped3A_43, %dma_wait3A_89, %dma_wait3A_90] : memref<2x128x128xf32, #tpu.memory_space<vmem>> -> memref<1x128x128xf32, #tpu.memory_space<vmem>>
      %dma_wait3A_92 = tpu.memref_squeeze %dma_wait3A_91 : memref<1x128x128xf32, #tpu.memory_space<vmem>> -> memref<128x128xf32, #tpu.memory_space<vmem>>
      tpu.wait_dma2 semaphore(%run_scoped3A_69 : memref<!tpu.dma_semaphore, #tpu.memory_space<semaphore_mem>>) src(%dma_wait3A_92 : memref<128x128xf32, #tpu.memory_space<vmem>>) dst(%dma_wait3A_88 : memref<128x128xf32, #tpu.memory_space<vmem_shared>>)
      tpu.yield
    }) : () -> ()
    %mul3A_44 = arith.constant 5 : i32
    %mul3A_45 = arith.muli %arg1, %mul3A_44 : i32
    %add3A_46 = arith.constant 3 : i32
    %add3A_47 = arith.addi %mul3A_45, %add3A_46 : i32
    %mul3A_48 = arith.constant 128 : i32
    %mul3A_49 = arith.muli %add3A_47, %mul3A_48 : i32
    %run_scoped3A_50 = arith.constant 1 : i32
    "tpu.region"() ({
      %run_scoped3A_69 = tpu.sem_alloc : memref<!tpu.dma_semaphore, #tpu.memory_space<semaphore_mem>>
      %dma_start3A_70 = arith.constant 0 : i32
      %dma_start3A_71 = arith.constant 0 : i32
      %dma_start3A_72 = tpu.memref_slice %arg10[%run_scoped3A_50, %dma_start3A_70, %dma_start3A_71] : memref<2x128x128xf32, #tpu.memory_space<vmem>> -> memref<1x128x128xf32, #tpu.memory_space<vmem>>
      %dma_start3A_73 = tpu.memref_squeeze %dma_start3A_72 : memref<1x128x128xf32, #tpu.memory_space<vmem>> -> memref<128x128xf32, #tpu.memory_space<vmem>>
      %dma_start3A_74 = arith.constant 0 : i32
      %dma_start3A_75 = tpu.memref_slice %arg11[%mul3A_49, %dma_start3A_74] : memref<10240x128xf32, #tpu.memory_space<vmem_shared>> -> memref<128x128xf32, #tpu.memory_space<vmem_shared>>
      %dma_start3A_76 = arith.constant 0 : i32
      %dma_start3A_77 = tpu.memref_slice %arg11[%mul3A_49, %dma_start3A_76] : memref<10240x128xf32, #tpu.memory_space<vmem_shared>> -> memref<128x128xf32, #tpu.memory_space<vmem_shared>>
      %dma_start3A_78 = arith.constant 0 : i32
      %dma_start3A_79 = arith.constant 0 : i32
      %dma_start3A_80 = tpu.memref_slice %arg10[%run_scoped3A_50, %dma_start3A_78, %dma_start3A_79] : memref<2x128x128xf32, #tpu.memory_space<vmem>> -> memref<1x128x128xf32, #tpu.memory_space<vmem>>
      %dma_start3A_81 = tpu.memref_squeeze %dma_start3A_80 : memref<1x128x128xf32, #tpu.memory_space<vmem>> -> memref<128x128xf32, #tpu.memory_space<vmem>>
      tpu.enqueue_dma source(%dma_start3A_81 : memref<128x128xf32, #tpu.memory_space<vmem>>) target(%dma_start3A_77 : memref<128x128xf32, #tpu.memory_space<vmem_shared>>) target_semaphore(%run_scoped3A_69 : memref<!tpu.dma_semaphore, #tpu.memory_space<semaphore_mem>>)
      %dma_wait3A = arith.constant 0 : i32
      %dma_wait3A_82 = arith.constant 0 : i32
      %dma_wait3A_83 = tpu.memref_slice %arg10[%run_scoped3A_50, %dma_wait3A, %dma_wait3A_82] : memref<2x128x128xf32, #tpu.memory_space<vmem>> -> memref<1x128x128xf32, #tpu.memory_space<vmem>>
      %dma_wait3A_84 = tpu.memref_squeeze %dma_wait3A_83 : memref<1x128x128xf32, #tpu.memory_space<vmem>> -> memref<128x128xf32, #tpu.memory_space<vmem>>
      %dma_wait3A_85 = arith.constant 0 : i32
      %dma_wait3A_86 = tpu.memref_slice %arg11[%mul3A_49, %dma_wait3A_85] : memref<10240x128xf32, #tpu.memory_space<vmem_shared>> -> memref<128x128xf32, #tpu.memory_space<vmem_shared>>
      %dma_wait3A_87 = arith.constant 0 : i32
      %dma_wait3A_88 = tpu.memref_slice %arg11[%mul3A_49, %dma_wait3A_87] : memref<10240x128xf32, #tpu.memory_space<vmem_shared>> -> memref<128x128xf32, #tpu.memory_space<vmem_shared>>
      %dma_wait3A_89 = arith.constant 0 : i32
      %dma_wait3A_90 = arith.constant 0 : i32
      %dma_wait3A_91 = tpu.memref_slice %arg10[%run_scoped3A_50, %dma_wait3A_89, %dma_wait3A_90] : memref<2x128x128xf32, #tpu.memory_space<vmem>> -> memref<1x128x128xf32, #tpu.memory_space<vmem>>
      %dma_wait3A_92 = tpu.memref_squeeze %dma_wait3A_91 : memref<1x128x128xf32, #tpu.memory_space<vmem>> -> memref<128x128xf32, #tpu.memory_space<vmem>>
      tpu.wait_dma2 semaphore(%run_scoped3A_69 : memref<!tpu.dma_semaphore, #tpu.memory_space<semaphore_mem>>) src(%dma_wait3A_92 : memref<128x128xf32, #tpu.memory_space<vmem>>) dst(%dma_wait3A_88 : memref<128x128xf32, #tpu.memory_space<vmem_shared>>)
      tpu.yield
    }) : () -> ()
    %mul3A_51 = arith.constant 5 : i32
    %mul3A_52 = arith.muli %arg1, %mul3A_51 : i32
    %add3A_53 = arith.constant 4 : i32
    %add3A_54 = arith.addi %mul3A_52, %add3A_53 : i32
    %mul3A_55 = arith.constant 128 : i32
    %mul3A_56 = arith.muli %add3A_54, %mul3A_55 : i32
    %run_scoped3A_57 = arith.constant 1 : i32
    "tpu.region"() ({
      %run_scoped3A_69 = tpu.sem_alloc : memref<!tpu.dma_semaphore, #tpu.memory_space<semaphore_mem>>
      %dma_start3A_70 = arith.constant 0 : i32
      %dma_start3A_71 = arith.constant 0 : i32
      %dma_start3A_72 = tpu.memref_slice %arg10[%run_scoped3A_57, %dma_start3A_70, %dma_start3A_71] : memref<2x128x128xf32, #tpu.memory_space<vmem>> -> memref<1x128x128xf32, #tpu.memory_space<vmem>>
      %dma_start3A_73 = tpu.memref_squeeze %dma_start3A_72 : memref<1x128x128xf32, #tpu.memory_space<vmem>> -> memref<128x128xf32, #tpu.memory_space<vmem>>
      %dma_start3A_74 = arith.constant 0 : i32
      %dma_start3A_75 = tpu.memref_slice %arg11[%mul3A_56, %dma_start3A_74] : memref<10240x128xf32, #tpu.memory_space<vmem_shared>> -> memref<128x128xf32, #tpu.memory_space<vmem_shared>>
      %dma_start3A_76 = arith.constant 0 : i32
      %dma_start3A_77 = tpu.memref_slice %arg11[%mul3A_56, %dma_start3A_76] : memref<10240x128xf32, #tpu.memory_space<vmem_shared>> -> memref<128x128xf32, #tpu.memory_space<vmem_shared>>
      %dma_start3A_78 = arith.constant 0 : i32
      %dma_start3A_79 = arith.constant 0 : i32
      %dma_start3A_80 = tpu.memref_slice %arg10[%run_scoped3A_57, %dma_start3A_78, %dma_start3A_79] : memref<2x128x128xf32, #tpu.memory_space<vmem>> -> memref<1x128x128xf32, #tpu.memory_space<vmem>>
      %dma_start3A_81 = tpu.memref_squeeze %dma_start3A_80 : memref<1x128x128xf32, #tpu.memory_space<vmem>> -> memref<128x128xf32, #tpu.memory_space<vmem>>
      tpu.enqueue_dma source(%dma_start3A_81 : memref<128x128xf32, #tpu.memory_space<vmem>>) target(%dma_start3A_77 : memref<128x128xf32, #tpu.memory_space<vmem_shared>>) target_semaphore(%run_scoped3A_69 : memref<!tpu.dma_semaphore, #tpu.memory_space<semaphore_mem>>)
      %dma_wait3A = arith.constant 0 : i32
      %dma_wait3A_82 = arith.constant 0 : i32
      %dma_wait3A_83 = tpu.memref_slice %arg10[%run_scoped3A_57, %dma_wait3A, %dma_wait3A_82] : memref<2x128x128xf32, #tpu.memory_space<vmem>> -> memref<1x128x128xf32, #tpu.memory_space<vmem>>
      %dma_wait3A_84 = tpu.memref_squeeze %dma_wait3A_83 : memref<1x128x128xf32, #tpu.memory_space<vmem>> -> memref<128x128xf32, #tpu.memory_space<vmem>>
      %dma_wait3A_85 = arith.constant 0 : i32
      %dma_wait3A_86 = tpu.memref_slice %arg11[%mul3A_56, %dma_wait3A_85] : memref<10240x128xf32, #tpu.memory_space<vmem_shared>> -> memref<128x128xf32, #tpu.memory_space<vmem_shared>>
      %dma_wait3A_87 = arith.constant 0 : i32
      %dma_wait3A_88 = tpu.memref_slice %arg11[%mul3A_56, %dma_wait3A_87] : memref<10240x128xf32, #tpu.memory_space<vmem_shared>> -> memref<128x128xf32, #tpu.memory_space<vmem_shared>>
      %dma_wait3A_89 = arith.constant 0 : i32
      %dma_wait3A_90 = arith.constant 0 : i32
      %dma_wait3A_91 = tpu.memref_slice %arg10[%run_scoped3A_57, %dma_wait3A_89, %dma_wait3A_90] : memref<2x128x128xf32, #tpu.memory_space<vmem>> -> memref<1x128x128xf32, #tpu.memory_space<vmem>>
      %dma_wait3A_92 = tpu.memref_squeeze %dma_wait3A_91 : memref<1x128x128xf32, #tpu.memory_space<vmem>> -> memref<128x128xf32, #tpu.memory_space<vmem>>
      tpu.wait_dma2 semaphore(%run_scoped3A_69 : memref<!tpu.dma_semaphore, #tpu.memory_space<semaphore_mem>>) src(%dma_wait3A_92 : memref<128x128xf32, #tpu.memory_space<vmem>>) dst(%dma_wait3A_88 : memref<128x128xf32, #tpu.memory_space<vmem_shared>>)
      tpu.yield
    }) : () -> ()
    %barrier3A = arith.constant 0 : index
    tpu.barrier barrier_id(%barrier3A)
    %scan3A_58 = arith.constant 0 : i32
    %scan3A_59 = arith.constant 0 : i32
    %scan3A_60 = arith.constant 20 : i32
    %scan3A_61 = arith.addi %scan3A_59, %scan3A_60 : i32
    %scan3A_62 = arith.constant 1 : i32
    scf.for %scan3A_69 = %scan3A_59 to %scan3A_61 step %scan3A_62  : i32 {
      %mul3A_70 = arith.constant 2 : i32
      %mul3A_71 = arith.muli %mul3A_70, %scan3A_69 : i32
      %add3A_72 = arith.constant 0 : i32
      %add3A_73 = arith.addi %mul3A_71, %add3A_72 : i32
      %add3A_74 = arith.constant 1 : i32
      %add3A_75 = arith.addi %add3A_73, %add3A_74 : i32
      %lt3A_76 = arith.constant 40 : i32
      %lt3A_77 = arith.cmpi slt, %add3A_75, %lt3A_76 : i32
      %convert_element_type3A_78 = arith.extui %lt3A_77 : i1 to i32
      %cond3A_79 = arith.constant 0 : i32
      %cond3A_80 = arith.cmpi ne, %convert_element_type3A_78, %cond3A_79 : i32
      scf.if %cond3A_80 {
        %add3A_115 = arith.constant 1 : i32
        %add3A_116 = arith.addi %add3A_73, %add3A_115 : i32
        %dma_start3A_117 = arith.constant 1 : i32
        %dma_start3A_118 = arith.constant 0 : i32
        %dma_start3A_119 = arith.constant 0 : i32
        %dma_start3A_120 = tpu.memref_slice %arg10[%dma_start3A_117, %dma_start3A_118, %dma_start3A_119] : memref<2x128x128xf32, #tpu.memory_space<vmem>> -> memref<1x128x128xf32, #tpu.memory_space<vmem>>
        %dma_start3A_121 = tpu.memref_squeeze %dma_start3A_120 : memref<1x128x128xf32, #tpu.memory_space<vmem>> -> memref<128x128xf32, #tpu.memory_space<vmem>>
        %dma_start3A_122 = arith.constant 0 : i32
        %dma_start3A_123 = tpu.memref_slice %arg8[%add3A_116, %dma_start3A_122] : memref<40x128xi32, #tpu.memory_space<vmem>> -> memref<1x128xi32, #tpu.memory_space<vmem>>
        %dma_start3A_124 = tpu.memref_squeeze %dma_start3A_123 : memref<1x128xi32, #tpu.memory_space<vmem>> -> memref<128xi32, #tpu.memory_space<vmem>>
        %dma_start3A_125 = arith.constant 0 : i32
        %dma_start3A_126 = arith.constant 0 : i32
        %dma_start3A_127 = tpu.memref_slice %arg2[%dma_start3A_125, %dma_start3A_126] : memref<10000x128xf32, #tpu.memory_space<hbm>> -> memref<10000x128xf32, #tpu.memory_space<hbm>>
        tpu.enqueue_indirect_dma source(%dma_start3A_127 : memref<10000x128xf32, #tpu.memory_space<hbm>>) target(%dma_start3A_121 : memref<128x128xf32, #tpu.memory_space<vmem>>) offsets(%dma_start3A_124 : memref<128xi32, #tpu.memory_space<vmem>>) semaphore(%arg13 : memref<!tpu.dma_semaphore, #tpu.memory_space<semaphore_mem>>)
      } else {
      }
      %dma_wait3A = arith.constant 0 : i32
      %dma_wait3A_81 = arith.constant 0 : i32
      %dma_wait3A_82 = arith.constant 0 : i32
      %dma_wait3A_83 = tpu.memref_slice %arg10[%dma_wait3A, %dma_wait3A_81, %dma_wait3A_82] : memref<2x128x128xf32, #tpu.memory_space<vmem>> -> memref<1x128x128xf32, #tpu.memory_space<vmem>>
      %dma_wait3A_84 = tpu.memref_squeeze %dma_wait3A_83 : memref<1x128x128xf32, #tpu.memory_space<vmem>> -> memref<128x128xf32, #tpu.memory_space<vmem>>
      %dma_wait3A_85 = arith.constant 0 : i32
      %dma_wait3A_86 = tpu.memref_slice %arg8[%add3A_73, %dma_wait3A_85] : memref<40x128xi32, #tpu.memory_space<vmem>> -> memref<1x128xi32, #tpu.memory_space<vmem>>
      %dma_wait3A_87 = tpu.memref_squeeze %dma_wait3A_86 : memref<1x128xi32, #tpu.memory_space<vmem>> -> memref<128xi32, #tpu.memory_space<vmem>>
      %dma_wait3A_88 = arith.constant 0 : i32
      %dma_wait3A_89 = arith.constant 0 : i32
      %dma_wait3A_90 = tpu.memref_slice %arg2[%dma_wait3A_88, %dma_wait3A_89] : memref<10000x128xf32, #tpu.memory_space<hbm>> -> memref<10000x128xf32, #tpu.memory_space<hbm>>
      tpu.wait_indirect_dma semaphore(%arg12 : memref<!tpu.dma_semaphore, #tpu.memory_space<semaphore_mem>>) src(%dma_wait3A_90 : memref<10000x128xf32, #tpu.memory_space<hbm>>) dst(%dma_wait3A_84 : memref<128x128xf32, #tpu.memory_space<vmem>>)
      %run_scoped3A_91 = arith.constant 0 : i32
      "tpu.region"() ({
        %run_scoped3A_115 = tpu.sem_alloc : memref<!tpu.dma_semaphore, #tpu.memory_space<semaphore_mem>>
        %dma_start3A_116 = arith.constant 0 : i32
        %dma_start3A_117 = arith.constant 0 : i32
        %dma_start3A_118 = tpu.memref_slice %arg10[%run_scoped3A_91, %dma_start3A_116, %dma_start3A_117] : memref<2x128x128xf32, #tpu.memory_space<vmem>> -> memref<1x128x128xf32, #tpu.memory_space<vmem>>
        %dma_start3A_119 = tpu.memref_squeeze %dma_start3A_118 : memref<1x128x128xf32, #tpu.memory_space<vmem>> -> memref<128x128xf32, #tpu.memory_space<vmem>>
        %dma_start3A_120 = arith.constant 0 : i32
        %dma_start3A_121 = tpu.memref_slice %arg9[%add3A_73, %dma_start3A_120] : memref<40x128xi32, #tpu.memory_space<vmem>> -> memref<1x128xi32, #tpu.memory_space<vmem>>
        %dma_start3A_122 = tpu.memref_squeeze %dma_start3A_121 : memref<1x128xi32, #tpu.memory_space<vmem>> -> memref<128xi32, #tpu.memory_space<vmem>>
        %dma_start3A_123 = arith.constant 0 : i32
        %dma_start3A_124 = arith.constant 0 : i32
        %dma_start3A_125 = tpu.memref_slice %arg11[%dma_start3A_123, %dma_start3A_124] : memref<10240x128xf32, #tpu.memory_space<vmem_shared>> -> memref<10240x128xf32, #tpu.memory_space<vmem_shared>>
        tpu.enqueue_indirect_dma source(%dma_start3A_119 : memref<128x128xf32, #tpu.memory_space<vmem>>) target(%dma_start3A_125 : memref<10240x128xf32, #tpu.memory_space<vmem_shared>>) offsets(%dma_start3A_122 : memref<128xi32, #tpu.memory_space<vmem>>) semaphore(%run_scoped3A_115 : memref<!tpu.dma_semaphore, #tpu.memory_space<semaphore_mem>>) {add = true}
        %dma_wait3A_126 = arith.constant 0 : i32
        %dma_wait3A_127 = arith.constant 0 : i32
        %dma_wait3A_128 = tpu.memref_slice %arg10[%run_scoped3A_91, %dma_wait3A_126, %dma_wait3A_127] : memref<2x128x128xf32, #tpu.memory_space<vmem>> -> memref<1x128x128xf32, #tpu.memory_space<vmem>>
        %dma_wait3A_129 = tpu.memref_squeeze %dma_wait3A_128 : memref<1x128x128xf32, #tpu.memory_space<vmem>> -> memref<128x128xf32, #tpu.memory_space<vmem>>
        %dma_wait3A_130 = arith.constant 0 : i32
        %dma_wait3A_131 = tpu.memref_slice %arg9[%add3A_73, %dma_wait3A_130] : memref<40x128xi32, #tpu.memory_space<vmem>> -> memref<1x128xi32, #tpu.memory_space<vmem>>
        %dma_wait3A_132 = tpu.memref_squeeze %dma_wait3A_131 : memref<1x128xi32, #tpu.memory_space<vmem>> -> memref<128xi32, #tpu.memory_space<vmem>>
        %dma_wait3A_133 = arith.constant 0 : i32
        %dma_wait3A_134 = arith.constant 0 : i32
        %dma_wait3A_135 = tpu.memref_slice %arg11[%dma_wait3A_133, %dma_wait3A_134] : memref<10240x128xf32, #tpu.memory_space<vmem_shared>> -> memref<10240x128xf32, #tpu.memory_space<vmem_shared>>
        tpu.wait_indirect_dma semaphore(%run_scoped3A_115 : memref<!tpu.dma_semaphore, #tpu.memory_space<semaphore_mem>>) src(%dma_wait3A_129 : memref<128x128xf32, #tpu.memory_space<vmem>>) dst(%dma_wait3A_135 : memref<10240x128xf32, #tpu.memory_space<vmem_shared>>)
        tpu.yield
      }) : () -> ()
      %mul3A_92 = arith.constant 2 : i32
      %mul3A_93 = arith.muli %mul3A_92, %scan3A_69 : i32
      %add3A_94 = arith.constant 1 : i32
      %add3A_95 = arith.addi %mul3A_93, %add3A_94 : i32
      %add3A_96 = arith.constant 1 : i32
      %add3A_97 = arith.addi %add3A_95, %add3A_96 : i32
      %lt3A_98 = arith.constant 40 : i32
      %lt3A_99 = arith.cmpi slt, %add3A_97, %lt3A_98 : i32
      %convert_element_type3A_100 = arith.extui %lt3A_99 : i1 to i32
      %cond3A_101 = arith.constant 0 : i32
      %cond3A_102 = arith.cmpi ne, %convert_element_type3A_100, %cond3A_101 : i32
      scf.if %cond3A_102 {
        %add3A_115 = arith.constant 1 : i32
        %add3A_116 = arith.addi %add3A_95, %add3A_115 : i32
        %dma_start3A_117 = arith.constant 0 : i32
        %dma_start3A_118 = arith.constant 0 : i32
        %dma_start3A_119 = arith.constant 0 : i32
        %dma_start3A_120 = tpu.memref_slice %arg10[%dma_start3A_117, %dma_start3A_118, %dma_start3A_119] : memref<2x128x128xf32, #tpu.memory_space<vmem>> -> memref<1x128x128xf32, #tpu.memory_space<vmem>>
        %dma_start3A_121 = tpu.memref_squeeze %dma_start3A_120 : memref<1x128x128xf32, #tpu.memory_space<vmem>> -> memref<128x128xf32, #tpu.memory_space<vmem>>
        %dma_start3A_122 = arith.constant 0 : i32
        %dma_start3A_123 = tpu.memref_slice %arg8[%add3A_116, %dma_start3A_122] : memref<40x128xi32, #tpu.memory_space<vmem>> -> memref<1x128xi32, #tpu.memory_space<vmem>>
        %dma_start3A_124 = tpu.memref_squeeze %dma_start3A_123 : memref<1x128xi32, #tpu.memory_space<vmem>> -> memref<128xi32, #tpu.memory_space<vmem>>
        %dma_start3A_125 = arith.constant 0 : i32
        %dma_start3A_126 = arith.constant 0 : i32
        %dma_start3A_127 = tpu.memref_slice %arg2[%dma_start3A_125, %dma_start3A_126] : memref<10000x128xf32, #tpu.memory_space<hbm>> -> memref<10000x128xf32, #tpu.memory_space<hbm>>
        tpu.enqueue_indirect_dma source(%dma_start3A_127 : memref<10000x128xf32, #tpu.memory_space<hbm>>) target(%dma_start3A_121 : memref<128x128xf32, #tpu.memory_space<vmem>>) offsets(%dma_start3A_124 : memref<128xi32, #tpu.memory_space<vmem>>) semaphore(%arg12 : memref<!tpu.dma_semaphore, #tpu.memory_space<semaphore_mem>>)
      } else {
      }
      %dma_wait3A_103 = arith.constant 1 : i32
      %dma_wait3A_104 = arith.constant 0 : i32
      %dma_wait3A_105 = arith.constant 0 : i32
      %dma_wait3A_106 = tpu.memref_slice %arg10[%dma_wait3A_103, %dma_wait3A_104, %dma_wait3A_105] : memref<2x128x128xf32, #tpu.memory_space<vmem>> -> memref<1x128x128xf32, #tpu.memory_space<vmem>>
      %dma_wait3A_107 = tpu.memref_squeeze %dma_wait3A_106 : memref<1x128x128xf32, #tpu.memory_space<vmem>> -> memref<128x128xf32, #tpu.memory_space<vmem>>
      %dma_wait3A_108 = arith.constant 0 : i32
      %dma_wait3A_109 = tpu.memref_slice %arg8[%add3A_95, %dma_wait3A_108] : memref<40x128xi32, #tpu.memory_space<vmem>> -> memref<1x128xi32, #tpu.memory_space<vmem>>
      %dma_wait3A_110 = tpu.memref_squeeze %dma_wait3A_109 : memref<1x128xi32, #tpu.memory_space<vmem>> -> memref<128xi32, #tpu.memory_space<vmem>>
      %dma_wait3A_111 = arith.constant 0 : i32
      %dma_wait3A_112 = arith.constant 0 : i32
      %dma_wait3A_113 = tpu.memref_slice %arg2[%dma_wait3A_111, %dma_wait3A_112] : memref<10000x128xf32, #tpu.memory_space<hbm>> -> memref<10000x128xf32, #tpu.memory_space<hbm>>
      tpu.wait_indirect_dma semaphore(%arg13 : memref<!tpu.dma_semaphore, #tpu.memory_space<semaphore_mem>>) src(%dma_wait3A_113 : memref<10000x128xf32, #tpu.memory_space<hbm>>) dst(%dma_wait3A_107 : memref<128x128xf32, #tpu.memory_space<vmem>>)
      %run_scoped3A_114 = arith.constant 1 : i32
      "tpu.region"() ({
        %run_scoped3A_115 = tpu.sem_alloc : memref<!tpu.dma_semaphore, #tpu.memory_space<semaphore_mem>>
        %dma_start3A_116 = arith.constant 0 : i32
        %dma_start3A_117 = arith.constant 0 : i32
        %dma_start3A_118 = tpu.memref_slice %arg10[%run_scoped3A_114, %dma_start3A_116, %dma_start3A_117] : memref<2x128x128xf32, #tpu.memory_space<vmem>> -> memref<1x128x128xf32, #tpu.memory_space<vmem>>
        %dma_start3A_119 = tpu.memref_squeeze %dma_start3A_118 : memref<1x128x128xf32, #tpu.memory_space<vmem>> -> memref<128x128xf32, #tpu.memory_space<vmem>>
        %dma_start3A_120 = arith.constant 0 : i32
        %dma_start3A_121 = tpu.memref_slice %arg9[%add3A_95, %dma_start3A_120] : memref<40x128xi32, #tpu.memory_space<vmem>> -> memref<1x128xi32, #tpu.memory_space<vmem>>
        %dma_start3A_122 = tpu.memref_squeeze %dma_start3A_121 : memref<1x128xi32, #tpu.memory_space<vmem>> -> memref<128xi32, #tpu.memory_space<vmem>>
        %dma_start3A_123 = arith.constant 0 : i32
        %dma_start3A_124 = arith.constant 0 : i32
        %dma_start3A_125 = tpu.memref_slice %arg11[%dma_start3A_123, %dma_start3A_124] : memref<10240x128xf32, #tpu.memory_space<vmem_shared>> -> memref<10240x128xf32, #tpu.memory_space<vmem_shared>>
        tpu.enqueue_indirect_dma source(%dma_start3A_119 : memref<128x128xf32, #tpu.memory_space<vmem>>) target(%dma_start3A_125 : memref<10240x128xf32, #tpu.memory_space<vmem_shared>>) offsets(%dma_start3A_122 : memref<128xi32, #tpu.memory_space<vmem>>) semaphore(%run_scoped3A_115 : memref<!tpu.dma_semaphore, #tpu.memory_space<semaphore_mem>>) {add = true}
        %dma_wait3A_126 = arith.constant 0 : i32
        %dma_wait3A_127 = arith.constant 0 : i32
        %dma_wait3A_128 = tpu.memref_slice %arg10[%run_scoped3A_114, %dma_wait3A_126, %dma_wait3A_127] : memref<2x128x128xf32, #tpu.memory_space<vmem>> -> memref<1x128x128xf32, #tpu.memory_space<vmem>>
        %dma_wait3A_129 = tpu.memref_squeeze %dma_wait3A_128 : memref<1x128x128xf32, #tpu.memory_space<vmem>> -> memref<128x128xf32, #tpu.memory_space<vmem>>
        %dma_wait3A_130 = arith.constant 0 : i32
        %dma_wait3A_131 = tpu.memref_slice %arg9[%add3A_95, %dma_wait3A_130] : memref<40x128xi32, #tpu.memory_space<vmem>> -> memref<1x128xi32, #tpu.memory_space<vmem>>
        %dma_wait3A_132 = tpu.memref_squeeze %dma_wait3A_131 : memref<1x128xi32, #tpu.memory_space<vmem>> -> memref<128xi32, #tpu.memory_space<vmem>>
        %dma_wait3A_133 = arith.constant 0 : i32
        %dma_wait3A_134 = arith.constant 0 : i32
        %dma_wait3A_135 = tpu.memref_slice %arg11[%dma_wait3A_133, %dma_wait3A_134] : memref<10240x128xf32, #tpu.memory_space<vmem_shared>> -> memref<10240x128xf32, #tpu.memory_space<vmem_shared>>
        tpu.wait_indirect_dma semaphore(%run_scoped3A_115 : memref<!tpu.dma_semaphore, #tpu.memory_space<semaphore_mem>>) src(%dma_wait3A_129 : memref<128x128xf32, #tpu.memory_space<vmem>>) dst(%dma_wait3A_135 : memref<10240x128xf32, #tpu.memory_space<vmem_shared>>)
        tpu.yield
      }) : () -> ()
    }
    %scan3A_63 = arith.constant 20 : i32
    %barrier3A_64 = arith.constant 0 : index
    tpu.barrier barrier_id(%barrier3A_64)
    %mul3A_65 = arith.constant 640 : i32
    %mul3A_66 = arith.muli %arg1, %mul3A_65 : i32
    %mul3A_67 = arith.constant 640 : i32
    %mul3A_68 = arith.muli %arg1, %mul3A_67 : i32
    "tpu.region"() ({
      %run_scoped3A_69 = tpu.sem_alloc : memref<!tpu.dma_semaphore, #tpu.memory_space<semaphore_mem>>
      %dma_start3A_70 = arith.constant 0 : i32
      %dma_start3A_71 = arith.constant 0 : i32
      %dma_start3A_72 = tpu.memref_slice %arg7[%arg0, %dma_start3A_70, %dma_start3A_71] : memref<2x10240x128xf32, #tpu.memory_space<hbm>> -> memref<1x10240x128xf32, #tpu.memory_space<hbm>>
      %dma_start3A_73 = tpu.memref_squeeze %dma_start3A_72 : memref<1x10240x128xf32, #tpu.memory_space<hbm>> -> memref<10240x128xf32, #tpu.memory_space<hbm>>
      %dma_start3A_74 = arith.constant 0 : i32
      %dma_start3A_75 = tpu.memref_slice %dma_start3A_73[%mul3A_68, %dma_start3A_74] : memref<10240x128xf32, #tpu.memory_space<hbm>> -> memref<640x128xf32, #tpu.memory_space<hbm>>
      %dma_start3A_76 = arith.constant 0 : i32
      %dma_start3A_77 = tpu.memref_slice %arg11[%mul3A_66, %dma_start3A_76] : memref<10240x128xf32, #tpu.memory_space<vmem_shared>> -> memref<640x128xf32, #tpu.memory_space<vmem_shared>>
      tpu.enqueue_dma source(%dma_start3A_77 : memref<640x128xf32, #tpu.memory_space<vmem_shared>>) target(%dma_start3A_75 : memref<640x128xf32, #tpu.memory_space<hbm>>) target_semaphore(%run_scoped3A_69 : memref<!tpu.dma_semaphore, #tpu.memory_space<semaphore_mem>>)
      %dma_wait3A = arith.constant 0 : i32
      %dma_wait3A_78 = arith.constant 0 : i32
      %dma_wait3A_79 = tpu.memref_slice %arg7[%arg0, %dma_wait3A, %dma_wait3A_78] : memref<2x10240x128xf32, #tpu.memory_space<hbm>> -> memref<1x10240x128xf32, #tpu.memory_space<hbm>>
      %dma_wait3A_80 = tpu.memref_squeeze %dma_wait3A_79 : memref<1x10240x128xf32, #tpu.memory_space<hbm>> -> memref<10240x128xf32, #tpu.memory_space<hbm>>
      %dma_wait3A_81 = arith.constant 0 : i32
      %dma_wait3A_82 = tpu.memref_slice %dma_wait3A_80[%mul3A_68, %dma_wait3A_81] : memref<10240x128xf32, #tpu.memory_space<hbm>> -> memref<640x128xf32, #tpu.memory_space<hbm>>
      %dma_wait3A_83 = arith.constant 0 : i32
      %dma_wait3A_84 = tpu.memref_slice %arg11[%mul3A_66, %dma_wait3A_83] : memref<10240x128xf32, #tpu.memory_space<vmem_shared>> -> memref<640x128xf32, #tpu.memory_space<vmem_shared>>
      tpu.wait_dma2 semaphore(%run_scoped3A_69 : memref<!tpu.dma_semaphore, #tpu.memory_space<semaphore_mem>>) src(%dma_wait3A_84 : memref<640x128xf32, #tpu.memory_space<vmem_shared>>) dst(%dma_wait3A_82 : memref<640x128xf32, #tpu.memory_space<hbm>>)
      tpu.yield
    }) : () -> ()
    return
  }
}

#map = affine_map<(d0, d1) -> (0, 0)>
#map1 = affine_map<(d0, d1) -> (0, 0, 0)>
module attributes {stable_mosaic.version = 14 : i64} {
  func.func @spmm(%arg0: i32, %arg1: i32, %arg2: memref<10000x128xf32, #tpu.memory_space<hbm>>, %arg3: memref<1250x128xi32, #tpu.memory_space<hbm>>, %arg4: memref<1250x128xi32, #tpu.memory_space<hbm>>, %arg5: memref<40x128xi32, #tpu.memory_space<hbm>>, %arg6: memref<40x128xi32, #tpu.memory_space<hbm>>, %arg7: memref<2x10240x128xf32, #tpu.memory_space<hbm>>, %arg8: memref<40x128xi32, #tpu.memory_space<vmem>>, %arg9: memref<40x128xi32, #tpu.memory_space<vmem>>, %arg10: memref<2x128x128xf32, #tpu.memory_space<vmem>>, %arg11: memref<10240x128xf32, #tpu.memory_space<vmem_shared>>, %arg12: memref<!tpu.dma_semaphore, #tpu.memory_space<semaphore_mem>>, %arg13: memref<!tpu.dma_semaphore, #tpu.memory_space<semaphore_mem>>) attributes {dimension_semantics = [#tpu.dimension_semantics<core_parallel>, #tpu.dimension_semantics<subcore_parallel>], iteration_bounds = array<i64: 2, 16>, scalar_prefetch = 0 : i64, scratch_operands = 6 : i64, tpu.core_type = #tpu.core_type<sc_vector_subcore>, window_params = [{transform_indices = #map}, {transform_indices = #map}, {transform_indices = #map}, {transform_indices = #map}, {transform_indices = #map}, {transform_indices = #map1}]} {
    %mul3A = arith.constant 16 : i32
    %mul3A_0 = arith.muli %arg0, %mul3A : i32
    %add3A = arith.addi %mul3A_0, %arg1 : i32
    %lt3A = arith.constant 31 : i32
    %lt3A_1 = arith.cmpi slt, %add3A, %lt3A : i32
    %convert_element_type3A = arith.extui %lt3A_1 : i1 to i32
    %cond3A = arith.constant 0 : i32
    %cond3A_2 = arith.cmpi ne, %convert_element_type3A, %cond3A : i32
    scf.if %cond3A_2 {
      %mul3A_69 = arith.constant 40 : i32
      %mul3A_70 = arith.muli %add3A, %mul3A_69 : i32
      "tpu.region"() ({
        %run_scoped3A_73 = tpu.sem_alloc : memref<!tpu.dma_semaphore, #tpu.memory_space<semaphore_mem>>
        %dma_start3A_74 = arith.constant 0 : i32
        %dma_start3A_75 = tpu.memref_slice %arg3[%mul3A_70, %dma_start3A_74] : memref<1250x128xi32, #tpu.memory_space<hbm>> -> memref<40x128xi32, #tpu.memory_space<hbm>>
        %dma_start3A_76 = arith.constant 0 : i32
        %dma_start3A_77 = tpu.memref_slice %arg3[%mul3A_70, %dma_start3A_76] : memref<1250x128xi32, #tpu.memory_space<hbm>> -> memref<40x128xi32, #tpu.memory_space<hbm>>
        tpu.enqueue_dma source(%dma_start3A_77 : memref<40x128xi32, #tpu.memory_space<hbm>>) target(%arg8 : memref<40x128xi32, #tpu.memory_space<vmem>>) target_semaphore(%run_scoped3A_73 : memref<!tpu.dma_semaphore, #tpu.memory_space<semaphore_mem>>)
        %dma_wait3A = arith.constant 0 : i32
        %dma_wait3A_78 = tpu.memref_slice %arg3[%mul3A_70, %dma_wait3A] : memref<1250x128xi32, #tpu.memory_space<hbm>> -> memref<40x128xi32, #tpu.memory_space<hbm>>
        %dma_wait3A_79 = arith.constant 0 : i32
        %dma_wait3A_80 = tpu.memref_slice %arg3[%mul3A_70, %dma_wait3A_79] : memref<1250x128xi32, #tpu.memory_space<hbm>> -> memref<40x128xi32, #tpu.memory_space<hbm>>
        tpu.wait_dma2 semaphore(%run_scoped3A_73 : memref<!tpu.dma_semaphore, #tpu.memory_space<semaphore_mem>>) src(%dma_wait3A_80 : memref<40x128xi32, #tpu.memory_space<hbm>>) dst(%arg8 : memref<40x128xi32, #tpu.memory_space<vmem>>)
        tpu.yield
      }) : () -> ()
      %mul3A_71 = arith.constant 40 : i32
      %mul3A_72 = arith.muli %add3A, %mul3A_71 : i32
      "tpu.region"() ({
        %run_scoped3A_73 = tpu.sem_alloc : memref<!tpu.dma_semaphore, #tpu.memory_space<semaphore_mem>>
        %dma_start3A_74 = arith.constant 0 : i32
        %dma_start3A_75 = tpu.memref_slice %arg4[%mul3A_72, %dma_start3A_74] : memref<1250x128xi32, #tpu.memory_space<hbm>> -> memref<40x128xi32, #tpu.memory_space<hbm>>
        %dma_start3A_76 = arith.constant 0 : i32
        %dma_start3A_77 = tpu.memref_slice %arg4[%mul3A_72, %dma_start3A_76] : memref<1250x128xi32, #tpu.memory_space<hbm>> -> memref<40x128xi32, #tpu.memory_space<hbm>>
        tpu.enqueue_dma source(%dma_start3A_77 : memref<40x128xi32, #tpu.memory_space<hbm>>) target(%arg9 : memref<40x128xi32, #tpu.memory_space<vmem>>) target_semaphore(%run_scoped3A_73 : memref<!tpu.dma_semaphore, #tpu.memory_space<semaphore_mem>>)
        %dma_wait3A = arith.constant 0 : i32
        %dma_wait3A_78 = tpu.memref_slice %arg4[%mul3A_72, %dma_wait3A] : memref<1250x128xi32, #tpu.memory_space<hbm>> -> memref<40x128xi32, #tpu.memory_space<hbm>>
        %dma_wait3A_79 = arith.constant 0 : i32
        %dma_wait3A_80 = tpu.memref_slice %arg4[%mul3A_72, %dma_wait3A_79] : memref<1250x128xi32, #tpu.memory_space<hbm>> -> memref<40x128xi32, #tpu.memory_space<hbm>>
        tpu.wait_dma2 semaphore(%run_scoped3A_73 : memref<!tpu.dma_semaphore, #tpu.memory_space<semaphore_mem>>) src(%dma_wait3A_80 : memref<40x128xi32, #tpu.memory_space<hbm>>) dst(%arg9 : memref<40x128xi32, #tpu.memory_space<vmem>>)
        tpu.yield
      }) : () -> ()
    } else {
    }
    %eq3A = arith.constant 31 : i32
    %eq3A_3 = arith.cmpi eq, %add3A, %eq3A : i32
    %convert_element_type3A_4 = arith.extui %eq3A_3 : i1 to i32
    %cond3A_5 = arith.constant 0 : i32
    %cond3A_6 = arith.cmpi ne, %convert_element_type3A_4, %cond3A_5 : i32
    scf.if %cond3A_6 {
      "tpu.region"() ({
        %run_scoped3A_69 = tpu.sem_alloc : memref<!tpu.dma_semaphore, #tpu.memory_space<semaphore_mem>>
        tpu.enqueue_dma source(%arg5 : memref<40x128xi32, #tpu.memory_space<hbm>>) target(%arg8 : memref<40x128xi32, #tpu.memory_space<vmem>>) target_semaphore(%run_scoped3A_69 : memref<!tpu.dma_semaphore, #tpu.memory_space<semaphore_mem>>)
        tpu.wait_dma2 semaphore(%run_scoped3A_69 : memref<!tpu.dma_semaphore, #tpu.memory_space<semaphore_mem>>) src(%arg5 : memref<40x128xi32, #tpu.memory_space<hbm>>) dst(%arg8 : memref<40x128xi32, #tpu.memory_space<vmem>>)
        tpu.yield
      }) : () -> ()
      "tpu.region"() ({
        %run_scoped3A_69 = tpu.sem_alloc : memref<!tpu.dma_semaphore, #tpu.memory_space<semaphore_mem>>
        tpu.enqueue_dma source(%arg6 : memref<40x128xi32, #tpu.memory_space<hbm>>) target(%arg9 : memref<40x128xi32, #tpu.memory_space<vmem>>) target_semaphore(%run_scoped3A_69 : memref<!tpu.dma_semaphore, #tpu.memory_space<semaphore_mem>>)
        tpu.wait_dma2 semaphore(%run_scoped3A_69 : memref<!tpu.dma_semaphore, #tpu.memory_space<semaphore_mem>>) src(%arg6 : memref<40x128xi32, #tpu.memory_space<hbm>>) dst(%arg9 : memref<40x128xi32, #tpu.memory_space<vmem>>)
        tpu.yield
      }) : () -> ()
    } else {
    }
    %dma_start3A = arith.constant 0 : i32
    %dma_start3A_7 = arith.constant 0 : i32
    %dma_start3A_8 = arith.constant 0 : i32
    %dma_start3A_9 = arith.constant 0 : i32
    %dma_start3A_10 = tpu.memref_slice %arg10[%dma_start3A_7, %dma_start3A_8, %dma_start3A_9] : memref<2x128x128xf32, #tpu.memory_space<vmem>> -> memref<1x128x128xf32, #tpu.memory_space<vmem>>
    %dma_start3A_11 = tpu.memref_squeeze %dma_start3A_10 : memref<1x128x128xf32, #tpu.memory_space<vmem>> -> memref<128x128xf32, #tpu.memory_space<vmem>>
    %dma_start3A_12 = arith.constant 0 : i32
    %dma_start3A_13 = tpu.memref_slice %arg8[%dma_start3A, %dma_start3A_12] : memref<40x128xi32, #tpu.memory_space<vmem>> -> memref<1x128xi32, #tpu.memory_space<vmem>>
    %dma_start3A_14 = tpu.memref_squeeze %dma_start3A_13 : memref<1x128xi32, #tpu.memory_space<vmem>> -> memref<128xi32, #tpu.memory_space<vmem>>
    %dma_start3A_15 = arith.constant 0 : i32
    %dma_start3A_16 = arith.constant 0 : i32
    %dma_start3A_17 = tpu.memref_slice %arg2[%dma_start3A_15, %dma_start3A_16] : memref<10000x128xf32, #tpu.memory_space<hbm>> -> memref<10000x128xf32, #tpu.memory_space<hbm>>
    tpu.enqueue_indirect_dma source(%dma_start3A_17 : memref<10000x128xf32, #tpu.memory_space<hbm>>) target(%dma_start3A_11 : memref<128x128xf32, #tpu.memory_space<vmem>>) offsets(%dma_start3A_14 : memref<128xi32, #tpu.memory_space<vmem>>) semaphore(%arg12 : memref<!tpu.dma_semaphore, #tpu.memory_space<semaphore_mem>>)
    %broadcast_in_dim3A = arith.constant 0.000000e+00 : f32
    %broadcast_in_dim3A_18 = vector.broadcast %broadcast_in_dim3A : f32 to vector<16xf32>
    %scan3A = arith.constant 0 : i32
    %scan3A_19 = arith.constant 0 : i32
    %scan3A_20 = arith.constant 128 : i32
    %scan3A_21 = arith.addi %scan3A_19, %scan3A_20 : i32
    %scan3A_22 = arith.constant 1 : i32
    scf.for %scan3A_69 = %scan3A_19 to %scan3A_21 step %scan3A_22  : i32 {
      %swap3A = arith.constant 1 : i32
      %swap3A_70 = arith.index_cast %swap3A : i32 to index
      %swap3A_71 = arith.index_cast %scan3A_69 : i32 to index
      %swap3A_72 = arith.constant 0 : index
      %swap3A_73 = tpu.vector_load %arg10[%swap3A_70, %swap3A_71, %swap3A_72] {strides = array<i32>} : memref<2x128x128xf32, #tpu.memory_space<vmem>>, vector<1x1x16xf32>,
      %swap3A_74 = vector.shape_cast %swap3A_73 : vector<1x1x16xf32> to vector<16xf32>
      %swap3A_75 = vector.shape_cast %broadcast_in_dim3A_18 : vector<16xf32> to vector<1x1x16xf32>
      tpu.vector_store %arg10[%swap3A_70, %swap3A_71, %swap3A_72], %swap3A_75 {strides = array<i32>} : memref<2x128x128xf32, #tpu.memory_space<vmem>>, vector<1x1x16xf32>,
      %swap3A_76 = arith.constant 1 : i32
      %swap3A_77 = arith.index_cast %swap3A_76 : i32 to index
      %swap3A_78 = arith.index_cast %scan3A_69 : i32 to index
      %swap3A_79 = arith.constant 16 : index
      %swap3A_80 = tpu.vector_load %arg10[%swap3A_77, %swap3A_78, %swap3A_79] {strides = array<i32>} : memref<2x128x128xf32, #tpu.memory_space<vmem>>, vector<1x1x16xf32>,
      %swap3A_81 = vector.shape_cast %swap3A_80 : vector<1x1x16xf32> to vector<16xf32>
      %swap3A_82 = vector.shape_cast %broadcast_in_dim3A_18 : vector<16xf32> to vector<1x1x16xf32>
      tpu.vector_store %arg10[%swap3A_77, %swap3A_78, %swap3A_79], %swap3A_82 {strides = array<i32>} : memref<2x128x128xf32, #tpu.memory_space<vmem>>, vector<1x1x16xf32>,
      %swap3A_83 = arith.constant 1 : i32
      %swap3A_84 = arith.index_cast %swap3A_83 : i32 to index
      %swap3A_85 = arith.index_cast %scan3A_69 : i32 to index
      %swap3A_86 = arith.constant 32 : index
      %swap3A_87 = tpu.vector_load %arg10[%swap3A_84, %swap3A_85, %swap3A_86] {strides = array<i32>} : memref<2x128x128xf32, #tpu.memory_space<vmem>>, vector<1x1x16xf32>,
      %swap3A_88 = vector.shape_cast %swap3A_87 : vector<1x1x16xf32> to vector<16xf32>
      %swap3A_89 = vector.shape_cast %broadcast_in_dim3A_18 : vector<16xf32> to vector<1x1x16xf32>
      tpu.vector_store %arg10[%swap3A_84, %swap3A_85, %swap3A_86], %swap3A_89 {strides = array<i32>} : memref<2x128x128xf32, #tpu.memory_space<vmem>>, vector<1x1x16xf32>,
      %swap3A_90 = arith.constant 1 : i32
      %swap3A_91 = arith.index_cast %swap3A_90 : i32 to index
      %swap3A_92 = arith.index_cast %scan3A_69 : i32 to index
      %swap3A_93 = arith.constant 48 : index
      %swap3A_94 = tpu.vector_load %arg10[%swap3A_91, %swap3A_92, %swap3A_93] {strides = array<i32>} : memref<2x128x128xf32, #tpu.memory_space<vmem>>, vector<1x1x16xf32>,
      %swap3A_95 = vector.shape_cast %swap3A_94 : vector<1x1x16xf32> to vector<16xf32>
      %swap3A_96 = vector.shape_cast %broadcast_in_dim3A_18 : vector<16xf32> to vector<1x1x16xf32>
      tpu.vector_store %arg10[%swap3A_91, %swap3A_92, %swap3A_93], %swap3A_96 {strides = array<i32>} : memref<2x128x128xf32, #tpu.memory_space<vmem>>, vector<1x1x16xf32>,
      %swap3A_97 = arith.constant 1 : i32
      %swap3A_98 = arith.index_cast %swap3A_97 : i32 to index
      %swap3A_99 = arith.index_cast %scan3A_69 : i32 to index
      %swap3A_100 = arith.constant 64 : index
      %swap3A_101 = tpu.vector_load %arg10[%swap3A_98, %swap3A_99, %swap3A_100] {strides = array<i32>} : memref<2x128x128xf32, #tpu.memory_space<vmem>>, vector<1x1x16xf32>,
      %swap3A_102 = vector.shape_cast %swap3A_101 : vector<1x1x16xf32> to vector<16xf32>
      %swap3A_103 = vector.shape_cast %broadcast_in_dim3A_18 : vector<16xf32> to vector<1x1x16xf32>
      tpu.vector_store %arg10[%swap3A_98, %swap3A_99, %swap3A_100], %swap3A_103 {strides = array<i32>} : memref<2x128x128xf32, #tpu.memory_space<vmem>>, vector<1x1x16xf32>,
      %swap3A_104 = arith.constant 1 : i32
      %swap3A_105 = arith.index_cast %swap3A_104 : i32 to index
      %swap3A_106 = arith.index_cast %scan3A_69 : i32 to index
      %swap3A_107 = arith.constant 80 : index
      %swap3A_108 = tpu.vector_load %arg10[%swap3A_105, %swap3A_106, %swap3A_107] {strides = array<i32>} : memref<2x128x128xf32, #tpu.memory_space<vmem>>, vector<1x1x16xf32>,
      %swap3A_109 = vector.shape_cast %swap3A_108 : vector<1x1x16xf32> to vector<16xf32>
      %swap3A_110 = vector.shape_cast %broadcast_in_dim3A_18 : vector<16xf32> to vector<1x1x16xf32>
      tpu.vector_store %arg10[%swap3A_105, %swap3A_106, %swap3A_107], %swap3A_110 {strides = array<i32>} : memref<2x128x128xf32, #tpu.memory_space<vmem>>, vector<1x1x16xf32>,
      %swap3A_111 = arith.constant 1 : i32
      %swap3A_112 = arith.index_cast %swap3A_111 : i32 to index
      %swap3A_113 = arith.index_cast %scan3A_69 : i32 to index
      %swap3A_114 = arith.constant 96 : index
      %swap3A_115 = tpu.vector_load %arg10[%swap3A_112, %swap3A_113, %swap3A_114] {strides = array<i32>} : memref<2x128x128xf32, #tpu.memory_space<vmem>>, vector<1x1x16xf32>,
      %swap3A_116 = vector.shape_cast %swap3A_115 : vector<1x1x16xf32> to vector<16xf32>
      %swap3A_117 = vector.shape_cast %broadcast_in_dim3A_18 : vector<16xf32> to vector<1x1x16xf32>
      tpu.vector_store %arg10[%swap3A_112, %swap3A_113, %swap3A_114], %swap3A_117 {strides = array<i32>} : memref<2x128x128xf32, #tpu.memory_space<vmem>>, vector<1x1x16xf32>,
      %swap3A_118 = arith.constant 1 : i32
      %swap3A_119 = arith.index_cast %swap3A_118 : i32 to index
      %swap3A_120 = arith.index_cast %scan3A_69 : i32 to index
      %swap3A_121 = arith.constant 112 : index
      %swap3A_122 = tpu.vector_load %arg10[%swap3A_119, %swap3A_120, %swap3A_121] {strides = array<i32>} : memref<2x128x128xf32, #tpu.memory_space<vmem>>, vector<1x1x16xf32>,
      %swap3A_123 = vector.shape_cast %swap3A_122 : vector<1x1x16xf32> to vector<16xf32>
      %swap3A_124 = vector.shape_cast %broadcast_in_dim3A_18 : vector<16xf32> to vector<1x1x16xf32>
      tpu.vector_store %arg10[%swap3A_119, %swap3A_120, %swap3A_121], %swap3A_124 {strides = array<i32>} : memref<2x128x128xf32, #tpu.memory_space<vmem>>, vector<1x1x16xf32>,
    }
    %scan3A_23 = arith.constant 128 : i32
    %mul3A_24 = arith.constant 5 : i32
    %mul3A_25 = arith.muli %arg1, %mul3A_24 : i32
    %add3A_26 = arith.constant 0 : i32
    %add3A_27 = arith.addi %mul3A_25, %add3A_26 : i32
    %mul3A_28 = arith.constant 128 : i32
    %mul3A_29 = arith.muli %add3A_27, %mul3A_28 : i32
    %run_scoped3A = arith.constant 1 : i32
    "tpu.region"() ({
      %run_scoped3A_69 = tpu.sem_alloc : memref<!tpu.dma_semaphore, #tpu.memory_space<semaphore_mem>>
      %dma_start3A_70 = arith.constant 0 : i32
      %dma_start3A_71 = arith.constant 0 : i32
      %dma_start3A_72 = tpu.memref_slice %arg10[%run_scoped3A, %dma_start3A_70, %dma_start3A_71] : memref<2x128x128xf32, #tpu.memory_space<vmem>> -> memref<1x128x128xf32, #tpu.memory_space<vmem>>
      %dma_start3A_73 = tpu.memref_squeeze %dma_start3A_72 : memref<1x128x128xf32, #tpu.memory_space<vmem>> -> memref<128x128xf32, #tpu.memory_space<vmem>>
      %dma_start3A_74 = arith.constant 0 : i32
      %dma_start3A_75 = tpu.memref_slice %arg11[%mul3A_29, %dma_start3A_74] : memref<10240x128xf32, #tpu.memory_space<vmem_shared>> -> memref<128x128xf32, #tpu.memory_space<vmem_shared>>
      %dma_start3A_76 = arith.constant 0 : i32
      %dma_start3A_77 = tpu.memref_slice %arg11[%mul3A_29, %dma_start3A_76] : memref<10240x128xf32, #tpu.memory_space<vmem_shared>> -> memref<128x128xf32, #tpu.memory_space<vmem_shared>>
      %dma_start3A_78 = arith.constant 0 : i32
      %dma_start3A_79 = arith.constant 0 : i32
      %dma_start3A_80 = tpu.memref_slice %arg10[%run_scoped3A, %dma_start3A_78, %dma_start3A_79] : memref<2x128x128xf32, #tpu.memory_space<vmem>> -> memref<1x128x128xf32, #tpu.memory_space<vmem>>
      %dma_start3A_81 = tpu.memref_squeeze %dma_start3A_80 : memref<1x128x128xf32, #tpu.memory_space<vmem>> -> memref<128x128xf32, #tpu.memory_space<vmem>>
      tpu.enqueue_dma source(%dma_start3A_81 : memref<128x128xf32, #tpu.memory_space<vmem>>) target(%dma_start3A_77 : memref<128x128xf32, #tpu.memory_space<vmem_shared>>) target_semaphore(%run_scoped3A_69 : memref<!tpu.dma_semaphore, #tpu.memory_space<semaphore_mem>>)
      %dma_wait3A = arith.constant 0 : i32
      %dma_wait3A_82 = arith.constant 0 : i32
      %dma_wait3A_83 = tpu.memref_slice %arg10[%run_scoped3A, %dma_wait3A, %dma_wait3A_82] : memref<2x128x128xf32, #tpu.memory_space<vmem>> -> memref<1x128x128xf32, #tpu.memory_space<vmem>>
      %dma_wait3A_84 = tpu.memref_squeeze %dma_wait3A_83 : memref<1x128x128xf32, #tpu.memory_space<vmem>> -> memref<128x128xf32, #tpu.memory_space<vmem>>
      %dma_wait3A_85 = arith.constant 0 : i32
      %dma_wait3A_86 = tpu.memref_slice %arg11[%mul3A_29, %dma_wait3A_85] : memref<10240x128xf32, #tpu.memory_space<vmem_shared>> -> memref<128x128xf32, #tpu.memory_space<vmem_shared>>
      %dma_wait3A_87 = arith.constant 0 : i32
      %dma_wait3A_88 = tpu.memref_slice %arg11[%mul3A_29, %dma_wait3A_87] : memref<10240x128xf32, #tpu.memory_space<vmem_shared>> -> memref<128x128xf32, #tpu.memory_space<vmem_shared>>
      %dma_wait3A_89 = arith.constant 0 : i32
      %dma_wait3A_90 = arith.constant 0 : i32
      %dma_wait3A_91 = tpu.memref_slice %arg10[%run_scoped3A, %dma_wait3A_89, %dma_wait3A_90] : memref<2x128x128xf32, #tpu.memory_space<vmem>> -> memref<1x128x128xf32, #tpu.memory_space<vmem>>
      %dma_wait3A_92 = tpu.memref_squeeze %dma_wait3A_91 : memref<1x128x128xf32, #tpu.memory_space<vmem>> -> memref<128x128xf32, #tpu.memory_space<vmem>>
      tpu.wait_dma2 semaphore(%run_scoped3A_69 : memref<!tpu.dma_semaphore, #tpu.memory_space<semaphore_mem>>) src(%dma_wait3A_92 : memref<128x128xf32, #tpu.memory_space<vmem>>) dst(%dma_wait3A_88 : memref<128x128xf32, #tpu.memory_space<vmem_shared>>)
      tpu.yield
    }) : () -> ()
    %mul3A_30 = arith.constant 5 : i32
    %mul3A_31 = arith.muli %arg1, %mul3A_30 : i32
    %add3A_32 = arith.constant 1 : i32
    %add3A_33 = arith.addi %mul3A_31, %add3A_32 : i32
    %mul3A_34 = arith.constant 128 : i32
    %mul3A_35 = arith.muli %add3A_33, %mul3A_34 : i32
    %run_scoped3A_36 = arith.constant 1 : i32
    "tpu.region"() ({
      %run_scoped3A_69 = tpu.sem_alloc : memref<!tpu.dma_semaphore, #tpu.memory_space<semaphore_mem>>
      %dma_start3A_70 = arith.constant 0 : i32
      %dma_start3A_71 = arith.constant 0 : i32
      %dma_start3A_72 = tpu.memref_slice %arg10[%run_scoped3A_36, %dma_start3A_70, %dma_start3A_71] : memref<2x128x128xf32, #tpu.memory_space<vmem>> -> memref<1x128x128xf32, #tpu.memory_space<vmem>>
      %dma_start3A_73 = tpu.memref_squeeze %dma_start3A_72 : memref<1x128x128xf32, #tpu.memory_space<vmem>> -> memref<128x128xf32, #tpu.memory_space<vmem>>
      %dma_start3A_74 = arith.constant 0 : i32
      %dma_start3A_75 = tpu.memref_slice %arg11[%mul3A_35, %dma_start3A_74] : memref<10240x128xf32, #tpu.memory_space<vmem_shared>> -> memref<128x128xf32, #tpu.memory_space<vmem_shared>>
      %dma_start3A_76 = arith.constant 0 : i32
      %dma_start3A_77 = tpu.memref_slice %arg11[%mul3A_35, %dma_start3A_76] : memref<10240x128xf32, #tpu.memory_space<vmem_shared>> -> memref<128x128xf32, #tpu.memory_space<vmem_shared>>
      %dma_start3A_78 = arith.constant 0 : i32
      %dma_start3A_79 = arith.constant 0 : i32
      %dma_start3A_80 = tpu.memref_slice %arg10[%run_scoped3A_36, %dma_start3A_78, %dma_start3A_79] : memref<2x128x128xf32, #tpu.memory_space<vmem>> -> memref<1x128x128xf32, #tpu.memory_space<vmem>>
      %dma_start3A_81 = tpu.memref_squeeze %dma_start3A_80 : memref<1x128x128xf32, #tpu.memory_space<vmem>> -> memref<128x128xf32, #tpu.memory_space<vmem>>
      tpu.enqueue_dma source(%dma_start3A_81 : memref<128x128xf32, #tpu.memory_space<vmem>>) target(%dma_start3A_77 : memref<128x128xf32, #tpu.memory_space<vmem_shared>>) target_semaphore(%run_scoped3A_69 : memref<!tpu.dma_semaphore, #tpu.memory_space<semaphore_mem>>)
      %dma_wait3A = arith.constant 0 : i32
      %dma_wait3A_82 = arith.constant 0 : i32
      %dma_wait3A_83 = tpu.memref_slice %arg10[%run_scoped3A_36, %dma_wait3A, %dma_wait3A_82] : memref<2x128x128xf32, #tpu.memory_space<vmem>> -> memref<1x128x128xf32, #tpu.memory_space<vmem>>
      %dma_wait3A_84 = tpu.memref_squeeze %dma_wait3A_83 : memref<1x128x128xf32, #tpu.memory_space<vmem>> -> memref<128x128xf32, #tpu.memory_space<vmem>>
      %dma_wait3A_85 = arith.constant 0 : i32
      %dma_wait3A_86 = tpu.memref_slice %arg11[%mul3A_35, %dma_wait3A_85] : memref<10240x128xf32, #tpu.memory_space<vmem_shared>> -> memref<128x128xf32, #tpu.memory_space<vmem_shared>>
      %dma_wait3A_87 = arith.constant 0 : i32
      %dma_wait3A_88 = tpu.memref_slice %arg11[%mul3A_35, %dma_wait3A_87] : memref<10240x128xf32, #tpu.memory_space<vmem_shared>> -> memref<128x128xf32, #tpu.memory_space<vmem_shared>>
      %dma_wait3A_89 = arith.constant 0 : i32
      %dma_wait3A_90 = arith.constant 0 : i32
      %dma_wait3A_91 = tpu.memref_slice %arg10[%run_scoped3A_36, %dma_wait3A_89, %dma_wait3A_90] : memref<2x128x128xf32, #tpu.memory_space<vmem>> -> memref<1x128x128xf32, #tpu.memory_space<vmem>>
      %dma_wait3A_92 = tpu.memref_squeeze %dma_wait3A_91 : memref<1x128x128xf32, #tpu.memory_space<vmem>> -> memref<128x128xf32, #tpu.memory_space<vmem>>
      tpu.wait_dma2 semaphore(%run_scoped3A_69 : memref<!tpu.dma_semaphore, #tpu.memory_space<semaphore_mem>>) src(%dma_wait3A_92 : memref<128x128xf32, #tpu.memory_space<vmem>>) dst(%dma_wait3A_88 : memref<128x128xf32, #tpu.memory_space<vmem_shared>>)
      tpu.yield
    }) : () -> ()
    %mul3A_37 = arith.constant 5 : i32
    %mul3A_38 = arith.muli %arg1, %mul3A_37 : i32
    %add3A_39 = arith.constant 2 : i32
    %add3A_40 = arith.addi %mul3A_38, %add3A_39 : i32
    %mul3A_41 = arith.constant 128 : i32
    %mul3A_42 = arith.muli %add3A_40, %mul3A_41 : i32
    %run_scoped3A_43 = arith.constant 1 : i32
    "tpu.region"() ({
      %run_scoped3A_69 = tpu.sem_alloc : memref<!tpu.dma_semaphore, #tpu.memory_space<semaphore_mem>>
      %dma_start3A_70 = arith.constant 0 : i32
      %dma_start3A_71 = arith.constant 0 : i32
      %dma_start3A_72 = tpu.memref_slice %arg10[%run_scoped3A_43, %dma_start3A_70, %dma_start3A_71] : memref<2x128x128xf32, #tpu.memory_space<vmem>> -> memref<1x128x128xf32, #tpu.memory_space<vmem>>
      %dma_start3A_73 = tpu.memref_squeeze %dma_start3A_72 : memref<1x128x128xf32, #tpu.memory_space<vmem>> -> memref<128x128xf32, #tpu.memory_space<vmem>>
      %dma_start3A_74 = arith.constant 0 : i32
      %dma_start3A_75 = tpu.memref_slice %arg11[%mul3A_42, %dma_start3A_74] : memref<10240x128xf32, #tpu.memory_space<vmem_shared>> -> memref<128x128xf32, #tpu.memory_space<vmem_shared>>
      %dma_start3A_76 = arith.constant 0 : i32
      %dma_start3A_77 = tpu.memref_slice %arg11[%mul3A_42, %dma_start3A_76] : memref<10240x128xf32, #tpu.memory_space<vmem_shared>> -> memref<128x128xf32, #tpu.memory_space<vmem_shared>>
      %dma_start3A_78 = arith.constant 0 : i32
      %dma_start3A_79 = arith.constant 0 : i32
      %dma_start3A_80 = tpu.memref_slice %arg10[%run_scoped3A_43, %dma_start3A_78, %dma_start3A_79] : memref<2x128x128xf32, #tpu.memory_space<vmem>> -> memref<1x128x128xf32, #tpu.memory_space<vmem>>
      %dma_start3A_81 = tpu.memref_squeeze %dma_start3A_80 : memref<1x128x128xf32, #tpu.memory_space<vmem>> -> memref<128x128xf32, #tpu.memory_space<vmem>>
      tpu.enqueue_dma source(%dma_start3A_81 : memref<128x128xf32, #tpu.memory_space<vmem>>) target(%dma_start3A_77 : memref<128x128xf32, #tpu.memory_space<vmem_shared>>) target_semaphore(%run_scoped3A_69 : memref<!tpu.dma_semaphore, #tpu.memory_space<semaphore_mem>>)
      %dma_wait3A = arith.constant 0 : i32
      %dma_wait3A_82 = arith.constant 0 : i32
      %dma_wait3A_83 = tpu.memref_slice %arg10[%run_scoped3A_43, %dma_wait3A, %dma_wait3A_82] : memref<2x128x128xf32, #tpu.memory_space<vmem>> -> memref<1x128x128xf32, #tpu.memory_space<vmem>>
      %dma_wait3A_84 = tpu.memref_squeeze %dma_wait3A_83 : memref<1x128x128xf32, #tpu.memory_space<vmem>> -> memref<128x128xf32, #tpu.memory_space<vmem>>
      %dma_wait3A_85 = arith.constant 0 : i32
      %dma_wait3A_86 = tpu.memref_slice %arg11[%mul3A_42, %dma_wait3A_85] : memref<10240x128xf32, #tpu.memory_space<vmem_shared>> -> memref<128x128xf32, #tpu.memory_space<vmem_shared>>
      %dma_wait3A_87 = arith.constant 0 : i32
      %dma_wait3A_88 = tpu.memref_slice %arg11[%mul3A_42, %dma_wait3A_87] : memref<10240x128xf32, #tpu.memory_space<vmem_shared>> -> memref<128x128xf32, #tpu.memory_space<vmem_shared>>
      %dma_wait3A_89 = arith.constant 0 : i32
      %dma_wait3A_90 = arith.constant 0 : i32
      %dma_wait3A_91 = tpu.memref_slice %arg10[%run_scoped3A_43, %dma_wait3A_89, %dma_wait3A_90] : memref<2x128x128xf32, #tpu.memory_space<vmem>> -> memref<1x128x128xf32, #tpu.memory_space<vmem>>
      %dma_wait3A_92 = tpu.memref_squeeze %dma_wait3A_91 : memref<1x128x128xf32, #tpu.memory_space<vmem>> -> memref<128x128xf32, #tpu.memory_space<vmem>>
      tpu.wait_dma2 semaphore(%run_scoped3A_69 : memref<!tpu.dma_semaphore, #tpu.memory_space<semaphore_mem>>) src(%dma_wait3A_92 : memref<128x128xf32, #tpu.memory_space<vmem>>) dst(%dma_wait3A_88 : memref<128x128xf32, #tpu.memory_space<vmem_shared>>)
      tpu.yield
    }) : () -> ()
    %mul3A_44 = arith.constant 5 : i32
    %mul3A_45 = arith.muli %arg1, %mul3A_44 : i32
    %add3A_46 = arith.constant 3 : i32
    %add3A_47 = arith.addi %mul3A_45, %add3A_46 : i32
    %mul3A_48 = arith.constant 128 : i32
    %mul3A_49 = arith.muli %add3A_47, %mul3A_48 : i32
    %run_scoped3A_50 = arith.constant 1 : i32
    "tpu.region"() ({
      %run_scoped3A_69 = tpu.sem_alloc : memref<!tpu.dma_semaphore, #tpu.memory_space<semaphore_mem>>
      %dma_start3A_70 = arith.constant 0 : i32
      %dma_start3A_71 = arith.constant 0 : i32
      %dma_start3A_72 = tpu.memref_slice %arg10[%run_scoped3A_50, %dma_start3A_70, %dma_start3A_71] : memref<2x128x128xf32, #tpu.memory_space<vmem>> -> memref<1x128x128xf32, #tpu.memory_space<vmem>>
      %dma_start3A_73 = tpu.memref_squeeze %dma_start3A_72 : memref<1x128x128xf32, #tpu.memory_space<vmem>> -> memref<128x128xf32, #tpu.memory_space<vmem>>
      %dma_start3A_74 = arith.constant 0 : i32
      %dma_start3A_75 = tpu.memref_slice %arg11[%mul3A_49, %dma_start3A_74] : memref<10240x128xf32, #tpu.memory_space<vmem_shared>> -> memref<128x128xf32, #tpu.memory_space<vmem_shared>>
      %dma_start3A_76 = arith.constant 0 : i32
      %dma_start3A_77 = tpu.memref_slice %arg11[%mul3A_49, %dma_start3A_76] : memref<10240x128xf32, #tpu.memory_space<vmem_shared>> -> memref<128x128xf32, #tpu.memory_space<vmem_shared>>
      %dma_start3A_78 = arith.constant 0 : i32
      %dma_start3A_79 = arith.constant 0 : i32
      %dma_start3A_80 = tpu.memref_slice %arg10[%run_scoped3A_50, %dma_start3A_78, %dma_start3A_79] : memref<2x128x128xf32, #tpu.memory_space<vmem>> -> memref<1x128x128xf32, #tpu.memory_space<vmem>>
      %dma_start3A_81 = tpu.memref_squeeze %dma_start3A_80 : memref<1x128x128xf32, #tpu.memory_space<vmem>> -> memref<128x128xf32, #tpu.memory_space<vmem>>
      tpu.enqueue_dma source(%dma_start3A_81 : memref<128x128xf32, #tpu.memory_space<vmem>>) target(%dma_start3A_77 : memref<128x128xf32, #tpu.memory_space<vmem_shared>>) target_semaphore(%run_scoped3A_69 : memref<!tpu.dma_semaphore, #tpu.memory_space<semaphore_mem>>)
      %dma_wait3A = arith.constant 0 : i32
      %dma_wait3A_82 = arith.constant 0 : i32
      %dma_wait3A_83 = tpu.memref_slice %arg10[%run_scoped3A_50, %dma_wait3A, %dma_wait3A_82] : memref<2x128x128xf32, #tpu.memory_space<vmem>> -> memref<1x128x128xf32, #tpu.memory_space<vmem>>
      %dma_wait3A_84 = tpu.memref_squeeze %dma_wait3A_83 : memref<1x128x128xf32, #tpu.memory_space<vmem>> -> memref<128x128xf32, #tpu.memory_space<vmem>>
      %dma_wait3A_85 = arith.constant 0 : i32
      %dma_wait3A_86 = tpu.memref_slice %arg11[%mul3A_49, %dma_wait3A_85] : memref<10240x128xf32, #tpu.memory_space<vmem_shared>> -> memref<128x128xf32, #tpu.memory_space<vmem_shared>>
      %dma_wait3A_87 = arith.constant 0 : i32
      %dma_wait3A_88 = tpu.memref_slice %arg11[%mul3A_49, %dma_wait3A_87] : memref<10240x128xf32, #tpu.memory_space<vmem_shared>> -> memref<128x128xf32, #tpu.memory_space<vmem_shared>>
      %dma_wait3A_89 = arith.constant 0 : i32
      %dma_wait3A_90 = arith.constant 0 : i32
      %dma_wait3A_91 = tpu.memref_slice %arg10[%run_scoped3A_50, %dma_wait3A_89, %dma_wait3A_90] : memref<2x128x128xf32, #tpu.memory_space<vmem>> -> memref<1x128x128xf32, #tpu.memory_space<vmem>>
      %dma_wait3A_92 = tpu.memref_squeeze %dma_wait3A_91 : memref<1x128x128xf32, #tpu.memory_space<vmem>> -> memref<128x128xf32, #tpu.memory_space<vmem>>
      tpu.wait_dma2 semaphore(%run_scoped3A_69 : memref<!tpu.dma_semaphore, #tpu.memory_space<semaphore_mem>>) src(%dma_wait3A_92 : memref<128x128xf32, #tpu.memory_space<vmem>>) dst(%dma_wait3A_88 : memref<128x128xf32, #tpu.memory_space<vmem_shared>>)
      tpu.yield
    }) : () -> ()
    %mul3A_51 = arith.constant 5 : i32
    %mul3A_52 = arith.muli %arg1, %mul3A_51 : i32
    %add3A_53 = arith.constant 4 : i32
    %add3A_54 = arith.addi %mul3A_52, %add3A_53 : i32
    %mul3A_55 = arith.constant 128 : i32
    %mul3A_56 = arith.muli %add3A_54, %mul3A_55 : i32
    %run_scoped3A_57 = arith.constant 1 : i32
    "tpu.region"() ({
      %run_scoped3A_69 = tpu.sem_alloc : memref<!tpu.dma_semaphore, #tpu.memory_space<semaphore_mem>>
      %dma_start3A_70 = arith.constant 0 : i32
      %dma_start3A_71 = arith.constant 0 : i32
      %dma_start3A_72 = tpu.memref_slice %arg10[%run_scoped3A_57, %dma_start3A_70, %dma_start3A_71] : memref<2x128x128xf32, #tpu.memory_space<vmem>> -> memref<1x128x128xf32, #tpu.memory_space<vmem>>
      %dma_start3A_73 = tpu.memref_squeeze %dma_start3A_72 : memref<1x128x128xf32, #tpu.memory_space<vmem>> -> memref<128x128xf32, #tpu.memory_space<vmem>>
      %dma_start3A_74 = arith.constant 0 : i32
      %dma_start3A_75 = tpu.memref_slice %arg11[%mul3A_56, %dma_start3A_74] : memref<10240x128xf32, #tpu.memory_space<vmem_shared>> -> memref<128x128xf32, #tpu.memory_space<vmem_shared>>
      %dma_start3A_76 = arith.constant 0 : i32
      %dma_start3A_77 = tpu.memref_slice %arg11[%mul3A_56, %dma_start3A_76] : memref<10240x128xf32, #tpu.memory_space<vmem_shared>> -> memref<128x128xf32, #tpu.memory_space<vmem_shared>>
      %dma_start3A_78 = arith.constant 0 : i32
      %dma_start3A_79 = arith.constant 0 : i32
      %dma_start3A_80 = tpu.memref_slice %arg10[%run_scoped3A_57, %dma_start3A_78, %dma_start3A_79] : memref<2x128x128xf32, #tpu.memory_space<vmem>> -> memref<1x128x128xf32, #tpu.memory_space<vmem>>
      %dma_start3A_81 = tpu.memref_squeeze %dma_start3A_80 : memref<1x128x128xf32, #tpu.memory_space<vmem>> -> memref<128x128xf32, #tpu.memory_space<vmem>>
      tpu.enqueue_dma source(%dma_start3A_81 : memref<128x128xf32, #tpu.memory_space<vmem>>) target(%dma_start3A_77 : memref<128x128xf32, #tpu.memory_space<vmem_shared>>) target_semaphore(%run_scoped3A_69 : memref<!tpu.dma_semaphore, #tpu.memory_space<semaphore_mem>>)
      %dma_wait3A = arith.constant 0 : i32
      %dma_wait3A_82 = arith.constant 0 : i32
      %dma_wait3A_83 = tpu.memref_slice %arg10[%run_scoped3A_57, %dma_wait3A, %dma_wait3A_82] : memref<2x128x128xf32, #tpu.memory_space<vmem>> -> memref<1x128x128xf32, #tpu.memory_space<vmem>>
      %dma_wait3A_84 = tpu.memref_squeeze %dma_wait3A_83 : memref<1x128x128xf32, #tpu.memory_space<vmem>> -> memref<128x128xf32, #tpu.memory_space<vmem>>
      %dma_wait3A_85 = arith.constant 0 : i32
      %dma_wait3A_86 = tpu.memref_slice %arg11[%mul3A_56, %dma_wait3A_85] : memref<10240x128xf32, #tpu.memory_space<vmem_shared>> -> memref<128x128xf32, #tpu.memory_space<vmem_shared>>
      %dma_wait3A_87 = arith.constant 0 : i32
      %dma_wait3A_88 = tpu.memref_slice %arg11[%mul3A_56, %dma_wait3A_87] : memref<10240x128xf32, #tpu.memory_space<vmem_shared>> -> memref<128x128xf32, #tpu.memory_space<vmem_shared>>
      %dma_wait3A_89 = arith.constant 0 : i32
      %dma_wait3A_90 = arith.constant 0 : i32
      %dma_wait3A_91 = tpu.memref_slice %arg10[%run_scoped3A_57, %dma_wait3A_89, %dma_wait3A_90] : memref<2x128x128xf32, #tpu.memory_space<vmem>> -> memref<1x128x128xf32, #tpu.memory_space<vmem>>
      %dma_wait3A_92 = tpu.memref_squeeze %dma_wait3A_91 : memref<1x128x128xf32, #tpu.memory_space<vmem>> -> memref<128x128xf32, #tpu.memory_space<vmem>>
      tpu.wait_dma2 semaphore(%run_scoped3A_69 : memref<!tpu.dma_semaphore, #tpu.memory_space<semaphore_mem>>) src(%dma_wait3A_92 : memref<128x128xf32, #tpu.memory_space<vmem>>) dst(%dma_wait3A_88 : memref<128x128xf32, #tpu.memory_space<vmem_shared>>)
      tpu.yield
    }) : () -> ()
    %barrier3A = arith.constant 0 : index
    tpu.barrier barrier_id(%barrier3A)
    %scan3A_58 = arith.constant 0 : i32
    %scan3A_59 = arith.constant 0 : i32
    %scan3A_60 = arith.constant 20 : i32
    %scan3A_61 = arith.addi %scan3A_59, %scan3A_60 : i32
    %scan3A_62 = arith.constant 1 : i32
    scf.for %scan3A_69 = %scan3A_59 to %scan3A_61 step %scan3A_62  : i32 {
      %mul3A_70 = arith.constant 2 : i32
      %mul3A_71 = arith.muli %mul3A_70, %scan3A_69 : i32
      %add3A_72 = arith.constant 0 : i32
      %add3A_73 = arith.addi %mul3A_71, %add3A_72 : i32
      %add3A_74 = arith.constant 1 : i32
      %add3A_75 = arith.addi %add3A_73, %add3A_74 : i32
      %lt3A_76 = arith.constant 40 : i32
      %lt3A_77 = arith.cmpi slt, %add3A_75, %lt3A_76 : i32
      %convert_element_type3A_78 = arith.extui %lt3A_77 : i1 to i32
      %cond3A_79 = arith.constant 0 : i32
      %cond3A_80 = arith.cmpi ne, %convert_element_type3A_78, %cond3A_79 : i32
      scf.if %cond3A_80 {
        %add3A_115 = arith.constant 1 : i32
        %add3A_116 = arith.addi %add3A_73, %add3A_115 : i32
        %dma_start3A_117 = arith.constant 1 : i32
        %dma_start3A_118 = arith.constant 0 : i32
        %dma_start3A_119 = arith.constant 0 : i32
        %dma_start3A_120 = tpu.memref_slice %arg10[%dma_start3A_117, %dma_start3A_118, %dma_start3A_119] : memref<2x128x128xf32, #tpu.memory_space<vmem>> -> memref<1x128x128xf32, #tpu.memory_space<vmem>>
        %dma_start3A_121 = tpu.memref_squeeze %dma_start3A_120 : memref<1x128x128xf32, #tpu.memory_space<vmem>> -> memref<128x128xf32, #tpu.memory_space<vmem>>
        %dma_start3A_122 = arith.constant 0 : i32
        %dma_start3A_123 = tpu.memref_slice %arg8[%add3A_116, %dma_start3A_122] : memref<40x128xi32, #tpu.memory_space<vmem>> -> memref<1x128xi32, #tpu.memory_space<vmem>>
        %dma_start3A_124 = tpu.memref_squeeze %dma_start3A_123 : memref<1x128xi32, #tpu.memory_space<vmem>> -> memref<128xi32, #tpu.memory_space<vmem>>
        %dma_start3A_125 = arith.constant 0 : i32
        %dma_start3A_126 = arith.constant 0 : i32
        %dma_start3A_127 = tpu.memref_slice %arg2[%dma_start3A_125, %dma_start3A_126] : memref<10000x128xf32, #tpu.memory_space<hbm>> -> memref<10000x128xf32, #tpu.memory_space<hbm>>
        tpu.enqueue_indirect_dma source(%dma_start3A_127 : memref<10000x128xf32, #tpu.memory_space<hbm>>) target(%dma_start3A_121 : memref<128x128xf32, #tpu.memory_space<vmem>>) offsets(%dma_start3A_124 : memref<128xi32, #tpu.memory_space<vmem>>) semaphore(%arg13 : memref<!tpu.dma_semaphore, #tpu.memory_space<semaphore_mem>>)
      } else {
      }
      %dma_wait3A = arith.constant 0 : i32
      %dma_wait3A_81 = arith.constant 0 : i32
      %dma_wait3A_82 = arith.constant 0 : i32
      %dma_wait3A_83 = tpu.memref_slice %arg10[%dma_wait3A, %dma_wait3A_81, %dma_wait3A_82] : memref<2x128x128xf32, #tpu.memory_space<vmem>> -> memref<1x128x128xf32, #tpu.memory_space<vmem>>
      %dma_wait3A_84 = tpu.memref_squeeze %dma_wait3A_83 : memref<1x128x128xf32, #tpu.memory_space<vmem>> -> memref<128x128xf32, #tpu.memory_space<vmem>>
      %dma_wait3A_85 = arith.constant 0 : i32
      %dma_wait3A_86 = tpu.memref_slice %arg8[%add3A_73, %dma_wait3A_85] : memref<40x128xi32, #tpu.memory_space<vmem>> -> memref<1x128xi32, #tpu.memory_space<vmem>>
      %dma_wait3A_87 = tpu.memref_squeeze %dma_wait3A_86 : memref<1x128xi32, #tpu.memory_space<vmem>> -> memref<128xi32, #tpu.memory_space<vmem>>
      %dma_wait3A_88 = arith.constant 0 : i32
      %dma_wait3A_89 = arith.constant 0 : i32
      %dma_wait3A_90 = tpu.memref_slice %arg2[%dma_wait3A_88, %dma_wait3A_89] : memref<10000x128xf32, #tpu.memory_space<hbm>> -> memref<10000x128xf32, #tpu.memory_space<hbm>>
      tpu.wait_indirect_dma semaphore(%arg12 : memref<!tpu.dma_semaphore, #tpu.memory_space<semaphore_mem>>) src(%dma_wait3A_90 : memref<10000x128xf32, #tpu.memory_space<hbm>>) dst(%dma_wait3A_84 : memref<128x128xf32, #tpu.memory_space<vmem>>)
      %run_scoped3A_91 = arith.constant 0 : i32
      "tpu.region"() ({
        %run_scoped3A_115 = tpu.sem_alloc : memref<!tpu.dma_semaphore, #tpu.memory_space<semaphore_mem>>
        %dma_start3A_116 = arith.constant 0 : i32
        %dma_start3A_117 = arith.constant 0 : i32
        %dma_start3A_118 = tpu.memref_slice %arg10[%run_scoped3A_91, %dma_start3A_116, %dma_start3A_117] : memref<2x128x128xf32, #tpu.memory_space<vmem>> -> memref<1x128x128xf32, #tpu.memory_space<vmem>>
        %dma_start3A_119 = tpu.memref_squeeze %dma_start3A_118 : memref<1x128x128xf32, #tpu.memory_space<vmem>> -> memref<128x128xf32, #tpu.memory_space<vmem>>
        %dma_start3A_120 = arith.constant 0 : i32
        %dma_start3A_121 = tpu.memref_slice %arg9[%add3A_73, %dma_start3A_120] : memref<40x128xi32, #tpu.memory_space<vmem>> -> memref<1x128xi32, #tpu.memory_space<vmem>>
        %dma_start3A_122 = tpu.memref_squeeze %dma_start3A_121 : memref<1x128xi32, #tpu.memory_space<vmem>> -> memref<128xi32, #tpu.memory_space<vmem>>
        %dma_start3A_123 = arith.constant 0 : i32
        %dma_start3A_124 = arith.constant 0 : i32
        %dma_start3A_125 = tpu.memref_slice %arg11[%dma_start3A_123, %dma_start3A_124] : memref<10240x128xf32, #tpu.memory_space<vmem_shared>> -> memref<10240x128xf32, #tpu.memory_space<vmem_shared>>
        tpu.enqueue_indirect_dma source(%dma_start3A_119 : memref<128x128xf32, #tpu.memory_space<vmem>>) target(%dma_start3A_125 : memref<10240x128xf32, #tpu.memory_space<vmem_shared>>) offsets(%dma_start3A_122 : memref<128xi32, #tpu.memory_space<vmem>>) semaphore(%run_scoped3A_115 : memref<!tpu.dma_semaphore, #tpu.memory_space<semaphore_mem>>) {add = true}
        %dma_wait3A_126 = arith.constant 0 : i32
        %dma_wait3A_127 = arith.constant 0 : i32
        %dma_wait3A_128 = tpu.memref_slice %arg10[%run_scoped3A_91, %dma_wait3A_126, %dma_wait3A_127] : memref<2x128x128xf32, #tpu.memory_space<vmem>> -> memref<1x128x128xf32, #tpu.memory_space<vmem>>
        %dma_wait3A_129 = tpu.memref_squeeze %dma_wait3A_128 : memref<1x128x128xf32, #tpu.memory_space<vmem>> -> memref<128x128xf32, #tpu.memory_space<vmem>>
        %dma_wait3A_130 = arith.constant 0 : i32
        %dma_wait3A_131 = tpu.memref_slice %arg9[%add3A_73, %dma_wait3A_130] : memref<40x128xi32, #tpu.memory_space<vmem>> -> memref<1x128xi32, #tpu.memory_space<vmem>>
        %dma_wait3A_132 = tpu.memref_squeeze %dma_wait3A_131 : memref<1x128xi32, #tpu.memory_space<vmem>> -> memref<128xi32, #tpu.memory_space<vmem>>
        %dma_wait3A_133 = arith.constant 0 : i32
        %dma_wait3A_134 = arith.constant 0 : i32
        %dma_wait3A_135 = tpu.memref_slice %arg11[%dma_wait3A_133, %dma_wait3A_134] : memref<10240x128xf32, #tpu.memory_space<vmem_shared>> -> memref<10240x128xf32, #tpu.memory_space<vmem_shared>>
        tpu.wait_indirect_dma semaphore(%run_scoped3A_115 : memref<!tpu.dma_semaphore, #tpu.memory_space<semaphore_mem>>) src(%dma_wait3A_129 : memref<128x128xf32, #tpu.memory_space<vmem>>) dst(%dma_wait3A_135 : memref<10240x128xf32, #tpu.memory_space<vmem_shared>>)
        tpu.yield
      }) : () -> ()
      %mul3A_92 = arith.constant 2 : i32
      %mul3A_93 = arith.muli %mul3A_92, %scan3A_69 : i32
      %add3A_94 = arith.constant 1 : i32
      %add3A_95 = arith.addi %mul3A_93, %add3A_94 : i32
      %add3A_96 = arith.constant 1 : i32
      %add3A_97 = arith.addi %add3A_95, %add3A_96 : i32
      %lt3A_98 = arith.constant 40 : i32
      %lt3A_99 = arith.cmpi slt, %add3A_97, %lt3A_98 : i32
      %convert_element_type3A_100 = arith.extui %lt3A_99 : i1 to i32
      %cond3A_101 = arith.constant 0 : i32
      %cond3A_102 = arith.cmpi ne, %convert_element_type3A_100, %cond3A_101 : i32
      scf.if %cond3A_102 {
        %add3A_115 = arith.constant 1 : i32
        %add3A_116 = arith.addi %add3A_95, %add3A_115 : i32
        %dma_start3A_117 = arith.constant 0 : i32
        %dma_start3A_118 = arith.constant 0 : i32
        %dma_start3A_119 = arith.constant 0 : i32
        %dma_start3A_120 = tpu.memref_slice %arg10[%dma_start3A_117, %dma_start3A_118, %dma_start3A_119] : memref<2x128x128xf32, #tpu.memory_space<vmem>> -> memref<1x128x128xf32, #tpu.memory_space<vmem>>
        %dma_start3A_121 = tpu.memref_squeeze %dma_start3A_120 : memref<1x128x128xf32, #tpu.memory_space<vmem>> -> memref<128x128xf32, #tpu.memory_space<vmem>>
        %dma_start3A_122 = arith.constant 0 : i32
        %dma_start3A_123 = tpu.memref_slice %arg8[%add3A_116, %dma_start3A_122] : memref<40x128xi32, #tpu.memory_space<vmem>> -> memref<1x128xi32, #tpu.memory_space<vmem>>
        %dma_start3A_124 = tpu.memref_squeeze %dma_start3A_123 : memref<1x128xi32, #tpu.memory_space<vmem>> -> memref<128xi32, #tpu.memory_space<vmem>>
        %dma_start3A_125 = arith.constant 0 : i32
        %dma_start3A_126 = arith.constant 0 : i32
        %dma_start3A_127 = tpu.memref_slice %arg2[%dma_start3A_125, %dma_start3A_126] : memref<10000x128xf32, #tpu.memory_space<hbm>> -> memref<10000x128xf32, #tpu.memory_space<hbm>>
        tpu.enqueue_indirect_dma source(%dma_start3A_127 : memref<10000x128xf32, #tpu.memory_space<hbm>>) target(%dma_start3A_121 : memref<128x128xf32, #tpu.memory_space<vmem>>) offsets(%dma_start3A_124 : memref<128xi32, #tpu.memory_space<vmem>>) semaphore(%arg12 : memref<!tpu.dma_semaphore, #tpu.memory_space<semaphore_mem>>)
      } else {
      }
      %dma_wait3A_103 = arith.constant 1 : i32
      %dma_wait3A_104 = arith.constant 0 : i32
      %dma_wait3A_105 = arith.constant 0 : i32
      %dma_wait3A_106 = tpu.memref_slice %arg10[%dma_wait3A_103, %dma_wait3A_104, %dma_wait3A_105] : memref<2x128x128xf32, #tpu.memory_space<vmem>> -> memref<1x128x128xf32, #tpu.memory_space<vmem>>
      %dma_wait3A_107 = tpu.memref_squeeze %dma_wait3A_106 : memref<1x128x128xf32, #tpu.memory_space<vmem>> -> memref<128x128xf32, #tpu.memory_space<vmem>>
      %dma_wait3A_108 = arith.constant 0 : i32
      %dma_wait3A_109 = tpu.memref_slice %arg8[%add3A_95, %dma_wait3A_108] : memref<40x128xi32, #tpu.memory_space<vmem>> -> memref<1x128xi32, #tpu.memory_space<vmem>>
      %dma_wait3A_110 = tpu.memref_squeeze %dma_wait3A_109 : memref<1x128xi32, #tpu.memory_space<vmem>> -> memref<128xi32, #tpu.memory_space<vmem>>
      %dma_wait3A_111 = arith.constant 0 : i32
      %dma_wait3A_112 = arith.constant 0 : i32
      %dma_wait3A_113 = tpu.memref_slice %arg2[%dma_wait3A_111, %dma_wait3A_112] : memref<10000x128xf32, #tpu.memory_space<hbm>> -> memref<10000x128xf32, #tpu.memory_space<hbm>>
      tpu.wait_indirect_dma semaphore(%arg13 : memref<!tpu.dma_semaphore, #tpu.memory_space<semaphore_mem>>) src(%dma_wait3A_113 : memref<10000x128xf32, #tpu.memory_space<hbm>>) dst(%dma_wait3A_107 : memref<128x128xf32, #tpu.memory_space<vmem>>)
      %run_scoped3A_114 = arith.constant 1 : i32
      "tpu.region"() ({
        %run_scoped3A_115 = tpu.sem_alloc : memref<!tpu.dma_semaphore, #tpu.memory_space<semaphore_mem>>
        %dma_start3A_116 = arith.constant 0 : i32
        %dma_start3A_117 = arith.constant 0 : i32
        %dma_start3A_118 = tpu.memref_slice %arg10[%run_scoped3A_114, %dma_start3A_116, %dma_start3A_117] : memref<2x128x128xf32, #tpu.memory_space<vmem>> -> memref<1x128x128xf32, #tpu.memory_space<vmem>>
        %dma_start3A_119 = tpu.memref_squeeze %dma_start3A_118 : memref<1x128x128xf32, #tpu.memory_space<vmem>> -> memref<128x128xf32, #tpu.memory_space<vmem>>
        %dma_start3A_120 = arith.constant 0 : i32
        %dma_start3A_121 = tpu.memref_slice %arg9[%add3A_95, %dma_start3A_120] : memref<40x128xi32, #tpu.memory_space<vmem>> -> memref<1x128xi32, #tpu.memory_space<vmem>>
        %dma_start3A_122 = tpu.memref_squeeze %dma_start3A_121 : memref<1x128xi32, #tpu.memory_space<vmem>> -> memref<128xi32, #tpu.memory_space<vmem>>
        %dma_start3A_123 = arith.constant 0 : i32
        %dma_start3A_124 = arith.constant 0 : i32
        %dma_start3A_125 = tpu.memref_slice %arg11[%dma_start3A_123, %dma_start3A_124] : memref<10240x128xf32, #tpu.memory_space<vmem_shared>> -> memref<10240x128xf32, #tpu.memory_space<vmem_shared>>
        tpu.enqueue_indirect_dma source(%dma_start3A_119 : memref<128x128xf32, #tpu.memory_space<vmem>>) target(%dma_start3A_125 : memref<10240x128xf32, #tpu.memory_space<vmem_shared>>) offsets(%dma_start3A_122 : memref<128xi32, #tpu.memory_space<vmem>>) semaphore(%run_scoped3A_115 : memref<!tpu.dma_semaphore, #tpu.memory_space<semaphore_mem>>) {add = true}
        %dma_wait3A_126 = arith.constant 0 : i32
        %dma_wait3A_127 = arith.constant 0 : i32
        %dma_wait3A_128 = tpu.memref_slice %arg10[%run_scoped3A_114, %dma_wait3A_126, %dma_wait3A_127] : memref<2x128x128xf32, #tpu.memory_space<vmem>> -> memref<1x128x128xf32, #tpu.memory_space<vmem>>
        %dma_wait3A_129 = tpu.memref_squeeze %dma_wait3A_128 : memref<1x128x128xf32, #tpu.memory_space<vmem>> -> memref<128x128xf32, #tpu.memory_space<vmem>>
        %dma_wait3A_130 = arith.constant 0 : i32
        %dma_wait3A_131 = tpu.memref_slice %arg9[%add3A_95, %dma_wait3A_130] : memref<40x128xi32, #tpu.memory_space<vmem>> -> memref<1x128xi32, #tpu.memory_space<vmem>>
        %dma_wait3A_132 = tpu.memref_squeeze %dma_wait3A_131 : memref<1x128xi32, #tpu.memory_space<vmem>> -> memref<128xi32, #tpu.memory_space<vmem>>
        %dma_wait3A_133 = arith.constant 0 : i32
        %dma_wait3A_134 = arith.constant 0 : i32
        %dma_wait3A_135 = tpu.memref_slice %arg11[%dma_wait3A_133, %dma_wait3A_134] : memref<10240x128xf32, #tpu.memory_space<vmem_shared>> -> memref<10240x128xf32, #tpu.memory_space<vmem_shared>>
        tpu.wait_indirect_dma semaphore(%run_scoped3A_115 : memref<!tpu.dma_semaphore, #tpu.memory_space<semaphore_mem>>) src(%dma_wait3A_129 : memref<128x128xf32, #tpu.memory_space<vmem>>) dst(%dma_wait3A_135 : memref<10240x128xf32, #tpu.memory_space<vmem_shared>>)
        tpu.yield
      }) : () -> ()
    }
    %scan3A_63 = arith.constant 20 : i32
    %barrier3A_64 = arith.constant 0 : index
    tpu.barrier barrier_id(%barrier3A_64)
    %mul3A_65 = arith.constant 640 : i32
    %mul3A_66 = arith.muli %arg1, %mul3A_65 : i32
    %mul3A_67 = arith.constant 640 : i32
    %mul3A_68 = arith.muli %arg1, %mul3A_67 : i32
    "tpu.region"() ({
      %run_scoped3A_69 = tpu.sem_alloc : memref<!tpu.dma_semaphore, #tpu.memory_space<semaphore_mem>>
      %dma_start3A_70 = arith.constant 0 : i32
      %dma_start3A_71 = arith.constant 0 : i32
      %dma_start3A_72 = tpu.memref_slice %arg7[%arg0, %dma_start3A_70, %dma_start3A_71] : memref<2x10240x128xf32, #tpu.memory_space<hbm>> -> memref<1x10240x128xf32, #tpu.memory_space<hbm>>
      %dma_start3A_73 = tpu.memref_squeeze %dma_start3A_72 : memref<1x10240x128xf32, #tpu.memory_space<hbm>> -> memref<10240x128xf32, #tpu.memory_space<hbm>>
      %dma_start3A_74 = arith.constant 0 : i32
      %dma_start3A_75 = tpu.memref_slice %dma_start3A_73[%mul3A_68, %dma_start3A_74] : memref<10240x128xf32, #tpu.memory_space<hbm>> -> memref<640x128xf32, #tpu.memory_space<hbm>>
      %dma_start3A_76 = arith.constant 0 : i32
      %dma_start3A_77 = tpu.memref_slice %arg11[%mul3A_66, %dma_start3A_76] : memref<10240x128xf32, #tpu.memory_space<vmem_shared>> -> memref<640x128xf32, #tpu.memory_space<vmem_shared>>
      tpu.enqueue_dma source(%dma_start3A_77 : memref<640x128xf32, #tpu.memory_space<vmem_shared>>) target(%dma_start3A_75 : memref<640x128xf32, #tpu.memory_space<hbm>>) target_semaphore(%run_scoped3A_69 : memref<!tpu.dma_semaphore, #tpu.memory_space<semaphore_mem>>)
      %dma_wait3A = arith.constant 0 : i32
      %dma_wait3A_78 = arith.constant 0 : i32
      %dma_wait3A_79 = tpu.memref_slice %arg7[%arg0, %dma_wait3A, %dma_wait3A_78] : memref<2x10240x128xf32, #tpu.memory_space<hbm>> -> memref<1x10240x128xf32, #tpu.memory_space<hbm>>
      %dma_wait3A_80 = tpu.memref_squeeze %dma_wait3A_79 : memref<1x10240x128xf32, #tpu.memory_space<hbm>> -> memref<10240x128xf32, #tpu.memory_space<hbm>>
      %dma_wait3A_81 = arith.constant 0 : i32
      %dma_wait3A_82 = tpu.memref_slice %dma_wait3A_80[%mul3A_68, %dma_wait3A_81] : memref<10240x128xf32, #tpu.memory_space<hbm>> -> memref<640x128xf32, #tpu.memory_space<hbm>>
      %dma_wait3A_83 = arith.constant 0 : i32
      %dma_wait3A_84 = tpu.memref_slice %arg11[%mul3A_66, %dma_wait3A_83] : memref<10240x128xf32, #tpu.memory_space<vmem_shared>> -> memref<640x128xf32, #tpu.memory_space<vmem_shared>>
      tpu.wait_dma2 semaphore(%run_scoped3A_69 : memref<!tpu.dma_semaphore, #tpu.memory_space<semaphore_mem>>) src(%dma_wait3A_84 : memref<640x128xf32, #tpu.memory_space<vmem_shared>>) dst(%dma_wait3A_82 : memref<640x128xf32, #tpu.memory_space<hbm>>)
      tpu.yield
    }) : () -> ()
    return
  }
}

#map = affine_map<(d0, d1) -> (0, 0)>
#map1 = affine_map<(d0, d1) -> (0, 0, 0)>
module attributes {stable_mosaic.version = 14 : i64} {
  func.func @spmm(%arg0: i32, %arg1: i32, %arg2: memref<10000x128xf32, #tpu.memory_space<hbm>>, %arg3: memref<1250x128xi32, #tpu.memory_space<hbm>>, %arg4: memref<1250x128xi32, #tpu.memory_space<hbm>>, %arg5: memref<40x128xi32, #tpu.memory_space<hbm>>, %arg6: memref<40x128xi32, #tpu.memory_space<hbm>>, %arg7: memref<2x10240x128xf32, #tpu.memory_space<hbm>>, %arg8: memref<40x128xi32, #tpu.memory_space<vmem>>, %arg9: memref<40x128xi32, #tpu.memory_space<vmem>>, %arg10: memref<2x128x128xf32, #tpu.memory_space<vmem>>, %arg11: memref<10240x128xf32, #tpu.memory_space<vmem_shared>>, %arg12: memref<!tpu.dma_semaphore, #tpu.memory_space<semaphore_mem>>, %arg13: memref<!tpu.dma_semaphore, #tpu.memory_space<semaphore_mem>>) attributes {dimension_semantics = [#tpu.dimension_semantics<core_parallel>, #tpu.dimension_semantics<subcore_parallel>], iteration_bounds = array<i64: 2, 16>, scalar_prefetch = 0 : i64, scratch_operands = 6 : i64, tpu.core_type = #tpu.core_type<sc_vector_subcore>, window_params = [{transform_indices = #map}, {transform_indices = #map}, {transform_indices = #map}, {transform_indices = #map}, {transform_indices = #map}, {transform_indices = #map1}]} {
    %mul3A = arith.constant 16 : i32
    %mul3A_0 = arith.muli %arg0, %mul3A : i32
    %add3A = arith.addi %mul3A_0, %arg1 : i32
    %lt3A = arith.constant 31 : i32
    %lt3A_1 = arith.cmpi slt, %add3A, %lt3A : i32
    %convert_element_type3A = arith.extui %lt3A_1 : i1 to i32
    %cond3A = arith.constant 0 : i32
    %cond3A_2 = arith.cmpi ne, %convert_element_type3A, %cond3A : i32
    scf.if %cond3A_2 {
      %mul3A_69 = arith.constant 40 : i32
      %mul3A_70 = arith.muli %add3A, %mul3A_69 : i32
      "tpu.region"() ({
        %run_scoped3A_73 = tpu.sem_alloc : memref<!tpu.dma_semaphore, #tpu.memory_space<semaphore_mem>>
        %dma_start3A_74 = arith.constant 0 : i32
        %dma_start3A_75 = tpu.memref_slice %arg3[%mul3A_70, %dma_start3A_74] : memref<1250x128xi32, #tpu.memory_space<hbm>> -> memref<40x128xi32, #tpu.memory_space<hbm>>
        %dma_start3A_76 = arith.constant 0 : i32
        %dma_start3A_77 = tpu.memref_slice %arg3[%mul3A_70, %dma_start3A_76] : memref<1250x128xi32, #tpu.memory_space<hbm>> -> memref<40x128xi32, #tpu.memory_space<hbm>>
        tpu.enqueue_dma source(%dma_start3A_77 : memref<40x128xi32, #tpu.memory_space<hbm>>) target(%arg8 : memref<40x128xi32, #tpu.memory_space<vmem>>) target_semaphore(%run_scoped3A_73 : memref<!tpu.dma_semaphore, #tpu.memory_space<semaphore_mem>>)
        %dma_wait3A = arith.constant 0 : i32
        %dma_wait3A_78 = tpu.memref_slice %arg3[%mul3A_70, %dma_wait3A] : memref<1250x128xi32, #tpu.memory_space<hbm>> -> memref<40x128xi32, #tpu.memory_space<hbm>>
        %dma_wait3A_79 = arith.constant 0 : i32
        %dma_wait3A_80 = tpu.memref_slice %arg3[%mul3A_70, %dma_wait3A_79] : memref<1250x128xi32, #tpu.memory_space<hbm>> -> memref<40x128xi32, #tpu.memory_space<hbm>>
        tpu.wait_dma2 semaphore(%run_scoped3A_73 : memref<!tpu.dma_semaphore, #tpu.memory_space<semaphore_mem>>) src(%dma_wait3A_80 : memref<40x128xi32, #tpu.memory_space<hbm>>) dst(%arg8 : memref<40x128xi32, #tpu.memory_space<vmem>>)
        tpu.yield
      }) : () -> ()
      %mul3A_71 = arith.constant 40 : i32
      %mul3A_72 = arith.muli %add3A, %mul3A_71 : i32
      "tpu.region"() ({
        %run_scoped3A_73 = tpu.sem_alloc : memref<!tpu.dma_semaphore, #tpu.memory_space<semaphore_mem>>
        %dma_start3A_74 = arith.constant 0 : i32
        %dma_start3A_75 = tpu.memref_slice %arg4[%mul3A_72, %dma_start3A_74] : memref<1250x128xi32, #tpu.memory_space<hbm>> -> memref<40x128xi32, #tpu.memory_space<hbm>>
        %dma_start3A_76 = arith.constant 0 : i32
        %dma_start3A_77 = tpu.memref_slice %arg4[%mul3A_72, %dma_start3A_76] : memref<1250x128xi32, #tpu.memory_space<hbm>> -> memref<40x128xi32, #tpu.memory_space<hbm>>
        tpu.enqueue_dma source(%dma_start3A_77 : memref<40x128xi32, #tpu.memory_space<hbm>>) target(%arg9 : memref<40x128xi32, #tpu.memory_space<vmem>>) target_semaphore(%run_scoped3A_73 : memref<!tpu.dma_semaphore, #tpu.memory_space<semaphore_mem>>)
        %dma_wait3A = arith.constant 0 : i32
        %dma_wait3A_78 = tpu.memref_slice %arg4[%mul3A_72, %dma_wait3A] : memref<1250x128xi32, #tpu.memory_space<hbm>> -> memref<40x128xi32, #tpu.memory_space<hbm>>
        %dma_wait3A_79 = arith.constant 0 : i32
        %dma_wait3A_80 = tpu.memref_slice %arg4[%mul3A_72, %dma_wait3A_79] : memref<1250x128xi32, #tpu.memory_space<hbm>> -> memref<40x128xi32, #tpu.memory_space<hbm>>
        tpu.wait_dma2 semaphore(%run_scoped3A_73 : memref<!tpu.dma_semaphore, #tpu.memory_space<semaphore_mem>>) src(%dma_wait3A_80 : memref<40x128xi32, #tpu.memory_space<hbm>>) dst(%arg9 : memref<40x128xi32, #tpu.memory_space<vmem>>)
        tpu.yield
      }) : () -> ()
    } else {
    }
    %eq3A = arith.constant 31 : i32
    %eq3A_3 = arith.cmpi eq, %add3A, %eq3A : i32
    %convert_element_type3A_4 = arith.extui %eq3A_3 : i1 to i32
    %cond3A_5 = arith.constant 0 : i32
    %cond3A_6 = arith.cmpi ne, %convert_element_type3A_4, %cond3A_5 : i32
    scf.if %cond3A_6 {
      "tpu.region"() ({
        %run_scoped3A_69 = tpu.sem_alloc : memref<!tpu.dma_semaphore, #tpu.memory_space<semaphore_mem>>
        tpu.enqueue_dma source(%arg5 : memref<40x128xi32, #tpu.memory_space<hbm>>) target(%arg8 : memref<40x128xi32, #tpu.memory_space<vmem>>) target_semaphore(%run_scoped3A_69 : memref<!tpu.dma_semaphore, #tpu.memory_space<semaphore_mem>>)
        tpu.wait_dma2 semaphore(%run_scoped3A_69 : memref<!tpu.dma_semaphore, #tpu.memory_space<semaphore_mem>>) src(%arg5 : memref<40x128xi32, #tpu.memory_space<hbm>>) dst(%arg8 : memref<40x128xi32, #tpu.memory_space<vmem>>)
        tpu.yield
      }) : () -> ()
      "tpu.region"() ({
        %run_scoped3A_69 = tpu.sem_alloc : memref<!tpu.dma_semaphore, #tpu.memory_space<semaphore_mem>>
        tpu.enqueue_dma source(%arg6 : memref<40x128xi32, #tpu.memory_space<hbm>>) target(%arg9 : memref<40x128xi32, #tpu.memory_space<vmem>>) target_semaphore(%run_scoped3A_69 : memref<!tpu.dma_semaphore, #tpu.memory_space<semaphore_mem>>)
        tpu.wait_dma2 semaphore(%run_scoped3A_69 : memref<!tpu.dma_semaphore, #tpu.memory_space<semaphore_mem>>) src(%arg6 : memref<40x128xi32, #tpu.memory_space<hbm>>) dst(%arg9 : memref<40x128xi32, #tpu.memory_space<vmem>>)
        tpu.yield
      }) : () -> ()
    } else {
    }
    %dma_start3A = arith.constant 0 : i32
    %dma_start3A_7 = arith.constant 0 : i32
    %dma_start3A_8 = arith.constant 0 : i32
    %dma_start3A_9 = arith.constant 0 : i32
    %dma_start3A_10 = tpu.memref_slice %arg10[%dma_start3A_7, %dma_start3A_8, %dma_start3A_9] : memref<2x128x128xf32, #tpu.memory_space<vmem>> -> memref<1x128x128xf32, #tpu.memory_space<vmem>>
    %dma_start3A_11 = tpu.memref_squeeze %dma_start3A_10 : memref<1x128x128xf32, #tpu.memory_space<vmem>> -> memref<128x128xf32, #tpu.memory_space<vmem>>
    %dma_start3A_12 = arith.constant 0 : i32
    %dma_start3A_13 = tpu.memref_slice %arg8[%dma_start3A, %dma_start3A_12] : memref<40x128xi32, #tpu.memory_space<vmem>> -> memref<1x128xi32, #tpu.memory_space<vmem>>
    %dma_start3A_14 = tpu.memref_squeeze %dma_start3A_13 : memref<1x128xi32, #tpu.memory_space<vmem>> -> memref<128xi32, #tpu.memory_space<vmem>>
    %dma_start3A_15 = arith.constant 0 : i32
    %dma_start3A_16 = arith.constant 0 : i32
    %dma_start3A_17 = tpu.memref_slice %arg2[%dma_start3A_15, %dma_start3A_16] : memref<10000x128xf32, #tpu.memory_space<hbm>> -> memref<10000x128xf32, #tpu.memory_space<hbm>>
    tpu.enqueue_indirect_dma source(%dma_start3A_17 : memref<10000x128xf32, #tpu.memory_space<hbm>>) target(%dma_start3A_11 : memref<128x128xf32, #tpu.memory_space<vmem>>) offsets(%dma_start3A_14 : memref<128xi32, #tpu.memory_space<vmem>>) semaphore(%arg12 : memref<!tpu.dma_semaphore, #tpu.memory_space<semaphore_mem>>)
    %broadcast_in_dim3A = arith.constant 0.000000e+00 : f32
    %broadcast_in_dim3A_18 = vector.broadcast %broadcast_in_dim3A : f32 to vector<16xf32>
    %scan3A = arith.constant 0 : i32
    %scan3A_19 = arith.constant 0 : i32
    %scan3A_20 = arith.constant 128 : i32
    %scan3A_21 = arith.addi %scan3A_19, %scan3A_20 : i32
    %scan3A_22 = arith.constant 1 : i32
    scf.for %scan3A_69 = %scan3A_19 to %scan3A_21 step %scan3A_22  : i32 {
      %swap3A = arith.constant 1 : i32
      %swap3A_70 = arith.index_cast %swap3A : i32 to index
      %swap3A_71 = arith.index_cast %scan3A_69 : i32 to index
      %swap3A_72 = arith.constant 0 : index
      %swap3A_73 = tpu.vector_load %arg10[%swap3A_70, %swap3A_71, %swap3A_72] {strides = array<i32>} : memref<2x128x128xf32, #tpu.memory_space<vmem>>, vector<1x1x16xf32>,
      %swap3A_74 = vector.shape_cast %swap3A_73 : vector<1x1x16xf32> to vector<16xf32>
      %swap3A_75 = vector.shape_cast %broadcast_in_dim3A_18 : vector<16xf32> to vector<1x1x16xf32>
      tpu.vector_store %arg10[%swap3A_70, %swap3A_71, %swap3A_72], %swap3A_75 {strides = array<i32>} : memref<2x128x128xf32, #tpu.memory_space<vmem>>, vector<1x1x16xf32>,
      %swap3A_76 = arith.constant 1 : i32
      %swap3A_77 = arith.index_cast %swap3A_76 : i32 to index
      %swap3A_78 = arith.index_cast %scan3A_69 : i32 to index
      %swap3A_79 = arith.constant 16 : index
      %swap3A_80 = tpu.vector_load %arg10[%swap3A_77, %swap3A_78, %swap3A_79] {strides = array<i32>} : memref<2x128x128xf32, #tpu.memory_space<vmem>>, vector<1x1x16xf32>,
      %swap3A_81 = vector.shape_cast %swap3A_80 : vector<1x1x16xf32> to vector<16xf32>
      %swap3A_82 = vector.shape_cast %broadcast_in_dim3A_18 : vector<16xf32> to vector<1x1x16xf32>
      tpu.vector_store %arg10[%swap3A_77, %swap3A_78, %swap3A_79], %swap3A_82 {strides = array<i32>} : memref<2x128x128xf32, #tpu.memory_space<vmem>>, vector<1x1x16xf32>,
      %swap3A_83 = arith.constant 1 : i32
      %swap3A_84 = arith.index_cast %swap3A_83 : i32 to index
      %swap3A_85 = arith.index_cast %scan3A_69 : i32 to index
      %swap3A_86 = arith.constant 32 : index
      %swap3A_87 = tpu.vector_load %arg10[%swap3A_84, %swap3A_85, %swap3A_86] {strides = array<i32>} : memref<2x128x128xf32, #tpu.memory_space<vmem>>, vector<1x1x16xf32>,
      %swap3A_88 = vector.shape_cast %swap3A_87 : vector<1x1x16xf32> to vector<16xf32>
      %swap3A_89 = vector.shape_cast %broadcast_in_dim3A_18 : vector<16xf32> to vector<1x1x16xf32>
      tpu.vector_store %arg10[%swap3A_84, %swap3A_85, %swap3A_86], %swap3A_89 {strides = array<i32>} : memref<2x128x128xf32, #tpu.memory_space<vmem>>, vector<1x1x16xf32>,
      %swap3A_90 = arith.constant 1 : i32
      %swap3A_91 = arith.index_cast %swap3A_90 : i32 to index
      %swap3A_92 = arith.index_cast %scan3A_69 : i32 to index
      %swap3A_93 = arith.constant 48 : index
      %swap3A_94 = tpu.vector_load %arg10[%swap3A_91, %swap3A_92, %swap3A_93] {strides = array<i32>} : memref<2x128x128xf32, #tpu.memory_space<vmem>>, vector<1x1x16xf32>,
      %swap3A_95 = vector.shape_cast %swap3A_94 : vector<1x1x16xf32> to vector<16xf32>
      %swap3A_96 = vector.shape_cast %broadcast_in_dim3A_18 : vector<16xf32> to vector<1x1x16xf32>
      tpu.vector_store %arg10[%swap3A_91, %swap3A_92, %swap3A_93], %swap3A_96 {strides = array<i32>} : memref<2x128x128xf32, #tpu.memory_space<vmem>>, vector<1x1x16xf32>,
      %swap3A_97 = arith.constant 1 : i32
      %swap3A_98 = arith.index_cast %swap3A_97 : i32 to index
      %swap3A_99 = arith.index_cast %scan3A_69 : i32 to index
      %swap3A_100 = arith.constant 64 : index
      %swap3A_101 = tpu.vector_load %arg10[%swap3A_98, %swap3A_99, %swap3A_100] {strides = array<i32>} : memref<2x128x128xf32, #tpu.memory_space<vmem>>, vector<1x1x16xf32>,
      %swap3A_102 = vector.shape_cast %swap3A_101 : vector<1x1x16xf32> to vector<16xf32>
      %swap3A_103 = vector.shape_cast %broadcast_in_dim3A_18 : vector<16xf32> to vector<1x1x16xf32>
      tpu.vector_store %arg10[%swap3A_98, %swap3A_99, %swap3A_100], %swap3A_103 {strides = array<i32>} : memref<2x128x128xf32, #tpu.memory_space<vmem>>, vector<1x1x16xf32>,
      %swap3A_104 = arith.constant 1 : i32
      %swap3A_105 = arith.index_cast %swap3A_104 : i32 to index
      %swap3A_106 = arith.index_cast %scan3A_69 : i32 to index
      %swap3A_107 = arith.constant 80 : index
      %swap3A_108 = tpu.vector_load %arg10[%swap3A_105, %swap3A_106, %swap3A_107] {strides = array<i32>} : memref<2x128x128xf32, #tpu.memory_space<vmem>>, vector<1x1x16xf32>,
      %swap3A_109 = vector.shape_cast %swap3A_108 : vector<1x1x16xf32> to vector<16xf32>
      %swap3A_110 = vector.shape_cast %broadcast_in_dim3A_18 : vector<16xf32> to vector<1x1x16xf32>
      tpu.vector_store %arg10[%swap3A_105, %swap3A_106, %swap3A_107], %swap3A_110 {strides = array<i32>} : memref<2x128x128xf32, #tpu.memory_space<vmem>>, vector<1x1x16xf32>,
      %swap3A_111 = arith.constant 1 : i32
      %swap3A_112 = arith.index_cast %swap3A_111 : i32 to index
      %swap3A_113 = arith.index_cast %scan3A_69 : i32 to index
      %swap3A_114 = arith.constant 96 : index
      %swap3A_115 = tpu.vector_load %arg10[%swap3A_112, %swap3A_113, %swap3A_114] {strides = array<i32>} : memref<2x128x128xf32, #tpu.memory_space<vmem>>, vector<1x1x16xf32>,
      %swap3A_116 = vector.shape_cast %swap3A_115 : vector<1x1x16xf32> to vector<16xf32>
      %swap3A_117 = vector.shape_cast %broadcast_in_dim3A_18 : vector<16xf32> to vector<1x1x16xf32>
      tpu.vector_store %arg10[%swap3A_112, %swap3A_113, %swap3A_114], %swap3A_117 {strides = array<i32>} : memref<2x128x128xf32, #tpu.memory_space<vmem>>, vector<1x1x16xf32>,
      %swap3A_118 = arith.constant 1 : i32
      %swap3A_119 = arith.index_cast %swap3A_118 : i32 to index
      %swap3A_120 = arith.index_cast %scan3A_69 : i32 to index
      %swap3A_121 = arith.constant 112 : index
      %swap3A_122 = tpu.vector_load %arg10[%swap3A_119, %swap3A_120, %swap3A_121] {strides = array<i32>} : memref<2x128x128xf32, #tpu.memory_space<vmem>>, vector<1x1x16xf32>,
      %swap3A_123 = vector.shape_cast %swap3A_122 : vector<1x1x16xf32> to vector<16xf32>
      %swap3A_124 = vector.shape_cast %broadcast_in_dim3A_18 : vector<16xf32> to vector<1x1x16xf32>
      tpu.vector_store %arg10[%swap3A_119, %swap3A_120, %swap3A_121], %swap3A_124 {strides = array<i32>} : memref<2x128x128xf32, #tpu.memory_space<vmem>>, vector<1x1x16xf32>,
    }
    %scan3A_23 = arith.constant 128 : i32
    %mul3A_24 = arith.constant 5 : i32
    %mul3A_25 = arith.muli %arg1, %mul3A_24 : i32
    %add3A_26 = arith.constant 0 : i32
    %add3A_27 = arith.addi %mul3A_25, %add3A_26 : i32
    %mul3A_28 = arith.constant 128 : i32
    %mul3A_29 = arith.muli %add3A_27, %mul3A_28 : i32
    %run_scoped3A = arith.constant 1 : i32
    "tpu.region"() ({
      %run_scoped3A_69 = tpu.sem_alloc : memref<!tpu.dma_semaphore, #tpu.memory_space<semaphore_mem>>
      %dma_start3A_70 = arith.constant 0 : i32
      %dma_start3A_71 = arith.constant 0 : i32
      %dma_start3A_72 = tpu.memref_slice %arg10[%run_scoped3A, %dma_start3A_70, %dma_start3A_71] : memref<2x128x128xf32, #tpu.memory_space<vmem>> -> memref<1x128x128xf32, #tpu.memory_space<vmem>>
      %dma_start3A_73 = tpu.memref_squeeze %dma_start3A_72 : memref<1x128x128xf32, #tpu.memory_space<vmem>> -> memref<128x128xf32, #tpu.memory_space<vmem>>
      %dma_start3A_74 = arith.constant 0 : i32
      %dma_start3A_75 = tpu.memref_slice %arg11[%mul3A_29, %dma_start3A_74] : memref<10240x128xf32, #tpu.memory_space<vmem_shared>> -> memref<128x128xf32, #tpu.memory_space<vmem_shared>>
      %dma_start3A_76 = arith.constant 0 : i32
      %dma_start3A_77 = tpu.memref_slice %arg11[%mul3A_29, %dma_start3A_76] : memref<10240x128xf32, #tpu.memory_space<vmem_shared>> -> memref<128x128xf32, #tpu.memory_space<vmem_shared>>
      %dma_start3A_78 = arith.constant 0 : i32
      %dma_start3A_79 = arith.constant 0 : i32
      %dma_start3A_80 = tpu.memref_slice %arg10[%run_scoped3A, %dma_start3A_78, %dma_start3A_79] : memref<2x128x128xf32, #tpu.memory_space<vmem>> -> memref<1x128x128xf32, #tpu.memory_space<vmem>>
      %dma_start3A_81 = tpu.memref_squeeze %dma_start3A_80 : memref<1x128x128xf32, #tpu.memory_space<vmem>> -> memref<128x128xf32, #tpu.memory_space<vmem>>
      tpu.enqueue_dma source(%dma_start3A_81 : memref<128x128xf32, #tpu.memory_space<vmem>>) target(%dma_start3A_77 : memref<128x128xf32, #tpu.memory_space<vmem_shared>>) target_semaphore(%run_scoped3A_69 : memref<!tpu.dma_semaphore, #tpu.memory_space<semaphore_mem>>)
      %dma_wait3A = arith.constant 0 : i32
      %dma_wait3A_82 = arith.constant 0 : i32
      %dma_wait3A_83 = tpu.memref_slice %arg10[%run_scoped3A, %dma_wait3A, %dma_wait3A_82] : memref<2x128x128xf32, #tpu.memory_space<vmem>> -> memref<1x128x128xf32, #tpu.memory_space<vmem>>
      %dma_wait3A_84 = tpu.memref_squeeze %dma_wait3A_83 : memref<1x128x128xf32, #tpu.memory_space<vmem>> -> memref<128x128xf32, #tpu.memory_space<vmem>>
      %dma_wait3A_85 = arith.constant 0 : i32
      %dma_wait3A_86 = tpu.memref_slice %arg11[%mul3A_29, %dma_wait3A_85] : memref<10240x128xf32, #tpu.memory_space<vmem_shared>> -> memref<128x128xf32, #tpu.memory_space<vmem_shared>>
      %dma_wait3A_87 = arith.constant 0 : i32
      %dma_wait3A_88 = tpu.memref_slice %arg11[%mul3A_29, %dma_wait3A_87] : memref<10240x128xf32, #tpu.memory_space<vmem_shared>> -> memref<128x128xf32, #tpu.memory_space<vmem_shared>>
      %dma_wait3A_89 = arith.constant 0 : i32
      %dma_wait3A_90 = arith.constant 0 : i32
      %dma_wait3A_91 = tpu.memref_slice %arg10[%run_scoped3A, %dma_wait3A_89, %dma_wait3A_90] : memref<2x128x128xf32, #tpu.memory_space<vmem>> -> memref<1x128x128xf32, #tpu.memory_space<vmem>>
      %dma_wait3A_92 = tpu.memref_squeeze %dma_wait3A_91 : memref<1x128x128xf32, #tpu.memory_space<vmem>> -> memref<128x128xf32, #tpu.memory_space<vmem>>
      tpu.wait_dma2 semaphore(%run_scoped3A_69 : memref<!tpu.dma_semaphore, #tpu.memory_space<semaphore_mem>>) src(%dma_wait3A_92 : memref<128x128xf32, #tpu.memory_space<vmem>>) dst(%dma_wait3A_88 : memref<128x128xf32, #tpu.memory_space<vmem_shared>>)
      tpu.yield
    }) : () -> ()
    %mul3A_30 = arith.constant 5 : i32
    %mul3A_31 = arith.muli %arg1, %mul3A_30 : i32
    %add3A_32 = arith.constant 1 : i32
    %add3A_33 = arith.addi %mul3A_31, %add3A_32 : i32
    %mul3A_34 = arith.constant 128 : i32
    %mul3A_35 = arith.muli %add3A_33, %mul3A_34 : i32
    %run_scoped3A_36 = arith.constant 1 : i32
    "tpu.region"() ({
      %run_scoped3A_69 = tpu.sem_alloc : memref<!tpu.dma_semaphore, #tpu.memory_space<semaphore_mem>>
      %dma_start3A_70 = arith.constant 0 : i32
      %dma_start3A_71 = arith.constant 0 : i32
      %dma_start3A_72 = tpu.memref_slice %arg10[%run_scoped3A_36, %dma_start3A_70, %dma_start3A_71] : memref<2x128x128xf32, #tpu.memory_space<vmem>> -> memref<1x128x128xf32, #tpu.memory_space<vmem>>
      %dma_start3A_73 = tpu.memref_squeeze %dma_start3A_72 : memref<1x128x128xf32, #tpu.memory_space<vmem>> -> memref<128x128xf32, #tpu.memory_space<vmem>>
      %dma_start3A_74 = arith.constant 0 : i32
      %dma_start3A_75 = tpu.memref_slice %arg11[%mul3A_35, %dma_start3A_74] : memref<10240x128xf32, #tpu.memory_space<vmem_shared>> -> memref<128x128xf32, #tpu.memory_space<vmem_shared>>
      %dma_start3A_76 = arith.constant 0 : i32
      %dma_start3A_77 = tpu.memref_slice %arg11[%mul3A_35, %dma_start3A_76] : memref<10240x128xf32, #tpu.memory_space<vmem_shared>> -> memref<128x128xf32, #tpu.memory_space<vmem_shared>>
      %dma_start3A_78 = arith.constant 0 : i32
      %dma_start3A_79 = arith.constant 0 : i32
      %dma_start3A_80 = tpu.memref_slice %arg10[%run_scoped3A_36, %dma_start3A_78, %dma_start3A_79] : memref<2x128x128xf32, #tpu.memory_space<vmem>> -> memref<1x128x128xf32, #tpu.memory_space<vmem>>
      %dma_start3A_81 = tpu.memref_squeeze %dma_start3A_80 : memref<1x128x128xf32, #tpu.memory_space<vmem>> -> memref<128x128xf32, #tpu.memory_space<vmem>>
      tpu.enqueue_dma source(%dma_start3A_81 : memref<128x128xf32, #tpu.memory_space<vmem>>) target(%dma_start3A_77 : memref<128x128xf32, #tpu.memory_space<vmem_shared>>) target_semaphore(%run_scoped3A_69 : memref<!tpu.dma_semaphore, #tpu.memory_space<semaphore_mem>>)
      %dma_wait3A = arith.constant 0 : i32
      %dma_wait3A_82 = arith.constant 0 : i32
      %dma_wait3A_83 = tpu.memref_slice %arg10[%run_scoped3A_36, %dma_wait3A, %dma_wait3A_82] : memref<2x128x128xf32, #tpu.memory_space<vmem>> -> memref<1x128x128xf32, #tpu.memory_space<vmem>>
      %dma_wait3A_84 = tpu.memref_squeeze %dma_wait3A_83 : memref<1x128x128xf32, #tpu.memory_space<vmem>> -> memref<128x128xf32, #tpu.memory_space<vmem>>
      %dma_wait3A_85 = arith.constant 0 : i32
      %dma_wait3A_86 = tpu.memref_slice %arg11[%mul3A_35, %dma_wait3A_85] : memref<10240x128xf32, #tpu.memory_space<vmem_shared>> -> memref<128x128xf32, #tpu.memory_space<vmem_shared>>
      %dma_wait3A_87 = arith.constant 0 : i32
      %dma_wait3A_88 = tpu.memref_slice %arg11[%mul3A_35, %dma_wait3A_87] : memref<10240x128xf32, #tpu.memory_space<vmem_shared>> -> memref<128x128xf32, #tpu.memory_space<vmem_shared>>
      %dma_wait3A_89 = arith.constant 0 : i32
      %dma_wait3A_90 = arith.constant 0 : i32
      %dma_wait3A_91 = tpu.memref_slice %arg10[%run_scoped3A_36, %dma_wait3A_89, %dma_wait3A_90] : memref<2x128x128xf32, #tpu.memory_space<vmem>> -> memref<1x128x128xf32, #tpu.memory_space<vmem>>
      %dma_wait3A_92 = tpu.memref_squeeze %dma_wait3A_91 : memref<1x128x128xf32, #tpu.memory_space<vmem>> -> memref<128x128xf32, #tpu.memory_space<vmem>>
      tpu.wait_dma2 semaphore(%run_scoped3A_69 : memref<!tpu.dma_semaphore, #tpu.memory_space<semaphore_mem>>) src(%dma_wait3A_92 : memref<128x128xf32, #tpu.memory_space<vmem>>) dst(%dma_wait3A_88 : memref<128x128xf32, #tpu.memory_space<vmem_shared>>)
      tpu.yield
    }) : () -> ()
    %mul3A_37 = arith.constant 5 : i32
    %mul3A_38 = arith.muli %arg1, %mul3A_37 : i32
    %add3A_39 = arith.constant 2 : i32
    %add3A_40 = arith.addi %mul3A_38, %add3A_39 : i32
    %mul3A_41 = arith.constant 128 : i32
    %mul3A_42 = arith.muli %add3A_40, %mul3A_41 : i32
    %run_scoped3A_43 = arith.constant 1 : i32
    "tpu.region"() ({
      %run_scoped3A_69 = tpu.sem_alloc : memref<!tpu.dma_semaphore, #tpu.memory_space<semaphore_mem>>
      %dma_start3A_70 = arith.constant 0 : i32
      %dma_start3A_71 = arith.constant 0 : i32
      %dma_start3A_72 = tpu.memref_slice %arg10[%run_scoped3A_43, %dma_start3A_70, %dma_start3A_71] : memref<2x128x128xf32, #tpu.memory_space<vmem>> -> memref<1x128x128xf32, #tpu.memory_space<vmem>>
      %dma_start3A_73 = tpu.memref_squeeze %dma_start3A_72 : memref<1x128x128xf32, #tpu.memory_space<vmem>> -> memref<128x128xf32, #tpu.memory_space<vmem>>
      %dma_start3A_74 = arith.constant 0 : i32
      %dma_start3A_75 = tpu.memref_slice %arg11[%mul3A_42, %dma_start3A_74] : memref<10240x128xf32, #tpu.memory_space<vmem_shared>> -> memref<128x128xf32, #tpu.memory_space<vmem_shared>>
      %dma_start3A_76 = arith.constant 0 : i32
      %dma_start3A_77 = tpu.memref_slice %arg11[%mul3A_42, %dma_start3A_76] : memref<10240x128xf32, #tpu.memory_space<vmem_shared>> -> memref<128x128xf32, #tpu.memory_space<vmem_shared>>
      %dma_start3A_78 = arith.constant 0 : i32
      %dma_start3A_79 = arith.constant 0 : i32
      %dma_start3A_80 = tpu.memref_slice %arg10[%run_scoped3A_43, %dma_start3A_78, %dma_start3A_79] : memref<2x128x128xf32, #tpu.memory_space<vmem>> -> memref<1x128x128xf32, #tpu.memory_space<vmem>>
      %dma_start3A_81 = tpu.memref_squeeze %dma_start3A_80 : memref<1x128x128xf32, #tpu.memory_space<vmem>> -> memref<128x128xf32, #tpu.memory_space<vmem>>
      tpu.enqueue_dma source(%dma_start3A_81 : memref<128x128xf32, #tpu.memory_space<vmem>>) target(%dma_start3A_77 : memref<128x128xf32, #tpu.memory_space<vmem_shared>>) target_semaphore(%run_scoped3A_69 : memref<!tpu.dma_semaphore, #tpu.memory_space<semaphore_mem>>)
      %dma_wait3A = arith.constant 0 : i32
      %dma_wait3A_82 = arith.constant 0 : i32
      %dma_wait3A_83 = tpu.memref_slice %arg10[%run_scoped3A_43, %dma_wait3A, %dma_wait3A_82] : memref<2x128x128xf32, #tpu.memory_space<vmem>> -> memref<1x128x128xf32, #tpu.memory_space<vmem>>
      %dma_wait3A_84 = tpu.memref_squeeze %dma_wait3A_83 : memref<1x128x128xf32, #tpu.memory_space<vmem>> -> memref<128x128xf32, #tpu.memory_space<vmem>>
      %dma_wait3A_85 = arith.constant 0 : i32
      %dma_wait3A_86 = tpu.memref_slice %arg11[%mul3A_42, %dma_wait3A_85] : memref<10240x128xf32, #tpu.memory_space<vmem_shared>> -> memref<128x128xf32, #tpu.memory_space<vmem_shared>>
      %dma_wait3A_87 = arith.constant 0 : i32
      %dma_wait3A_88 = tpu.memref_slice %arg11[%mul3A_42, %dma_wait3A_87] : memref<10240x128xf32, #tpu.memory_space<vmem_shared>> -> memref<128x128xf32, #tpu.memory_space<vmem_shared>>
      %dma_wait3A_89 = arith.constant 0 : i32
      %dma_wait3A_90 = arith.constant 0 : i32
      %dma_wait3A_91 = tpu.memref_slice %arg10[%run_scoped3A_43, %dma_wait3A_89, %dma_wait3A_90] : memref<2x128x128xf32, #tpu.memory_space<vmem>> -> memref<1x128x128xf32, #tpu.memory_space<vmem>>
      %dma_wait3A_92 = tpu.memref_squeeze %dma_wait3A_91 : memref<1x128x128xf32, #tpu.memory_space<vmem>> -> memref<128x128xf32, #tpu.memory_space<vmem>>
      tpu.wait_dma2 semaphore(%run_scoped3A_69 : memref<!tpu.dma_semaphore, #tpu.memory_space<semaphore_mem>>) src(%dma_wait3A_92 : memref<128x128xf32, #tpu.memory_space<vmem>>) dst(%dma_wait3A_88 : memref<128x128xf32, #tpu.memory_space<vmem_shared>>)
      tpu.yield
    }) : () -> ()
    %mul3A_44 = arith.constant 5 : i32
    %mul3A_45 = arith.muli %arg1, %mul3A_44 : i32
    %add3A_46 = arith.constant 3 : i32
    %add3A_47 = arith.addi %mul3A_45, %add3A_46 : i32
    %mul3A_48 = arith.constant 128 : i32
    %mul3A_49 = arith.muli %add3A_47, %mul3A_48 : i32
    %run_scoped3A_50 = arith.constant 1 : i32
    "tpu.region"() ({
      %run_scoped3A_69 = tpu.sem_alloc : memref<!tpu.dma_semaphore, #tpu.memory_space<semaphore_mem>>
      %dma_start3A_70 = arith.constant 0 : i32
      %dma_start3A_71 = arith.constant 0 : i32
      %dma_start3A_72 = tpu.memref_slice %arg10[%run_scoped3A_50, %dma_start3A_70, %dma_start3A_71] : memref<2x128x128xf32, #tpu.memory_space<vmem>> -> memref<1x128x128xf32, #tpu.memory_space<vmem>>
      %dma_start3A_73 = tpu.memref_squeeze %dma_start3A_72 : memref<1x128x128xf32, #tpu.memory_space<vmem>> -> memref<128x128xf32, #tpu.memory_space<vmem>>
      %dma_start3A_74 = arith.constant 0 : i32
      %dma_start3A_75 = tpu.memref_slice %arg11[%mul3A_49, %dma_start3A_74] : memref<10240x128xf32, #tpu.memory_space<vmem_shared>> -> memref<128x128xf32, #tpu.memory_space<vmem_shared>>
      %dma_start3A_76 = arith.constant 0 : i32
      %dma_start3A_77 = tpu.memref_slice %arg11[%mul3A_49, %dma_start3A_76] : memref<10240x128xf32, #tpu.memory_space<vmem_shared>> -> memref<128x128xf32, #tpu.memory_space<vmem_shared>>
      %dma_start3A_78 = arith.constant 0 : i32
      %dma_start3A_79 = arith.constant 0 : i32
      %dma_start3A_80 = tpu.memref_slice %arg10[%run_scoped3A_50, %dma_start3A_78, %dma_start3A_79] : memref<2x128x128xf32, #tpu.memory_space<vmem>> -> memref<1x128x128xf32, #tpu.memory_space<vmem>>
      %dma_start3A_81 = tpu.memref_squeeze %dma_start3A_80 : memref<1x128x128xf32, #tpu.memory_space<vmem>> -> memref<128x128xf32, #tpu.memory_space<vmem>>
      tpu.enqueue_dma source(%dma_start3A_81 : memref<128x128xf32, #tpu.memory_space<vmem>>) target(%dma_start3A_77 : memref<128x128xf32, #tpu.memory_space<vmem_shared>>) target_semaphore(%run_scoped3A_69 : memref<!tpu.dma_semaphore, #tpu.memory_space<semaphore_mem>>)
      %dma_wait3A = arith.constant 0 : i32
      %dma_wait3A_82 = arith.constant 0 : i32
      %dma_wait3A_83 = tpu.memref_slice %arg10[%run_scoped3A_50, %dma_wait3A, %dma_wait3A_82] : memref<2x128x128xf32, #tpu.memory_space<vmem>> -> memref<1x128x128xf32, #tpu.memory_space<vmem>>
      %dma_wait3A_84 = tpu.memref_squeeze %dma_wait3A_83 : memref<1x128x128xf32, #tpu.memory_space<vmem>> -> memref<128x128xf32, #tpu.memory_space<vmem>>
      %dma_wait3A_85 = arith.constant 0 : i32
      %dma_wait3A_86 = tpu.memref_slice %arg11[%mul3A_49, %dma_wait3A_85] : memref<10240x128xf32, #tpu.memory_space<vmem_shared>> -> memref<128x128xf32, #tpu.memory_space<vmem_shared>>
      %dma_wait3A_87 = arith.constant 0 : i32
      %dma_wait3A_88 = tpu.memref_slice %arg11[%mul3A_49, %dma_wait3A_87] : memref<10240x128xf32, #tpu.memory_space<vmem_shared>> -> memref<128x128xf32, #tpu.memory_space<vmem_shared>>
      %dma_wait3A_89 = arith.constant 0 : i32
      %dma_wait3A_90 = arith.constant 0 : i32
      %dma_wait3A_91 = tpu.memref_slice %arg10[%run_scoped3A_50, %dma_wait3A_89, %dma_wait3A_90] : memref<2x128x128xf32, #tpu.memory_space<vmem>> -> memref<1x128x128xf32, #tpu.memory_space<vmem>>
      %dma_wait3A_92 = tpu.memref_squeeze %dma_wait3A_91 : memref<1x128x128xf32, #tpu.memory_space<vmem>> -> memref<128x128xf32, #tpu.memory_space<vmem>>
      tpu.wait_dma2 semaphore(%run_scoped3A_69 : memref<!tpu.dma_semaphore, #tpu.memory_space<semaphore_mem>>) src(%dma_wait3A_92 : memref<128x128xf32, #tpu.memory_space<vmem>>) dst(%dma_wait3A_88 : memref<128x128xf32, #tpu.memory_space<vmem_shared>>)
      tpu.yield
    }) : () -> ()
    %mul3A_51 = arith.constant 5 : i32
    %mul3A_52 = arith.muli %arg1, %mul3A_51 : i32
    %add3A_53 = arith.constant 4 : i32
    %add3A_54 = arith.addi %mul3A_52, %add3A_53 : i32
    %mul3A_55 = arith.constant 128 : i32
    %mul3A_56 = arith.muli %add3A_54, %mul3A_55 : i32
    %run_scoped3A_57 = arith.constant 1 : i32
    "tpu.region"() ({
      %run_scoped3A_69 = tpu.sem_alloc : memref<!tpu.dma_semaphore, #tpu.memory_space<semaphore_mem>>
      %dma_start3A_70 = arith.constant 0 : i32
      %dma_start3A_71 = arith.constant 0 : i32
      %dma_start3A_72 = tpu.memref_slice %arg10[%run_scoped3A_57, %dma_start3A_70, %dma_start3A_71] : memref<2x128x128xf32, #tpu.memory_space<vmem>> -> memref<1x128x128xf32, #tpu.memory_space<vmem>>
      %dma_start3A_73 = tpu.memref_squeeze %dma_start3A_72 : memref<1x128x128xf32, #tpu.memory_space<vmem>> -> memref<128x128xf32, #tpu.memory_space<vmem>>
      %dma_start3A_74 = arith.constant 0 : i32
      %dma_start3A_75 = tpu.memref_slice %arg11[%mul3A_56, %dma_start3A_74] : memref<10240x128xf32, #tpu.memory_space<vmem_shared>> -> memref<128x128xf32, #tpu.memory_space<vmem_shared>>
      %dma_start3A_76 = arith.constant 0 : i32
      %dma_start3A_77 = tpu.memref_slice %arg11[%mul3A_56, %dma_start3A_76] : memref<10240x128xf32, #tpu.memory_space<vmem_shared>> -> memref<128x128xf32, #tpu.memory_space<vmem_shared>>
      %dma_start3A_78 = arith.constant 0 : i32
      %dma_start3A_79 = arith.constant 0 : i32
      %dma_start3A_80 = tpu.memref_slice %arg10[%run_scoped3A_57, %dma_start3A_78, %dma_start3A_79] : memref<2x128x128xf32, #tpu.memory_space<vmem>> -> memref<1x128x128xf32, #tpu.memory_space<vmem>>
      %dma_start3A_81 = tpu.memref_squeeze %dma_start3A_80 : memref<1x128x128xf32, #tpu.memory_space<vmem>> -> memref<128x128xf32, #tpu.memory_space<vmem>>
      tpu.enqueue_dma source(%dma_start3A_81 : memref<128x128xf32, #tpu.memory_space<vmem>>) target(%dma_start3A_77 : memref<128x128xf32, #tpu.memory_space<vmem_shared>>) target_semaphore(%run_scoped3A_69 : memref<!tpu.dma_semaphore, #tpu.memory_space<semaphore_mem>>)
      %dma_wait3A = arith.constant 0 : i32
      %dma_wait3A_82 = arith.constant 0 : i32
      %dma_wait3A_83 = tpu.memref_slice %arg10[%run_scoped3A_57, %dma_wait3A, %dma_wait3A_82] : memref<2x128x128xf32, #tpu.memory_space<vmem>> -> memref<1x128x128xf32, #tpu.memory_space<vmem>>
      %dma_wait3A_84 = tpu.memref_squeeze %dma_wait3A_83 : memref<1x128x128xf32, #tpu.memory_space<vmem>> -> memref<128x128xf32, #tpu.memory_space<vmem>>
      %dma_wait3A_85 = arith.constant 0 : i32
      %dma_wait3A_86 = tpu.memref_slice %arg11[%mul3A_56, %dma_wait3A_85] : memref<10240x128xf32, #tpu.memory_space<vmem_shared>> -> memref<128x128xf32, #tpu.memory_space<vmem_shared>>
      %dma_wait3A_87 = arith.constant 0 : i32
      %dma_wait3A_88 = tpu.memref_slice %arg11[%mul3A_56, %dma_wait3A_87] : memref<10240x128xf32, #tpu.memory_space<vmem_shared>> -> memref<128x128xf32, #tpu.memory_space<vmem_shared>>
      %dma_wait3A_89 = arith.constant 0 : i32
      %dma_wait3A_90 = arith.constant 0 : i32
      %dma_wait3A_91 = tpu.memref_slice %arg10[%run_scoped3A_57, %dma_wait3A_89, %dma_wait3A_90] : memref<2x128x128xf32, #tpu.memory_space<vmem>> -> memref<1x128x128xf32, #tpu.memory_space<vmem>>
      %dma_wait3A_92 = tpu.memref_squeeze %dma_wait3A_91 : memref<1x128x128xf32, #tpu.memory_space<vmem>> -> memref<128x128xf32, #tpu.memory_space<vmem>>
      tpu.wait_dma2 semaphore(%run_scoped3A_69 : memref<!tpu.dma_semaphore, #tpu.memory_space<semaphore_mem>>) src(%dma_wait3A_92 : memref<128x128xf32, #tpu.memory_space<vmem>>) dst(%dma_wait3A_88 : memref<128x128xf32, #tpu.memory_space<vmem_shared>>)
      tpu.yield
    }) : () -> ()
    %barrier3A = arith.constant 0 : index
    tpu.barrier barrier_id(%barrier3A)
    %scan3A_58 = arith.constant 0 : i32
    %scan3A_59 = arith.constant 0 : i32
    %scan3A_60 = arith.constant 20 : i32
    %scan3A_61 = arith.addi %scan3A_59, %scan3A_60 : i32
    %scan3A_62 = arith.constant 1 : i32
    scf.for %scan3A_69 = %scan3A_59 to %scan3A_61 step %scan3A_62  : i32 {
      %mul3A_70 = arith.constant 2 : i32
      %mul3A_71 = arith.muli %mul3A_70, %scan3A_69 : i32
      %add3A_72 = arith.constant 0 : i32
      %add3A_73 = arith.addi %mul3A_71, %add3A_72 : i32
      %add3A_74 = arith.constant 1 : i32
      %add3A_75 = arith.addi %add3A_73, %add3A_74 : i32
      %lt3A_76 = arith.constant 40 : i32
      %lt3A_77 = arith.cmpi slt, %add3A_75, %lt3A_76 : i32
      %convert_element_type3A_78 = arith.extui %lt3A_77 : i1 to i32
      %cond3A_79 = arith.constant 0 : i32
      %cond3A_80 = arith.cmpi ne, %convert_element_type3A_78, %cond3A_79 : i32
      scf.if %cond3A_80 {
        %add3A_115 = arith.constant 1 : i32
        %add3A_116 = arith.addi %add3A_73, %add3A_115 : i32
        %dma_start3A_117 = arith.constant 1 : i32
        %dma_start3A_118 = arith.constant 0 : i32
        %dma_start3A_119 = arith.constant 0 : i32
        %dma_start3A_120 = tpu.memref_slice %arg10[%dma_start3A_117, %dma_start3A_118, %dma_start3A_119] : memref<2x128x128xf32, #tpu.memory_space<vmem>> -> memref<1x128x128xf32, #tpu.memory_space<vmem>>
        %dma_start3A_121 = tpu.memref_squeeze %dma_start3A_120 : memref<1x128x128xf32, #tpu.memory_space<vmem>> -> memref<128x128xf32, #tpu.memory_space<vmem>>
        %dma_start3A_122 = arith.constant 0 : i32
        %dma_start3A_123 = tpu.memref_slice %arg8[%add3A_116, %dma_start3A_122] : memref<40x128xi32, #tpu.memory_space<vmem>> -> memref<1x128xi32, #tpu.memory_space<vmem>>
        %dma_start3A_124 = tpu.memref_squeeze %dma_start3A_123 : memref<1x128xi32, #tpu.memory_space<vmem>> -> memref<128xi32, #tpu.memory_space<vmem>>
        %dma_start3A_125 = arith.constant 0 : i32
        %dma_start3A_126 = arith.constant 0 : i32
        %dma_start3A_127 = tpu.memref_slice %arg2[%dma_start3A_125, %dma_start3A_126] : memref<10000x128xf32, #tpu.memory_space<hbm>> -> memref<10000x128xf32, #tpu.memory_space<hbm>>
        tpu.enqueue_indirect_dma source(%dma_start3A_127 : memref<10000x128xf32, #tpu.memory_space<hbm>>) target(%dma_start3A_121 : memref<128x128xf32, #tpu.memory_space<vmem>>) offsets(%dma_start3A_124 : memref<128xi32, #tpu.memory_space<vmem>>) semaphore(%arg13 : memref<!tpu.dma_semaphore, #tpu.memory_space<semaphore_mem>>)
      } else {
      }
      %dma_wait3A = arith.constant 0 : i32
      %dma_wait3A_81 = arith.constant 0 : i32
      %dma_wait3A_82 = arith.constant 0 : i32
      %dma_wait3A_83 = tpu.memref_slice %arg10[%dma_wait3A, %dma_wait3A_81, %dma_wait3A_82] : memref<2x128x128xf32, #tpu.memory_space<vmem>> -> memref<1x128x128xf32, #tpu.memory_space<vmem>>
      %dma_wait3A_84 = tpu.memref_squeeze %dma_wait3A_83 : memref<1x128x128xf32, #tpu.memory_space<vmem>> -> memref<128x128xf32, #tpu.memory_space<vmem>>
      %dma_wait3A_85 = arith.constant 0 : i32
      %dma_wait3A_86 = tpu.memref_slice %arg8[%add3A_73, %dma_wait3A_85] : memref<40x128xi32, #tpu.memory_space<vmem>> -> memref<1x128xi32, #tpu.memory_space<vmem>>
      %dma_wait3A_87 = tpu.memref_squeeze %dma_wait3A_86 : memref<1x128xi32, #tpu.memory_space<vmem>> -> memref<128xi32, #tpu.memory_space<vmem>>
      %dma_wait3A_88 = arith.constant 0 : i32
      %dma_wait3A_89 = arith.constant 0 : i32
      %dma_wait3A_90 = tpu.memref_slice %arg2[%dma_wait3A_88, %dma_wait3A_89] : memref<10000x128xf32, #tpu.memory_space<hbm>> -> memref<10000x128xf32, #tpu.memory_space<hbm>>
      tpu.wait_indirect_dma semaphore(%arg12 : memref<!tpu.dma_semaphore, #tpu.memory_space<semaphore_mem>>) src(%dma_wait3A_90 : memref<10000x128xf32, #tpu.memory_space<hbm>>) dst(%dma_wait3A_84 : memref<128x128xf32, #tpu.memory_space<vmem>>)
      %run_scoped3A_91 = arith.constant 0 : i32
      "tpu.region"() ({
        %run_scoped3A_115 = tpu.sem_alloc : memref<!tpu.dma_semaphore, #tpu.memory_space<semaphore_mem>>
        %dma_start3A_116 = arith.constant 0 : i32
        %dma_start3A_117 = arith.constant 0 : i32
        %dma_start3A_118 = tpu.memref_slice %arg10[%run_scoped3A_91, %dma_start3A_116, %dma_start3A_117] : memref<2x128x128xf32, #tpu.memory_space<vmem>> -> memref<1x128x128xf32, #tpu.memory_space<vmem>>
        %dma_start3A_119 = tpu.memref_squeeze %dma_start3A_118 : memref<1x128x128xf32, #tpu.memory_space<vmem>> -> memref<128x128xf32, #tpu.memory_space<vmem>>
        %dma_start3A_120 = arith.constant 0 : i32
        %dma_start3A_121 = tpu.memref_slice %arg9[%add3A_73, %dma_start3A_120] : memref<40x128xi32, #tpu.memory_space<vmem>> -> memref<1x128xi32, #tpu.memory_space<vmem>>
        %dma_start3A_122 = tpu.memref_squeeze %dma_start3A_121 : memref<1x128xi32, #tpu.memory_space<vmem>> -> memref<128xi32, #tpu.memory_space<vmem>>
        %dma_start3A_123 = arith.constant 0 : i32
        %dma_start3A_124 = arith.constant 0 : i32
        %dma_start3A_125 = tpu.memref_slice %arg11[%dma_start3A_123, %dma_start3A_124] : memref<10240x128xf32, #tpu.memory_space<vmem_shared>> -> memref<10240x128xf32, #tpu.memory_space<vmem_shared>>
        tpu.enqueue_indirect_dma source(%dma_start3A_119 : memref<128x128xf32, #tpu.memory_space<vmem>>) target(%dma_start3A_125 : memref<10240x128xf32, #tpu.memory_space<vmem_shared>>) offsets(%dma_start3A_122 : memref<128xi32, #tpu.memory_space<vmem>>) semaphore(%run_scoped3A_115 : memref<!tpu.dma_semaphore, #tpu.memory_space<semaphore_mem>>) {add = true}
        %dma_wait3A_126 = arith.constant 0 : i32
        %dma_wait3A_127 = arith.constant 0 : i32
        %dma_wait3A_128 = tpu.memref_slice %arg10[%run_scoped3A_91, %dma_wait3A_126, %dma_wait3A_127] : memref<2x128x128xf32, #tpu.memory_space<vmem>> -> memref<1x128x128xf32, #tpu.memory_space<vmem>>
        %dma_wait3A_129 = tpu.memref_squeeze %dma_wait3A_128 : memref<1x128x128xf32, #tpu.memory_space<vmem>> -> memref<128x128xf32, #tpu.memory_space<vmem>>
        %dma_wait3A_130 = arith.constant 0 : i32
        %dma_wait3A_131 = tpu.memref_slice %arg9[%add3A_73, %dma_wait3A_130] : memref<40x128xi32, #tpu.memory_space<vmem>> -> memref<1x128xi32, #tpu.memory_space<vmem>>
        %dma_wait3A_132 = tpu.memref_squeeze %dma_wait3A_131 : memref<1x128xi32, #tpu.memory_space<vmem>> -> memref<128xi32, #tpu.memory_space<vmem>>
        %dma_wait3A_133 = arith.constant 0 : i32
        %dma_wait3A_134 = arith.constant 0 : i32
        %dma_wait3A_135 = tpu.memref_slice %arg11[%dma_wait3A_133, %dma_wait3A_134] : memref<10240x128xf32, #tpu.memory_space<vmem_shared>> -> memref<10240x128xf32, #tpu.memory_space<vmem_shared>>
        tpu.wait_indirect_dma semaphore(%run_scoped3A_115 : memref<!tpu.dma_semaphore, #tpu.memory_space<semaphore_mem>>) src(%dma_wait3A_129 : memref<128x128xf32, #tpu.memory_space<vmem>>) dst(%dma_wait3A_135 : memref<10240x128xf32, #tpu.memory_space<vmem_shared>>)
        tpu.yield
      }) : () -> ()
      %mul3A_92 = arith.constant 2 : i32
      %mul3A_93 = arith.muli %mul3A_92, %scan3A_69 : i32
      %add3A_94 = arith.constant 1 : i32
      %add3A_95 = arith.addi %mul3A_93, %add3A_94 : i32
      %add3A_96 = arith.constant 1 : i32
      %add3A_97 = arith.addi %add3A_95, %add3A_96 : i32
      %lt3A_98 = arith.constant 40 : i32
      %lt3A_99 = arith.cmpi slt, %add3A_97, %lt3A_98 : i32
      %convert_element_type3A_100 = arith.extui %lt3A_99 : i1 to i32
      %cond3A_101 = arith.constant 0 : i32
      %cond3A_102 = arith.cmpi ne, %convert_element_type3A_100, %cond3A_101 : i32
      scf.if %cond3A_102 {
        %add3A_115 = arith.constant 1 : i32
        %add3A_116 = arith.addi %add3A_95, %add3A_115 : i32
        %dma_start3A_117 = arith.constant 0 : i32
        %dma_start3A_118 = arith.constant 0 : i32
        %dma_start3A_119 = arith.constant 0 : i32
        %dma_start3A_120 = tpu.memref_slice %arg10[%dma_start3A_117, %dma_start3A_118, %dma_start3A_119] : memref<2x128x128xf32, #tpu.memory_space<vmem>> -> memref<1x128x128xf32, #tpu.memory_space<vmem>>
        %dma_start3A_121 = tpu.memref_squeeze %dma_start3A_120 : memref<1x128x128xf32, #tpu.memory_space<vmem>> -> memref<128x128xf32, #tpu.memory_space<vmem>>
        %dma_start3A_122 = arith.constant 0 : i32
        %dma_start3A_123 = tpu.memref_slice %arg8[%add3A_116, %dma_start3A_122] : memref<40x128xi32, #tpu.memory_space<vmem>> -> memref<1x128xi32, #tpu.memory_space<vmem>>
        %dma_start3A_124 = tpu.memref_squeeze %dma_start3A_123 : memref<1x128xi32, #tpu.memory_space<vmem>> -> memref<128xi32, #tpu.memory_space<vmem>>
        %dma_start3A_125 = arith.constant 0 : i32
        %dma_start3A_126 = arith.constant 0 : i32
        %dma_start3A_127 = tpu.memref_slice %arg2[%dma_start3A_125, %dma_start3A_126] : memref<10000x128xf32, #tpu.memory_space<hbm>> -> memref<10000x128xf32, #tpu.memory_space<hbm>>
        tpu.enqueue_indirect_dma source(%dma_start3A_127 : memref<10000x128xf32, #tpu.memory_space<hbm>>) target(%dma_start3A_121 : memref<128x128xf32, #tpu.memory_space<vmem>>) offsets(%dma_start3A_124 : memref<128xi32, #tpu.memory_space<vmem>>) semaphore(%arg12 : memref<!tpu.dma_semaphore, #tpu.memory_space<semaphore_mem>>)
      } else {
      }
      %dma_wait3A_103 = arith.constant 1 : i32
      %dma_wait3A_104 = arith.constant 0 : i32
      %dma_wait3A_105 = arith.constant 0 : i32
      %dma_wait3A_106 = tpu.memref_slice %arg10[%dma_wait3A_103, %dma_wait3A_104, %dma_wait3A_105] : memref<2x128x128xf32, #tpu.memory_space<vmem>> -> memref<1x128x128xf32, #tpu.memory_space<vmem>>
      %dma_wait3A_107 = tpu.memref_squeeze %dma_wait3A_106 : memref<1x128x128xf32, #tpu.memory_space<vmem>> -> memref<128x128xf32, #tpu.memory_space<vmem>>
      %dma_wait3A_108 = arith.constant 0 : i32
      %dma_wait3A_109 = tpu.memref_slice %arg8[%add3A_95, %dma_wait3A_108] : memref<40x128xi32, #tpu.memory_space<vmem>> -> memref<1x128xi32, #tpu.memory_space<vmem>>
      %dma_wait3A_110 = tpu.memref_squeeze %dma_wait3A_109 : memref<1x128xi32, #tpu.memory_space<vmem>> -> memref<128xi32, #tpu.memory_space<vmem>>
      %dma_wait3A_111 = arith.constant 0 : i32
      %dma_wait3A_112 = arith.constant 0 : i32
      %dma_wait3A_113 = tpu.memref_slice %arg2[%dma_wait3A_111, %dma_wait3A_112] : memref<10000x128xf32, #tpu.memory_space<hbm>> -> memref<10000x128xf32, #tpu.memory_space<hbm>>
      tpu.wait_indirect_dma semaphore(%arg13 : memref<!tpu.dma_semaphore, #tpu.memory_space<semaphore_mem>>) src(%dma_wait3A_113 : memref<10000x128xf32, #tpu.memory_space<hbm>>) dst(%dma_wait3A_107 : memref<128x128xf32, #tpu.memory_space<vmem>>)
      %run_scoped3A_114 = arith.constant 1 : i32
      "tpu.region"() ({
        %run_scoped3A_115 = tpu.sem_alloc : memref<!tpu.dma_semaphore, #tpu.memory_space<semaphore_mem>>
        %dma_start3A_116 = arith.constant 0 : i32
        %dma_start3A_117 = arith.constant 0 : i32
        %dma_start3A_118 = tpu.memref_slice %arg10[%run_scoped3A_114, %dma_start3A_116, %dma_start3A_117] : memref<2x128x128xf32, #tpu.memory_space<vmem>> -> memref<1x128x128xf32, #tpu.memory_space<vmem>>
        %dma_start3A_119 = tpu.memref_squeeze %dma_start3A_118 : memref<1x128x128xf32, #tpu.memory_space<vmem>> -> memref<128x128xf32, #tpu.memory_space<vmem>>
        %dma_start3A_120 = arith.constant 0 : i32
        %dma_start3A_121 = tpu.memref_slice %arg9[%add3A_95, %dma_start3A_120] : memref<40x128xi32, #tpu.memory_space<vmem>> -> memref<1x128xi32, #tpu.memory_space<vmem>>
        %dma_start3A_122 = tpu.memref_squeeze %dma_start3A_121 : memref<1x128xi32, #tpu.memory_space<vmem>> -> memref<128xi32, #tpu.memory_space<vmem>>
        %dma_start3A_123 = arith.constant 0 : i32
        %dma_start3A_124 = arith.constant 0 : i32
        %dma_start3A_125 = tpu.memref_slice %arg11[%dma_start3A_123, %dma_start3A_124] : memref<10240x128xf32, #tpu.memory_space<vmem_shared>> -> memref<10240x128xf32, #tpu.memory_space<vmem_shared>>
        tpu.enqueue_indirect_dma source(%dma_start3A_119 : memref<128x128xf32, #tpu.memory_space<vmem>>) target(%dma_start3A_125 : memref<10240x128xf32, #tpu.memory_space<vmem_shared>>) offsets(%dma_start3A_122 : memref<128xi32, #tpu.memory_space<vmem>>) semaphore(%run_scoped3A_115 : memref<!tpu.dma_semaphore, #tpu.memory_space<semaphore_mem>>) {add = true}
        %dma_wait3A_126 = arith.constant 0 : i32
        %dma_wait3A_127 = arith.constant 0 : i32
        %dma_wait3A_128 = tpu.memref_slice %arg10[%run_scoped3A_114, %dma_wait3A_126, %dma_wait3A_127] : memref<2x128x128xf32, #tpu.memory_space<vmem>> -> memref<1x128x128xf32, #tpu.memory_space<vmem>>
        %dma_wait3A_129 = tpu.memref_squeeze %dma_wait3A_128 : memref<1x128x128xf32, #tpu.memory_space<vmem>> -> memref<128x128xf32, #tpu.memory_space<vmem>>
        %dma_wait3A_130 = arith.constant 0 : i32
        %dma_wait3A_131 = tpu.memref_slice %arg9[%add3A_95, %dma_wait3A_130] : memref<40x128xi32, #tpu.memory_space<vmem>> -> memref<1x128xi32, #tpu.memory_space<vmem>>
        %dma_wait3A_132 = tpu.memref_squeeze %dma_wait3A_131 : memref<1x128xi32, #tpu.memory_space<vmem>> -> memref<128xi32, #tpu.memory_space<vmem>>
        %dma_wait3A_133 = arith.constant 0 : i32
        %dma_wait3A_134 = arith.constant 0 : i32
        %dma_wait3A_135 = tpu.memref_slice %arg11[%dma_wait3A_133, %dma_wait3A_134] : memref<10240x128xf32, #tpu.memory_space<vmem_shared>> -> memref<10240x128xf32, #tpu.memory_space<vmem_shared>>
        tpu.wait_indirect_dma semaphore(%run_scoped3A_115 : memref<!tpu.dma_semaphore, #tpu.memory_space<semaphore_mem>>) src(%dma_wait3A_129 : memref<128x128xf32, #tpu.memory_space<vmem>>) dst(%dma_wait3A_135 : memref<10240x128xf32, #tpu.memory_space<vmem_shared>>)
        tpu.yield
      }) : () -> ()
    }
    %scan3A_63 = arith.constant 20 : i32
    %barrier3A_64 = arith.constant 0 : index
    tpu.barrier barrier_id(%barrier3A_64)
    %mul3A_65 = arith.constant 640 : i32
    %mul3A_66 = arith.muli %arg1, %mul3A_65 : i32
    %mul3A_67 = arith.constant 640 : i32
    %mul3A_68 = arith.muli %arg1, %mul3A_67 : i32
    "tpu.region"() ({
      %run_scoped3A_69 = tpu.sem_alloc : memref<!tpu.dma_semaphore, #tpu.memory_space<semaphore_mem>>
      %dma_start3A_70 = arith.constant 0 : i32
      %dma_start3A_71 = arith.constant 0 : i32
      %dma_start3A_72 = tpu.memref_slice %arg7[%arg0, %dma_start3A_70, %dma_start3A_71] : memref<2x10240x128xf32, #tpu.memory_space<hbm>> -> memref<1x10240x128xf32, #tpu.memory_space<hbm>>
      %dma_start3A_73 = tpu.memref_squeeze %dma_start3A_72 : memref<1x10240x128xf32, #tpu.memory_space<hbm>> -> memref<10240x128xf32, #tpu.memory_space<hbm>>
      %dma_start3A_74 = arith.constant 0 : i32
      %dma_start3A_75 = tpu.memref_slice %dma_start3A_73[%mul3A_68, %dma_start3A_74] : memref<10240x128xf32, #tpu.memory_space<hbm>> -> memref<640x128xf32, #tpu.memory_space<hbm>>
      %dma_start3A_76 = arith.constant 0 : i32
      %dma_start3A_77 = tpu.memref_slice %arg11[%mul3A_66, %dma_start3A_76] : memref<10240x128xf32, #tpu.memory_space<vmem_shared>> -> memref<640x128xf32, #tpu.memory_space<vmem_shared>>
      tpu.enqueue_dma source(%dma_start3A_77 : memref<640x128xf32, #tpu.memory_space<vmem_shared>>) target(%dma_start3A_75 : memref<640x128xf32, #tpu.memory_space<hbm>>) target_semaphore(%run_scoped3A_69 : memref<!tpu.dma_semaphore, #tpu.memory_space<semaphore_mem>>)
      %dma_wait3A = arith.constant 0 : i32
      %dma_wait3A_78 = arith.constant 0 : i32
      %dma_wait3A_79 = tpu.memref_slice %arg7[%arg0, %dma_wait3A, %dma_wait3A_78] : memref<2x10240x128xf32, #tpu.memory_space<hbm>> -> memref<1x10240x128xf32, #tpu.memory_space<hbm>>
      %dma_wait3A_80 = tpu.memref_squeeze %dma_wait3A_79 : memref<1x10240x128xf32, #tpu.memory_space<hbm>> -> memref<10240x128xf32, #tpu.memory_space<hbm>>
      %dma_wait3A_81 = arith.constant 0 : i32
      %dma_wait3A_82 = tpu.memref_slice %dma_wait3A_80[%mul3A_68, %dma_wait3A_81] : memref<10240x128xf32, #tpu.memory_space<hbm>> -> memref<640x128xf32, #tpu.memory_space<hbm>>
      %dma_wait3A_83 = arith.constant 0 : i32
      %dma_wait3A_84 = tpu.memref_slice %arg11[%mul3A_66, %dma_wait3A_83] : memref<10240x128xf32, #tpu.memory_space<vmem_shared>> -> memref<640x128xf32, #tpu.memory_space<vmem_shared>>
      tpu.wait_dma2 semaphore(%run_scoped3A_69 : memref<!tpu.dma_semaphore, #tpu.memory_space<semaphore_mem>>) src(%dma_wait3A_84 : memref<640x128xf32, #tpu.memory_space<vmem_shared>>) dst(%dma_wait3A_82 : memref<640x128xf32, #tpu.memory_space<hbm>>)
      tpu.yield
    }) : () -> ()
    return
  }
}

module attributes {stable_mosaic.version = 14 : i64} {
  func.func @_mm_body(%arg0: i32, %arg1: memref<2000x256xf32, #tpu.memory_space<vmem>>, %arg2: memref<256x128xf32, #tpu.memory_space<vmem>>, %arg3: memref<2000x128xf32, #tpu.memory_space<vmem>>) attributes {dimension_semantics = [#tpu.dimension_semantics<arbitrary>], iteration_bounds = array<i64: 5>, scalar_prefetch = 0 : i64, scratch_operands = 0 : i64, tpu.core_type = #tpu.core_type<tc>, window_params = [{transform_indices = @transform_0, window_bounds = array<i64: 2000, 256>}, {pipeline_mode = #tpu.pipeline_mode<synchronous>, transform_indices = @transform_1, window_bounds = array<i64: 256, 128>}, {transform_indices = @transform_2, window_bounds = array<i64: 2000, 128>}]} {
    %get3A = arith.constant 0 : index
    %get3A_0 = arith.constant 0 : index
    %get3A_1 = vector.load %arg1[%get3A, %get3A_0] : memref<2000x256xf32, #tpu.memory_space<vmem>>, vector<2000x256xf32>
    %get3A_2 = arith.constant 0 : index
    %get3A_3 = arith.constant 0 : index
    %get3A_4 = vector.load %arg2[%get3A_2, %get3A_3] : memref<256x128xf32, #tpu.memory_space<vmem>>, vector<256x128xf32>
    %dot_general3A = arith.constant dense<0.000000e+00> : vector<2000x128xf32>
    %dot_general3A_5 = tpu.matmul %get3A_1, %get3A_4, %dot_general3A {dimension_numbers = #tpu.dot_dimension_numbers<[1], [0], [0], [1], [0, 0, 1, 1], [], []>, transpose_lhs_hint = false} : vector<2000x256xf32>, vector<256x128xf32>, vector<2000x128xf32> -> vector<2000x128xf32>
    %swap3A = arith.constant 0 : index
    %swap3A_6 = arith.constant 0 : index
    %swap3A_7 = vector.load %arg3[%swap3A, %swap3A_6] : memref<2000x128xf32, #tpu.memory_space<vmem>>, vector<2000x128xf32>
    tpu.vector_store %arg3[%swap3A, %swap3A_6], %dot_general3A_5 {strides = array<i32>} : memref<2000x128xf32, #tpu.memory_space<vmem>>, vector<2000x128xf32>,
    return
  }
  func.func @transform_0(%arg0: i32) -> (i32, i32) {
    %c0_i32 = arith.constant 0 : i32
    %c0_i32_0 = arith.constant 0 : i32
    return %arg0, %c0_i32 : i32, i32
  }
  func.func @transform_1(%arg0: i32) -> (i32, i32) {
    %c0_i32 = arith.constant 0 : i32
    %c0_i32_0 = arith.constant 0 : i32
    %c0_i32_1 = arith.constant 0 : i32
    return %c0_i32, %c0_i32_0 : i32, i32
  }
  func.func @transform_2(%arg0: i32) -> (i32, i32) {
    %c0_i32 = arith.constant 0 : i32
    %c0_i32_0 = arith.constant 0 : i32
    return %arg0, %c0_i32 : i32, i32
  }
}

module attributes {stable_mosaic.version = 14 : i64} {
  func.func @_fused_body(%arg0: i32, %arg1: memref<2x2000x128xf32, #tpu.memory_space<vmem>>, %arg2: memref<128x128xf32, #tpu.memory_space<vmem>>, %arg3: memref<2000x128xf32, #tpu.memory_space<vmem>>) attributes {dimension_semantics = [#tpu.dimension_semantics<arbitrary>], iteration_bounds = array<i64: 5>, scalar_prefetch = 0 : i64, scratch_operands = 0 : i64, tpu.core_type = #tpu.core_type<tc>, window_params = [{transform_indices = @transform_0, window_bounds = array<i64: 2, 2000, 128>}, {pipeline_mode = #tpu.pipeline_mode<synchronous>, transform_indices = @transform_1, window_bounds = array<i64: 128, 128>}, {transform_indices = @transform_2, window_bounds = array<i64: 2000, 128>}]} {
    %get3A = arith.constant 0 : index
    %get3A_0 = arith.constant 0 : index
    %get3A_1 = arith.constant 0 : index
    %get3A_2 = vector.load %arg1[%get3A, %get3A_0, %get3A_1] : memref<2x2000x128xf32, #tpu.memory_space<vmem>>, vector<1x2000x128xf32>
    %get3A_3 = vector.shape_cast %get3A_2 : vector<1x2000x128xf32> to vector<2000x128xf32>
    %get3A_4 = arith.constant 1 : index
    %get3A_5 = arith.constant 0 : index
    %get3A_6 = arith.constant 0 : index
    %get3A_7 = vector.load %arg1[%get3A_4, %get3A_5, %get3A_6] : memref<2x2000x128xf32, #tpu.memory_space<vmem>>, vector<1x2000x128xf32>
    %get3A_8 = vector.shape_cast %get3A_7 : vector<1x2000x128xf32> to vector<2000x128xf32>
    %add3A = arith.addf %get3A_3, %get3A_8 : vector<2000x128xf32>
    %gt3A = arith.constant 0.000000e+00 : f32
    %gt3A_9 = vector.broadcast %gt3A : f32 to vector<2000x128xf32>
    %gt3A_10 = arith.cmpf ogt, %add3A, %gt3A_9 : vector<2000x128xf32>
    %exp3A = math.exp %add3A : vector<2000x128xf32>
    %sub3A = arith.constant 1.000000e+00 : f32
    %sub3A_11 = vector.broadcast %sub3A : f32 to vector<2000x128xf32>
    %sub3A_12 = arith.subf %exp3A, %sub3A_11 : vector<2000x128xf32>
    %select_n3A = arith.select %gt3A_10, %add3A, %sub3A_12 : vector<2000x128xi1>, vector<2000x128xf32>
    %get3A_13 = arith.constant 0 : index
    %get3A_14 = arith.constant 0 : index
    %get3A_15 = vector.load %arg2[%get3A_13, %get3A_14] : memref<128x128xf32, #tpu.memory_space<vmem>>, vector<128x128xf32>
    %dot_general3A = arith.constant dense<0.000000e+00> : vector<2000x128xf32>
    %dot_general3A_16 = tpu.matmul %select_n3A, %get3A_15, %dot_general3A {dimension_numbers = #tpu.dot_dimension_numbers<[1], [0], [0], [1], [0, 0, 1, 1], [], []>, transpose_lhs_hint = false} : vector<2000x128xf32>, vector<128x128xf32>, vector<2000x128xf32> -> vector<2000x128xf32>
    %swap3A = arith.constant 0 : index
    %swap3A_17 = arith.constant 0 : index
    %swap3A_18 = vector.load %arg3[%swap3A, %swap3A_17] : memref<2000x128xf32, #tpu.memory_space<vmem>>, vector<2000x128xf32>
    tpu.vector_store %arg3[%swap3A, %swap3A_17], %dot_general3A_16 {strides = array<i32>} : memref<2000x128xf32, #tpu.memory_space<vmem>>, vector<2000x128xf32>,
    return
  }
  func.func @transform_0(%arg0: i32) -> (i32, i32, i32) {
    %c0_i32 = arith.constant 0 : i32
    %c0_i32_0 = arith.constant 0 : i32
    %c0_i32_1 = arith.constant 0 : i32
    return %c0_i32, %arg0, %c0_i32_0 : i32, i32, i32
  }
  func.func @transform_1(%arg0: i32) -> (i32, i32) {
    %c0_i32 = arith.constant 0 : i32
    %c0_i32_0 = arith.constant 0 : i32
    %c0_i32_1 = arith.constant 0 : i32
    return %c0_i32, %c0_i32_0 : i32, i32
  }
  func.func @transform_2(%arg0: i32) -> (i32, i32) {
    %c0_i32 = arith.constant 0 : i32
    %c0_i32_0 = arith.constant 0 : i32
    return %arg0, %c0_i32 : i32, i32
  }
}

module attributes {stable_mosaic.version = 14 : i64} {
  func.func @_final_body(%arg0: i32, %arg1: memref<2x2000x128xf32, #tpu.memory_space<vmem>>, %arg2: memref<2000x64xf32, #tpu.memory_space<vmem>>) attributes {dimension_semantics = [#tpu.dimension_semantics<arbitrary>], iteration_bounds = array<i64: 5>, scalar_prefetch = 0 : i64, scratch_operands = 0 : i64, tpu.core_type = #tpu.core_type<tc>, window_params = [{transform_indices = @transform_0, window_bounds = array<i64: 2, 2000, 128>}, {transform_indices = @transform_1, window_bounds = array<i64: 2000, 64>}]} {
    %get3A = arith.constant 0 : index
    %get3A_0 = arith.constant 0 : index
    %get3A_1 = arith.constant 0 : index
    %get3A_2 = vector.load %arg1[%get3A, %get3A_0, %get3A_1] : memref<2x2000x128xf32, #tpu.memory_space<vmem>>, vector<1x2000x64xf32>
    %get3A_3 = vector.shape_cast %get3A_2 : vector<1x2000x64xf32> to vector<2000x64xf32>
    %get3A_4 = arith.constant 1 : index
    %get3A_5 = arith.constant 0 : index
    %get3A_6 = arith.constant 0 : index
    %get3A_7 = vector.load %arg1[%get3A_4, %get3A_5, %get3A_6] : memref<2x2000x128xf32, #tpu.memory_space<vmem>>, vector<1x2000x64xf32>
    %get3A_8 = vector.shape_cast %get3A_7 : vector<1x2000x64xf32> to vector<2000x64xf32>
    %add3A = arith.addf %get3A_3, %get3A_8 : vector<2000x64xf32>
    %gt3A = arith.constant 0.000000e+00 : f32
    %gt3A_9 = vector.broadcast %gt3A : f32 to vector<2000x64xf32>
    %gt3A_10 = arith.cmpf ogt, %add3A, %gt3A_9 : vector<2000x64xf32>
    %exp3A = math.exp %add3A : vector<2000x64xf32>
    %sub3A = arith.constant 1.000000e+00 : f32
    %sub3A_11 = vector.broadcast %sub3A : f32 to vector<2000x64xf32>
    %sub3A_12 = arith.subf %exp3A, %sub3A_11 : vector<2000x64xf32>
    %select_n3A = arith.select %gt3A_10, %add3A, %sub3A_12 : vector<2000x64xi1>, vector<2000x64xf32>
    %reduce_max3A = arith.constant dense<0xFF800000> : vector<2000xf32>
    %reduce_max3A_13 = vector.multi_reduction <maximumf>, %select_n3A, %reduce_max3A [1] : vector<2000x64xf32> to vector<2000xf32>
    %broadcast_in_dim3A = vector.shape_cast %reduce_max3A_13 : vector<2000xf32> to vector<2000x1xf32>
    %sub3A_14 = vector.broadcast %broadcast_in_dim3A : vector<2000x1xf32> to vector<2000x64xf32>
    %sub3A_15 = arith.subf %select_n3A, %sub3A_14 : vector<2000x64xf32>
    %exp3A_16 = math.exp %sub3A_15 : vector<2000x64xf32>
    %reduce_sum3A = arith.constant dense<0.000000e+00> : vector<2000xf32>
    %reduce_sum3A_17 = vector.multi_reduction <add>, %exp3A_16, %reduce_sum3A [1] : vector<2000x64xf32> to vector<2000xf32>
    %broadcast_in_dim3A_18 = vector.shape_cast %reduce_sum3A_17 : vector<2000xf32> to vector<2000x1xf32>
    %log3A = math.log %broadcast_in_dim3A_18 : vector<2000x1xf32>
    %sub3A_19 = vector.broadcast %broadcast_in_dim3A : vector<2000x1xf32> to vector<2000x64xf32>
    %sub3A_20 = arith.subf %select_n3A, %sub3A_19 : vector<2000x64xf32>
    %sub3A_21 = vector.broadcast %log3A : vector<2000x1xf32> to vector<2000x64xf32>
    %sub3A_22 = arith.subf %sub3A_20, %sub3A_21 : vector<2000x64xf32>
    %swap3A = arith.constant 0 : index
    %swap3A_23 = arith.constant 0 : index
    %swap3A_24 = vector.load %arg2[%swap3A, %swap3A_23] : memref<2000x64xf32, #tpu.memory_space<vmem>>, vector<2000x64xf32>
    tpu.vector_store %arg2[%swap3A, %swap3A_23], %sub3A_22 {strides = array<i32>} : memref<2000x64xf32, #tpu.memory_space<vmem>>, vector<2000x64xf32>,
    return
  }
  func.func @transform_0(%arg0: i32) -> (i32, i32, i32) {
    %c0_i32 = arith.constant 0 : i32
    %c0_i32_0 = arith.constant 0 : i32
    %c0_i32_1 = arith.constant 0 : i32
    return %c0_i32, %arg0, %c0_i32_0 : i32, i32, i32
  }
  func.func @transform_1(%arg0: i32) -> (i32, i32) {
    %c0_i32 = arith.constant 0 : i32
    %c0_i32_0 = arith.constant 0 : i32
    return %arg0, %c0_i32 : i32, i32
  }
}

</mosaic_0001>

<sc_bundles>
// kernel: kernel.12.cloned.1.call-start
scs
__scs_entry_jumppad:
0x0: {  	(pc) =	sbr.rel $0x88, $3  }
0x1: {  	(tag) =	ssettag $0x0;
	lr =	simm.s32 $0x1  }
0x2: {  	[smem:$0x3F9C] =	sst lr;
	_ =	strace $0xD0000000  }
0x3: {  	_ = 	snop  }
0x4: {  	_ = 	snop  }
0x5: {  	_ = 	snop  }
0x6: {  	_ = 	snop  }
0x7: {  	_ = 	snop  }
__scs_overlays_trampoline_lowered:
0x8: {  	[smem:$0x3FAB] =	sst s0  }
0x9: {  	[smem:$0x3FAC] =	sst s1  }
0xa: {  	[smem:$0x3FAD] =	sst s2  }
0xb: {  	[smem:$0x3FAE] =	sst s3  }
0xc: {  	[smem:$0x3FAF] =	sst s4  }
0xd: {  	[smem:$0x3FB0] =	sst s5  }
0xe: {  	[smem:$0x3FB1] =	sst s6  }
0xf: {  	[smem:$0x3FB2] =	sst s7  }
0x10: {  	[smem:$0x3FB3] =	sst s8  }
0x11: {  	[smem:$0x3FB4] =	sst s9;
	s0 =	simm.s32 @!p0 $0x0  }
0x12: {  	s1 =	sld [smem:$0x3F9A];
	s0 =	simm.s32 @p0 $0x1  }
0x13: {  	[smem:$0x3FB5] =	sst s0;
	s0 =	simm.s32 @!p1 $0x0  }
0x14: {  	s2 =	sld [smem:$0x3F99];
	s0 =	simm.s32 @p1 $0x1  }
0x15: {  	[smem:$0x3FB6] =	sst s0;
	s0 =	simm.s32 @!p2 $0x0  }
0x16: {  	s3 =	sld [smem:$0x3FDB];
	s0 =	simm.s32 @p2 $0x1  }
0x17: {  	s4 =	simm.s32 $0x1BF5;
	[smem:$0x3FB8] =	sst s0  }
0x18: {  	s0 =	sld [smem:$0x3F9B];
	_ =	swait.ge [sflag:s4], $0x0  }
0x19: {  	s7 =	sld [smem:$0x3F9C]  }
0x1a: {  	s8 =	sadd.s32 $0xFFFFE003, lr  }
0x1b: {  	s9 =	sadd.s32 $0xFFFFFEF7, lr;
	s5 =	simm.s32 $0xFFFFFFFF;
	p2 =	slt.u32 s8, $0xFFFFF086  }
0x1c: {  	p1 =	slt.u32 s9, $0xF7A;
	s5 =	simm.s32 @!p2 $0x0  }
0x1d: {  	s5 =	simm.s32 @p1 $0x1;
	p0 =	seq.s32 s7, s2  }
0x1e: {  	s7 =	smul.u32 @!p0 $0xF7A, s2;
	p2 =	seq.s32 @!p0 s5, $0x0  }
0x1f: {  	s9 =	smul.u32 $0xF7A, s1;
	s8 =	simm.s32 @!p0 $0x1BF5;
	p2 =	por !p2, p0  }
0x20: {  	[sflag:s8] =	ssyncset.s32 @!p0 $0xFFFFF086;
	s6 =	sadd.s32 @!p0 s3, s7;
	s7 =	simm.s32 @!p0 $0x108  }
0x21: {  	s3 =	sadd.s32 s3, s9;
	s6 =	sadd.s32 @!p0 $0x88, s6;
	s7 =	simm.s32 @p2 $0x1082  }
0x22: {  	[simem:s7], [sflag:s8] =	dma.local @!p0 [hbm:s6], $0xF7A  }
0x23: {  	s9 =	sor.u32 $0xD0000000, s2;
	s6 =	simm.s32 $0x108;
	_ =	swait.ge @!p0 [sflag:s8], $0x0  }
0x24: {  	s3 =	sadd.s32 $0x88, s3;
	s6 =	simm.s32 @!p1 $0x1082;
	[sflag:s4] =	ssyncset.s32 $0xFFFFF086  }
0x25: {  	[simem:s6], [sflag:s4] =	dma.local [hbm:s3], $0xF7A  }
0x26: {  	[smem:$0x3F9C] =	sst s1;
	(tag) =	ssettag s2;
	_ =	strace s9  }
0x27: {  	s1 =	sld [smem:$0x3FAC]  }
0x28: {  	s2 =	sld [smem:$0x3FAD]  }
0x29: {  	s4 =	sld [smem:$0x3FAF]  }
0x2a: {  	p0 =	seq.s32 s5, $0x0;
	s5 =	sld [smem:$0x3FB0]  }
0x2b: {  	s6 =	sld [smem:$0x3FB1]  }
0x2c: {  	s7 =	sld [smem:$0x3FB2]  }
0x2d: {  	s3 =	simm.s32 $0x108;
	s8 =	sld [smem:$0x3FB3]  }
0x2e: {  	s3 =	simm.s32 @!p0 $0x1082;
	s9 =	sld [smem:$0x3FB4]  }
0x2f: {  	lr =	sadd.s32 s0, s3;
	s0 =	sld [smem:$0x3FAB]  }
0x30: {  	s3 =	sld [smem:$0x3FAE]  }
0x31: {  	[smem:$0x3FB7] =	sst s10  }
0x32: {  	s10 =	sld [smem:$0x3FB5];
	_ =	sdelay $0x3  }
0x33: {  	p0 =	seq.s32 s10, $0x1;
	s10 =	sld [smem:$0x3FB7];
	_ =	sdelay $0x3  }
0x34: {  	[smem:$0x3FB7] =	sst s10  }
0x35: {  	s10 =	sld [smem:$0x3FB6];
	_ =	sdelay $0x3  }
0x36: {  	p1 =	seq.s32 s10, $0x1;
	s10 =	sld [smem:$0x3FB7];
	_ =	sdelay $0x3  }
0x37: {  	[smem:$0x3FB7] =	sst s10  }
0x38: {  	s10 =	sld [smem:$0x3FB8]  }
0x39: {  	_ = 	snop;
	(pc) =	sbr.ind lr, $3  }
0x3a: {  	_ = 	snop  }
0x3b: {  	_ = 	snop  }
0x3c: {  	p2 =	seq.s32 s10, $0x1;
	s10 =	sld [smem:$0x3FB7]  }
0x3d: {  	_ =	shalt  }
0x3e: {  	_ =	shalt  }
0x3f: {  	_ =	shalt  }
0x40: {  	_ =	shalt  }
0x41: {  	_ =	shalt  }
0x42: {  	_ =	shalt  }
0x43: {  	_ =	shalt  }
0x44: {  	_ =	shalt  }
0x45: {  	_ =	shalt  }
0x46: {  	_ =	shalt  }
0x47: {  	_ =	shalt  }
0x48: {  	_ =	shalt  }
0x49: {  	_ =	shalt  }
0x4a: {  	_ =	shalt  }
0x4b: {  	_ =	shalt  }
0x4c: {  	_ =	shalt  }
0x4d: {  	_ =	shalt  }
0x4e: {  	_ =	shalt  }
0x4f: {  	_ =	shalt  }
0x50: {  	_ =	shalt  }
0x51: {  	_ =	shalt  }
0x52: {  	_ =	shalt  }
0x53: {  	_ =	shalt  }
0x54: {  	_ =	shalt  }
0x55: {  	_ =	shalt  }
0x56: {  	_ =	shalt  }
0x57: {  	_ =	shalt  }
0x58: {  	_ =	shalt  }
0x59: {  	_ =	shalt  }
0x5a: {  	_ =	shalt  }
0x5b: {  	_ =	shalt  }
0x5c: {  	_ =	shalt  }
0x5d: {  	_ =	shalt  }
0x5e: {  	_ =	shalt  }
0x5f: {  	_ =	shalt  }
0x60: {  	_ =	shalt  }
0x61: {  	_ =	shalt  }
0x62: {  	_ =	shalt  }
0x63: {  	_ =	shalt  }
0x64: {  	_ =	shalt  }
0x65: {  	_ =	shalt  }
0x66: {  	_ =	shalt  }
0x67: {  	_ =	shalt  }
0x68: {  	_ =	shalt  }
0x69: {  	_ =	shalt  }
0x6a: {  	_ =	shalt  }
0x6b: {  	_ =	shalt  }
0x6c: {  	_ =	shalt  }
0x6d: {  	_ =	shalt  }
0x6e: {  	_ =	shalt  }
0x6f: {  	_ =	shalt  }
0x70: {  	_ =	shalt  }
0x71: {  	_ =	shalt  }
0x72: {  	_ =	shalt  }
0x73: {  	_ =	shalt  }
0x74: {  	_ =	shalt  }
0x75: {  	_ =	shalt  }
0x76: {  	_ =	shalt  }
0x77: {  	_ =	shalt  }
0x78: {  	_ =	shalt  }
0x79: {  	_ =	shalt  }
0x7a: {  	_ =	shalt  }
0x7b: {  	_ =	shalt  }
0x7c: {  	_ =	shalt  }
0x7d: {  	_ =	shalt  }
0x7e: {  	_ =	shalt  }
0x7f: {  	_ =	shalt  }
0x80: {  	_ =	shalt  }
0x81: {  	_ =	shalt  }
0x82: {  	_ =	shalt  }
0x83: {  	_ =	shalt  }
0x84: {  	_ =	shalt  }
0x85: {  	_ =	shalt  }
0x86: {  	_ =	shalt  }
0x87: {  	_ =	shalt  }
.Lfunc_end0:
.L_simem_size_0:
called_computation.1_lowered:
.L_overlay_start_0:
0x88: {  	s2 =	sld [smem:$0x3FD9]  }
0x89: {  	s3 =	sld [smem:$0x3FFE];
	_ =	sdelay $0x1  }
0x8a: {  	s1 =	srdreg.scid  }
0x8b: {  	s0 =	sand.u32 $0x1, s1  }
0x8c: {  	s17 =	sshll.u32 s0, $0xA;
	s2 =	sadd.s32 s3, s2  }
0x8d: {  	s2 =	sadd.s32 s2, s17  }
0x8e: {  	[smem:$0x3FC3] =	sst s2  }
0x8f: {  	_ = 	snop  }
0x90: {  	s2 =	sld [smem:$0x3FD0];
	(tm) =	ssettm $0x1  }
0x91: {  	s18 =	sld [smem:$0x3FFB];
	_ =	sdelay $0x3  }
0x92: {  	_ =	strace s18  }
0x93: {  	s3 =	sld [smem:$0x3FFC];
	_ =	sdelay $0x3  }
0x94: {  	_ =	strace s3  }
0x95: {  	s3 =	sld [smem:$0x3FFD];
	_ =	sdelay $0x3  }
0x96: {  	_ =	strace s3  }
0x97: {  	_ =	strace $0x8FFFFFFF  }
0x98: {  	s19 =	sld [smem:$0x3FDB];
	_ =	sdelay $0x1  }
0x99: {  	s4 =	simm.s32 $_scs_section_size  }
0x9a: {  	s5 =	simm.s32 $_size__tile_overlayer_lowered;
	s6 =	simm.s32 $_tile_overlayer_lowered  }
0x9b: {  	s22 =	simm.s32 $0x1BFF;
	s21 =	sshll.u32 s6, $0x1;
	s3 =	sadd.s32 s4, s19  }
0x9c: {  	s7 =	simm.s32 $0x0;
	s20 =	sshll.u32 s5, $0x1;
	s5 =	sadd.s32 s21, s3  }
0x9d: {  	[timem:s7], [sflag:s22] =	dma.local [hbm:s5], s20  }
0x9e: {  	_ =	swait.ge [sflag:s22], s20  }
0x9f: {  	s4 =	ssub.s32 $0x0, s20;
	[sflag:s22] =	ssyncset.done $0x0  }
0xa0: {  	[sflag:s22] =	ssyncadd.s32 s4;
	_ =	sdelay $0x1  }
0xa1: {  	s23 =	simm.s32 $0x1B8B  }
0xa2: {  	_ =	swait.ge [sflag:s23], $0x1  }
0xa3: {  	[sflag:s23] =	ssyncset.done $0x0  }
0xa4: {  	s25 =	simm.s32 $0x1B8E;
	s24 =	sld [smem:$0x3FFE];
	[sflag:s23] =	ssyncadd.s32 $0xFFFFFFFF  }
0xa5: {  	s26 =	simm.s32 $execute0_lowered;
	[smem:$0x3FD2] =	sst s25  }
0xa6: {  	s5 =	sshll.u32 s26, $0x1;
	_ =	strace $0x80000049;
	[dreg:$0x1] =	wrdreg $0xFFFFFFFF  }
0xa7: {  	s28 =	simm.s32 $_size_execute0_lowered;
	s3 =	sadd.s32 s3, s5;
	[dreg:$0x0] =	wrdreg $0x0  }
0xa8: {  	s5 =	sshll.u32 s28, $0x1;
	[dreg:$0x2] =	wrdreg s3  }
0xa9: {  	[dreg:$0x3] =	wrdreg s5  }
0xaa: {  	[dreg:$0x4] =	wrdreg $0xC0  }
0xab: {  	_ =	task [dreg:s7], $0x5FFFF  }
0xac: {  	[dreg:$0x1] =	wrdreg $0xFFFFFFFF  }
0xad: {  	[dreg:$0x0] =	wrdreg $0x60  }
0xae: {  	[dreg:$0x2] =	wrdreg s24  }
0xaf: {  	[dreg:$0x3] =	wrdreg s2  }
0xb0: {  	[dreg:$0x4] =	wrdreg $0xA8000  }
0xb1: {  	[dreg:$0x5] =	wrdreg $0x9  }
0xb2: {  	_ =	task.clear_ibuf [dreg:s7], $0x6FFFF;
	_ =	strace $0x90000049  }
0xb3: {  	s29 =	simm.s32 $0x9;
	_ =	strace $0x8000004B  }
0xb4: {  	_ =	swait.ge [sflag:s29], $0x1  }
0xb5: {  	[sflag:s29] =	ssyncadd.s32 $0xFFFFFFFF  }
0xb6: {  	_ =	strace $0x9000004B  }
0xb7: {  	_ =	sfence  }
0xb8: {  	s30 =	sld [smem:$0x0];
	_ =	sdelay $0x2  }
0xb9: {  	s31 =	sshll.u32 s1, $0xD;
	s1 =	sshrl.u32 s1, $0x2  }
0xba: {  	s3 =	sand.u32 $0x4000, s31;
	s1 =	sadd.s32 s1, s30  }
0xbb: {  	s0 =	sor.u32 s3, s0;
	s1 =	sshll.u32 s1, $0x11  }
0xbc: {  	s0 =	sor.u32 s1, s0  }
0xbd: {  	s0 =	sadd.s32 $0x8F2B, s0  }
0xbe: {  	[sflag:s0] =	ssyncadd.remote.s32 $0x1  }
0xbf: {  	_ =	sfence.sel $0xFFFF  }
0xc0: {  	[dreg:$0x0] =	wrdreg $0xFFFFFFFF;
	(pc) =	sbr.abs _section_cstart, $3  }
0xc1: {  	[dreg:$0x1] =	wrdreg $0xFFFFFFFF  }
0xc2: {  	_ =	task.clear_ibuf [dreg:s7], $0x2FFFF;
	_ =	strace $0x9FFFFFFF  }
0xc3: {  	(tm) =	ssettm $0x7FFFFFFF  }
tec
execute0_lowered:
.L_overlay_start_1:
0x0: {  	(tag) =	ssettag $0x1  }
0x1: {  	s6 =	rddreg [dreg:$0x0]  }
0x2: {  	s0 =	srdreg.scid;
	s7 =	rddreg [dreg:$0x1]  }
0x3: {  	s2 =	rddreg [dreg:$0x2];
	s1 =	stileid.u32;
	s3 =	simm.s32 $0x0  }
0x4: {  	s17 =	simm.s32 $0x2800;
	s18 =	simm.s32 $0x6800;
	s19 =	simm.s32 $0x1  }
0x5: {  	s20 =	simm.s32 $0x2;
	s21 =	simm.s32 $0x1380;
	s22 =	simm.s32 $0x2700  }
0x6: {  	s23 =	simm.s32 $0x2780;
	s5 =	sand.u32 $0x1, s0;
	s0 =	rddreg [dreg:$0x3]  }
0x7: {  	[smem:$0x7FF] =	sst s3;
	s12 =	smul.u32 $0x50000, s1;
	s14 =	sadd.s32 $0x2E400, s6  }
0x8: {  	s25 =	smul.u32 $0x2800, s1;
	s4 =	sshll.u32 s5, $0x4;
	_ =	strace $0x8000004A  }
0x9: {  	s9 =	smul.u32 $0x28000, s5;
	s11 =	ssub.s32 $0x2, s5;
	s5 =	sadd.s32 $0x2E000, s6  }
0xa: {  	s13 =	sor.u32 s1, s4;
	s4 =	sadd.s32 $0x6E00, s6;
	s15 =	sshrl.u32 s11, $0x1  }
0xb: {  	s31 =	sshrl.u32 s12, $0x2;
	s8 =	smul.u32 $0x280, s13;
	s16 =	sadd.s32 s9, s6  }
0xc: {  	s15 =	ssub.s32 s11, s15;
	p0 =	seq.s32 s13, $0x1F;
	s24 =	sadd.s32 $0x2E800, s16  }
0xd: {  	s13 =	smax.u32 s15, $0x1;
	s15 =	simm.s32 $0x3;
	s16 =	simm.s32 $0x80  }
0xe: {  	s10 =	sadd.s32 s8, s6;
	s6 =	sadd.s32 s7, s8;
	s8 =	sadd.s32 s31, s2  }
0xf: {  	s24 =	sadd.s32 s25, s24;
	s25 =	simm.s32 $0x0;
	s7 =	sadd.s32 $0x1E00, s10  }
0x10: {  	s9 =	sadd.s32 $0x4000, s8;
	s10 =	sadd.s32 $0x8000, s8;
	s11 =	sadd.s32 $0xC000, s8  }
0x11: {  	v0 =	vimm.f32 $0.0e+00;
	s12 =	sadd.s32 $0x10000, s8;
	s7 =	smov.u32 @p0 s14;
	s14 =	simm.s32 $0x1400  }
.LBB2_1:
0x12: {  	s26 =	simm.s32 @p0 $0x0  }
0x13: {  	[tilespmem:s26], [sflag:$0x3] =	stream.linear.gather @p0 [hbm4b:s5+s26], $0x1400, $0x38;
	[tilespmem:$0x1E800] =	vst v63  }
0x14: {  	s26 =	simm.s32 @p0 $0x3  }
0x15: {  	_ =	swait.ge @p0 [sflag:s26], $0x1400  }
0x16: {  	[sflag:s26] =	ssyncset.done @p0 $0x0  }
0x17: {  	[sflag:s26] =	ssyncadd.s32 @p0 $0xFFFFEC00;
	s26 =	simm.s32 @!p0 $0x0  }
0x18: {  	[tilespmem:s26], [sflag:$0x3] =	stream.linear.gather @!p0 [hbm4b:s6+s26], $0x1400, $0x38;
	[tilespmem:$0x1E800] =	vst v63  }
0x19: {  	s26 =	simm.s32 @!p0 $0x3  }
0x1a: {  	_ =	swait.ge @!p0 [sflag:s26], $0x1400  }
0x1b: {  	[sflag:s26] =	ssyncset.done @!p0 $0x0  }
0x1c: {  	[sflag:s26] =	ssyncadd.s32 @!p0 $0xFFFFEC00  }
0x1d: {  	[tilespmem:s14], [sflag:$0x3] =	stream.linear.gather [hbm4b:s7+s3], $0x1400, $0x38;
	[tilespmem:$0x1E800] =	vst v63  }
0x1e: {  	_ =	swait.ge [sflag:s15], $0x1400  }
0x1f: {  	[sflag:s15] =	ssyncset.done $0x0  }
0x20: {  	s28 =	simm.s32 $0x200;
	s26 =	simm.s32 $0x0;
	[sflag:s15] =	ssyncadd.s32 $0xFFFFEC00  }
0x21: {  	[tilespmem:s17], [sflag:$0x1] =	stream.indirect.gather [hbm4b:s4+s16], $0x80, s3, s16, $0xb8;
	[tilespmem:$0x1E800] =	vst v63  }
.LBB2_2:
0x22: {  	p1 =	sne.s32 s28, $0xFE00;
	[tilespmem:s26+$0x6870] =	vst v0  }
0x23: {  	[tilespmem:s26+$0x6800] =	vst v0  }
0x24: {  	[tilespmem:s26+$0x6810] =	vst v0  }
.Ltmp0:
0x25: {  	[tilespmem:s26+$0x6820] =	vst v0;
	(pc) =	sbr.rel @p1 .LBB2_2-.Ltmp0, $4  }
0x26: {  	[tilespmem:s26+$0x6830] =	vst v0  }
0x27: {  	[tilespmem:s26+$0x6840] =	vst v0  }
0x28: {  	[tilespmem:s26+$0x6850] =	vst v0  }
0x29: {  	[tilespmem:s26+$0x6860] =	vst v0;
	s26 =	sshra.s32 s28, $0x2;
	s28 =	sadd.s32 $0x200, s28  }
0x2a: {  	[tilespmem:s26+$0x6870] =	vst v0  }
0x2b: {  	[tilespmem:s26+$0x6800] =	vst v0  }
0x2c: {  	[tilespmem:s26+$0x6810] =	vst v0  }
0x2d: {  	[tilespmem:s26+$0x6820] =	vst v0  }
0x2e: {  	[tilespmem:s26+$0x6830] =	vst v0  }
0x2f: {  	[tilespmem:s26+$0x6840] =	vst v0  }
0x30: {  	[tilespmem:s26+$0x6850] =	vst v0  }
0x31: {  	[tilespmem:s26+$0x6860] =	vst v0  }
0x32: {  	[spmem:s8] =	stream.linear.scatter [tilespmem:s18], [sflag:$0x3], $0x4000, $0x38;
	[tilespmem:$0x1E800] =	vst v63  }
0x33: {  	_ =	swait.ge [sflag:s15], $0x4000  }
0x34: {  	[sflag:s15] =	ssyncset.done $0x0  }
0x35: {  	[sflag:s15] =	ssyncadd.s32 $0xFFFFC000  }
0x36: {  	[spmem:s9] =	stream.linear.scatter [tilespmem:s18], [sflag:$0x3], $0x4000, $0x38;
	[tilespmem:$0x1E800] =	vst v63  }
0x37: {  	_ =	swait.ge [sflag:s15], $0x4000  }
0x38: {  	[sflag:s15] =	ssyncset.done $0x0  }
0x39: {  	[sflag:s15] =	ssyncadd.s32 $0xFFFFC000  }
0x3a: {  	[spmem:s10] =	stream.linear.scatter [tilespmem:s18], [sflag:$0x3], $0x4000, $0x38;
	[tilespmem:$0x1E800] =	vst v63  }
0x3b: {  	_ =	swait.ge [sflag:s15], $0x4000  }
0x3c: {  	[sflag:s15] =	ssyncset.done $0x0  }
0x3d: {  	[sflag:s15] =	ssyncadd.s32 $0xFFFFC000  }
0x3e: {  	[spmem:s11] =	stream.linear.scatter [tilespmem:s18], [sflag:$0x3], $0x4000, $0x38;
	[tilespmem:$0x1E800] =	vst v63  }
0x3f: {  	_ =	swait.ge [sflag:s15], $0x4000  }
0x40: {  	[sflag:s15] =	ssyncset.done $0x0  }
0x41: {  	[sflag:s15] =	ssyncadd.s32 $0xFFFFC000  }
0x42: {  	[spmem:s12] =	stream.linear.scatter [tilespmem:s18], [sflag:$0x3], $0x4000, $0x38;
	[tilespmem:$0x1E800] =	vst v63  }
0x43: {  	_ =	swait.ge [sflag:s15], $0x4000  }
0x44: {  	[sflag:s15] =	ssyncset.done $0x0  }
0x45: {  	[sflag:s15] =	ssyncadd.s32 $0xFFFFC000  }
0x46: {  	s31 =	simm.s32 $0x80;
	[bflag:$0x0] =	sbarrier.arrive $0xFFFF  }
0x47: {  	[tilespmem:s18], [sflag:$0x2] =	stream.indirect.gather [hbm4b:s4+s16], $0x80, s31, s16, $0xb8;
	[tilespmem:$0x1E800] =	vst v63  }
0x48: {  	_ =	swait.ge [sflag:s19], $0x4000  }
0x49: {  	[sflag:s19] =	ssyncset.done $0x0  }
0x4a: {  	s29 =	simm.s32 $0x1400;
	[sflag:s19] =	ssyncadd.s32 $0xFFFFC000  }
0x4b: {  	[spmem:s2] =	stream.indirect.scatter.add.f32 [tilespmem:s17], [sflag:$0x3], $0x80, s29, s16, $0xb8;
	[tilespmem:$0x1E800] =	vst v63  }
0x4c: {  	_ =	swait.ge [sflag:s15], $0x4000  }
0x4d: {  	[sflag:s15] =	ssyncset.done $0x0  }
0x4e: {  	s30 =	simm.s32 $0x100;
	[sflag:s15] =	ssyncadd.s32 $0xFFFFC000  }
0x4f: {  	[tilespmem:s17], [sflag:$0x1] =	stream.indirect.gather [hbm4b:s4+s16], $0x80, s30, s16, $0xb8;
	[tilespmem:$0x1E800] =	vst v63  }
0x50: {  	_ =	swait.ge [sflag:s20], $0x4000  }
0x51: {  	[sflag:s20] =	ssyncset.done $0x0  }
0x52: {  	s31 =	simm.s32 $0x1480;
	[sflag:s20] =	ssyncadd.s32 $0xFFFFC000  }
0x53: {  	[spmem:s2] =	stream.indirect.scatter.add.f32 [tilespmem:s18], [sflag:$0x3], $0x80, s31, s16, $0xb8;
	[tilespmem:$0x1E800] =	vst v63  }
0x54: {  	_ =	swait.ge [sflag:s15], $0x4000  }
0x55: {  	s28 =	simm.s32 $0x800;
	s26 =	simm.s32 $0x100;
	[sflag:s15] =	ssyncset.done $0x0  }
.LBB2_4:
0x56: {  	s29 =	sadd.s32 $0x80, s26  }
0x57: {  	[sflag:s15] =	ssyncadd.s32 $0xFFFFC000;
	s30 =	smov.u32 s28;
	s31 =	sadd.s32 $0x400, s28  }
0x58: {  	[tilespmem:s18], [sflag:$0x2] =	stream.indirect.gather [hbm4b:s4+s16], $0x80, s29, s16, $0xb8;
	[tilespmem:$0x1E800] =	vst v63  }
0x59: {  	p1 =	sne.s32 s28, $0x4800;
	_ =	swait.ge [sflag:s19], $0x4000  }
0x5a: {  	[sflag:s19] =	ssyncset.done $0x0  }
0x5b: {  	s28 =	sadd.s32 $0x1400, s26;
	[sflag:s19] =	ssyncadd.s32 $0xFFFFC000  }
0x5c: {  	[spmem:s2] =	stream.indirect.scatter.add.f32 [tilespmem:s17], [sflag:$0x3], $0x80, s28, s16, $0xb8;
	[tilespmem:$0x1E800] =	vst v63  }
0x5d: {  	_ =	swait.ge [sflag:s15], $0x4000  }
0x5e: {  	[sflag:s15] =	ssyncset.done $0x0  }
0x5f: {  	s28 =	sadd.s32 $0x100, s26;
	[sflag:s15] =	ssyncadd.s32 $0xFFFFC000  }
0x60: {  	[tilespmem:s17], [sflag:$0x1] =	stream.indirect.gather [hbm4b:s4+s16], $0x80, s28, s16, $0xb8;
	[tilespmem:$0x1E800] =	vst v63  }
0x61: {  	_ =	swait.ge [sflag:s20], $0x4000  }
.Ltmp1:
0x62: {  	[sflag:s20] =	ssyncset.done $0x0;
	(pc) =	sbr.rel @p1 .LBB2_4-.Ltmp1, $4  }
0x63: {  	s26 =	sadd.s32 $0x1480, s26;
	[sflag:s20] =	ssyncadd.s32 $0xFFFFC000  }
0x64: {  	[spmem:s2] =	stream.indirect.scatter.add.f32 [tilespmem:s18], [sflag:$0x3], $0x80, s26, s16, $0xb8;
	[tilespmem:$0x1E800] =	vst v63  }
0x65: {  	_ =	swait.ge [sflag:s15], $0x4000  }
0x66: {  	s28 =	smov.u32 s31;
	s26 =	sshra.s32 s30, $0x2;
	[sflag:s15] =	ssyncset.done $0x0  }
0x67: {  	s28 =	sadd.s32 $0x80, s26;
	[sflag:s15] =	ssyncadd.s32 $0xFFFFC000  }
0x68: {  	[tilespmem:s18], [sflag:$0x2] =	stream.indirect.gather [hbm4b:s4+s16], $0x80, s28, s16, $0xb8;
	[tilespmem:$0x1E800] =	vst v63  }
0x69: {  	_ =	swait.ge [sflag:s19], $0x4000  }
0x6a: {  	[sflag:s19] =	ssyncset.done $0x0  }
0x6b: {  	s30 =	sadd.s32 $0x1400, s26;
	[sflag:s19] =	ssyncadd.s32 $0xFFFFC000  }
0x6c: {  	[spmem:s2] =	stream.indirect.scatter.add.f32 [tilespmem:s17], [sflag:$0x3], $0x80, s30, s16, $0xb8;
	[tilespmem:$0x1E800] =	vst v63  }
0x6d: {  	_ =	swait.ge [sflag:s15], $0x4000  }
0x6e: {  	[sflag:s15] =	ssyncset.done $0x0  }
0x6f: {  	s31 =	sadd.s32 $0x100, s26;
	[sflag:s15] =	ssyncadd.s32 $0xFFFFC000  }
0x70: {  	[tilespmem:s17], [sflag:$0x1] =	stream.indirect.gather [hbm4b:s4+s16], $0x80, s31, s16, $0xb8;
	[tilespmem:$0x1E800] =	vst v63  }
0x71: {  	_ =	swait.ge [sflag:s20], $0x4000  }
0x72: {  	[sflag:s20] =	ssyncset.done $0x0  }
0x73: {  	s29 =	sadd.s32 $0x1480, s26;
	[sflag:s20] =	ssyncadd.s32 $0xFFFFC000  }
0x74: {  	[spmem:s2] =	stream.indirect.scatter.add.f32 [tilespmem:s18], [sflag:$0x3], $0x80, s29, s16, $0xb8;
	[tilespmem:$0x1E800] =	vst v63  }
0x75: {  	_ =	swait.ge [sflag:s15], $0x4000  }
0x76: {  	[sflag:s15] =	ssyncset.done $0x0  }
0x77: {  	[sflag:s15] =	ssyncadd.s32 $0xFFFFC000  }
0x78: {  	[tilespmem:s18], [sflag:$0x2] =	stream.indirect.gather [hbm4b:s4+s16], $0x80, s21, s16, $0xb8;
	[tilespmem:$0x1E800] =	vst v63  }
0x79: {  	_ =	swait.ge [sflag:s19], $0x4000  }
0x7a: {  	[sflag:s19] =	ssyncset.done $0x0  }
0x7b: {  	[sflag:s19] =	ssyncadd.s32 $0xFFFFC000  }
0x7c: {  	[spmem:s2] =	stream.indirect.scatter.add.f32 [tilespmem:s17], [sflag:$0x3], $0x80, s22, s16, $0xb8;
	[tilespmem:$0x1E800] =	vst v63  }
0x7d: {  	_ =	swait.ge [sflag:s15], $0x4000  }
0x7e: {  	[sflag:s15] =	ssyncset.done $0x0  }
0x7f: {  	[sflag:s15] =	ssyncadd.s32 $0xFFFFC000  }
0x80: {  	_ =	swait.ge [sflag:s20], $0x4000  }
0x81: {  	[sflag:s20] =	ssyncset.done $0x0  }
0x82: {  	[sflag:s20] =	ssyncadd.s32 $0xFFFFC000  }
0x83: {  	[spmem:s2] =	stream.indirect.scatter.add.f32 [tilespmem:s18], [sflag:$0x3], $0x80, s23, s16, $0xb8;
	[tilespmem:$0x1E800] =	vst v63  }
0x84: {  	_ =	swait.ge [sflag:s15], $0x4000  }
0x85: {  	s25 =	sadd.s32 $0x1, s25;
	s30 =	sshll.u32 s1, $0x6;
	[sflag:s15] =	ssyncset.done $0x0  }
0x86: {  	p1 =	sne.s32 s25, s13;
	s26 =	sor.u32 $0x1C03, s30;
	[sflag:s15] =	ssyncadd.s32 $0xFFFFC000  }
.Ltmp2:
0x87: {  	s31 =	sshrl.u32 s8, $0x3;
	[bflag:$0x0] =	sbarrier.arrive $0xFFFF;
	(pc) =	sbr.rel @p1 .LBB2_1-.Ltmp2, $4  }
0x88: {  	[hbm:s24], [sflag:s26] =	dma.local [spmem:s31], $0x2800  }
0x89: {  	_ =	swait.ge [sflag:s15], $0x2800  }
0x8a: {  	[sflag:s15] =	ssyncset.done $0x0  }
0x8b: {  	[sflag:s15] =	ssyncadd.s32 $0xFFFFD800  }
0x8c: {  	_ =	sfence.sel $0x180000  }
0x8d: {  	[bflag:$0x0] =	sbarrier.arrive $0xFFFF  }
0x8e: {  	p0 =	sne.s32 s1, $0x0;
	_ =	strace $0x9000004A  }
0x8f: {  	s0 =	sadd.s32 @!p0 $0x100000, s0;
	[bflag:$0x2] =	sbarrier.arrive $0xFFFF  }
0x90: {  	[sflag:s0] =	ssyncadd.tile.s32 @!p0 $0x1;
	_ =	shalt  }
.Lfunc_end2:
_tile_overlayer_lowered:
.L_overlay_start_2:
0x91: {  	(tag) =	ssettag $0x2  }
0x92: {  	s0 =	rddreg [dreg:$0x0];
	s2 =	stileid.u32  }
0x93: {  	s1 =	rddreg [dreg:$0x1];
	p0 =	sne.s32 s2, $0x0  }
0x94: {  	s3 =	rddreg [dreg:$0x2];
	[bflag:$0x3] =	sbarrier.arrive $0xFFFF;
	s2 =	simm.s32 @!p0 $0x1C03  }
0x95: {  	[timem:s3], [sflag:s2] =	dma.local @!p0 [hbm:s0], s1  }
0x96: {  	s0 =	simm.s32 @!p0 $0x3  }
0x97: {  	_ =	swait.ge @!p0 [sflag:s0], s1  }
0x98: {  	s1 =	ssub.s32 @!p0 $0x0, s1;
	[sflag:s0] =	ssyncset.done @!p0 $0x0  }
0x99: {  	[sflag:s0] =	ssyncadd.s32 @!p0 s1  }
0x9a: {  	[bflag:$0x3] =	sbarrier.arrive $0xFFFF  }
0x9b: {  	_ =	shalt  }

// kernel: kernel.15.cloned.1.call-start
scs
__scs_entry_jumppad:
0x0: {  	(pc) =	sbr.rel $0x88, $3  }
0x1: {  	(tag) =	ssettag $0x0;
	lr =	simm.s32 $0x1  }
0x2: {  	[smem:$0x3F9C] =	sst lr;
	_ =	strace $0xD0000000  }
0x3: {  	_ = 	snop  }
0x4: {  	_ = 	snop  }
0x5: {  	_ = 	snop  }
0x6: {  	_ = 	snop  }
0x7: {  	_ = 	snop  }
__scs_overlays_trampoline_lowered:
0x8: {  	[smem:$0x3FAB] =	sst s0  }
0x9: {  	[smem:$0x3FAC] =	sst s1  }
0xa: {  	[smem:$0x3FAD] =	sst s2  }
0xb: {  	[smem:$0x3FAE] =	sst s3  }
0xc: {  	[smem:$0x3FAF] =	sst s4  }
0xd: {  	[smem:$0x3FB0] =	sst s5  }
0xe: {  	[smem:$0x3FB1] =	sst s6  }
0xf: {  	[smem:$0x3FB2] =	sst s7  }
0x10: {  	[smem:$0x3FB3] =	sst s8  }
0x11: {  	[smem:$0x3FB4] =	sst s9;
	s0 =	simm.s32 @!p0 $0x0  }
0x12: {  	s1 =	sld [smem:$0x3F9A];
	s0 =	simm.s32 @p0 $0x1  }
0x13: {  	[smem:$0x3FB5] =	sst s0;
	s0 =	simm.s32 @!p1 $0x0  }
0x14: {  	s2 =	sld [smem:$0x3F99];
	s0 =	simm.s32 @p1 $0x1  }
0x15: {  	[smem:$0x3FB6] =	sst s0;
	s0 =	simm.s32 @!p2 $0x0  }
0x16: {  	s3 =	sld [smem:$0x3FDB];
	s0 =	simm.s32 @p2 $0x1  }
0x17: {  	s4 =	simm.s32 $0x1BF5;
	[smem:$0x3FB8] =	sst s0  }
0x18: {  	s0 =	sld [smem:$0x3F9B];
	_ =	swait.ge [sflag:s4], $0x0  }
0x19: {  	s7 =	sld [smem:$0x3F9C]  }
0x1a: {  	s8 =	sadd.s32 $0xFFFFE003, lr  }
0x1b: {  	s9 =	sadd.s32 $0xFFFFFEF7, lr;
	s5 =	simm.s32 $0xFFFFFFFF;
	p2 =	slt.u32 s8, $0xFFFFF086  }
0x1c: {  	p1 =	slt.u32 s9, $0xF7A;
	s5 =	simm.s32 @!p2 $0x0  }
0x1d: {  	s5 =	simm.s32 @p1 $0x1;
	p0 =	seq.s32 s7, s2  }
0x1e: {  	s7 =	smul.u32 @!p0 $0xF7A, s2;
	p2 =	seq.s32 @!p0 s5, $0x0  }
0x1f: {  	s9 =	smul.u32 $0xF7A, s1;
	s8 =	simm.s32 @!p0 $0x1BF5;
	p2 =	por !p2, p0  }
0x20: {  	[sflag:s8] =	ssyncset.s32 @!p0 $0xFFFFF086;
	s6 =	sadd.s32 @!p0 s3, s7;
	s7 =	simm.s32 @!p0 $0x108  }
0x21: {  	s3 =	sadd.s32 s3, s9;
	s6 =	sadd.s32 @!p0 $0x88, s6;
	s7 =	simm.s32 @p2 $0x1082  }
0x22: {  	[simem:s7], [sflag:s8] =	dma.local @!p0 [hbm:s6], $0xF7A  }
0x23: {  	s9 =	sor.u32 $0xD0000000, s2;
	s6 =	simm.s32 $0x108;
	_ =	swait.ge @!p0 [sflag:s8], $0x0  }
0x24: {  	s3 =	sadd.s32 $0x88, s3;
	s6 =	simm.s32 @!p1 $0x1082;
	[sflag:s4] =	ssyncset.s32 $0xFFFFF086  }
0x25: {  	[simem:s6], [sflag:s4] =	dma.local [hbm:s3], $0xF7A  }
0x26: {  	[smem:$0x3F9C] =	sst s1;
	(tag) =	ssettag s2;
	_ =	strace s9  }
0x27: {  	s1 =	sld [smem:$0x3FAC]  }
0x28: {  	s2 =	sld [smem:$0x3FAD]  }
0x29: {  	s4 =	sld [smem:$0x3FAF]  }
0x2a: {  	p0 =	seq.s32 s5, $0x0;
	s5 =	sld [smem:$0x3FB0]  }
0x2b: {  	s6 =	sld [smem:$0x3FB1]  }
0x2c: {  	s7 =	sld [smem:$0x3FB2]  }
0x2d: {  	s3 =	simm.s32 $0x108;
	s8 =	sld [smem:$0x3FB3]  }
0x2e: {  	s3 =	simm.s32 @!p0 $0x1082;
	s9 =	sld [smem:$0x3FB4]  }
0x2f: {  	lr =	sadd.s32 s0, s3;
	s0 =	sld [smem:$0x3FAB]  }
0x30: {  	s3 =	sld [smem:$0x3FAE]  }
0x31: {  	[smem:$0x3FB7] =	sst s10  }
0x32: {  	s10 =	sld [smem:$0x3FB5];
	_ =	sdelay $0x3  }
0x33: {  	p0 =	seq.s32 s10, $0x1;
	s10 =	sld [smem:$0x3FB7];
	_ =	sdelay $0x3  }
0x34: {  	[smem:$0x3FB7] =	sst s10  }
0x35: {  	s10 =	sld [smem:$0x3FB6];
	_ =	sdelay $0x3  }
0x36: {  	p1 =	seq.s32 s10, $0x1;
	s10 =	sld [smem:$0x3FB7];
	_ =	sdelay $0x3  }
0x37: {  	[smem:$0x3FB7] =	sst s10  }
0x38: {  	s10 =	sld [smem:$0x3FB8]  }
0x39: {  	_ = 	snop;
	(pc) =	sbr.ind lr, $3  }
0x3a: {  	_ = 	snop  }
0x3b: {  	_ = 	snop  }
0x3c: {  	p2 =	seq.s32 s10, $0x1;
	s10 =	sld [smem:$0x3FB7]  }
0x3d: {  	_ =	shalt  }
0x3e: {  	_ =	shalt  }
0x3f: {  	_ =	shalt  }
0x40: {  	_ =	shalt  }
0x41: {  	_ =	shalt  }
0x42: {  	_ =	shalt  }
0x43: {  	_ =	shalt  }
0x44: {  	_ =	shalt  }
0x45: {  	_ =	shalt  }
0x46: {  	_ =	shalt  }
0x47: {  	_ =	shalt  }
0x48: {  	_ =	shalt  }
0x49: {  	_ =	shalt  }
0x4a: {  	_ =	shalt  }
0x4b: {  	_ =	shalt  }
0x4c: {  	_ =	shalt  }
0x4d: {  	_ =	shalt  }
0x4e: {  	_ =	shalt  }
0x4f: {  	_ =	shalt  }
0x50: {  	_ =	shalt  }
0x51: {  	_ =	shalt  }
0x52: {  	_ =	shalt  }
0x53: {  	_ =	shalt  }
0x54: {  	_ =	shalt  }
0x55: {  	_ =	shalt  }
0x56: {  	_ =	shalt  }
0x57: {  	_ =	shalt  }
0x58: {  	_ =	shalt  }
0x59: {  	_ =	shalt  }
0x5a: {  	_ =	shalt  }
0x5b: {  	_ =	shalt  }
0x5c: {  	_ =	shalt  }
0x5d: {  	_ =	shalt  }
0x5e: {  	_ =	shalt  }
0x5f: {  	_ =	shalt  }
0x60: {  	_ =	shalt  }
0x61: {  	_ =	shalt  }
0x62: {  	_ =	shalt  }
0x63: {  	_ =	shalt  }
0x64: {  	_ =	shalt  }
0x65: {  	_ =	shalt  }
0x66: {  	_ =	shalt  }
0x67: {  	_ =	shalt  }
0x68: {  	_ =	shalt  }
0x69: {  	_ =	shalt  }
0x6a: {  	_ =	shalt  }
0x6b: {  	_ =	shalt  }
0x6c: {  	_ =	shalt  }
0x6d: {  	_ =	shalt  }
0x6e: {  	_ =	shalt  }
0x6f: {  	_ =	shalt  }
0x70: {  	_ =	shalt  }
0x71: {  	_ =	shalt  }
0x72: {  	_ =	shalt  }
0x73: {  	_ =	shalt  }
0x74: {  	_ =	shalt  }
0x75: {  	_ =	shalt  }
0x76: {  	_ =	shalt  }
0x77: {  	_ =	shalt  }
0x78: {  	_ =	shalt  }
0x79: {  	_ =	shalt  }
0x7a: {  	_ =	shalt  }
0x7b: {  	_ =	shalt  }
0x7c: {  	_ =	shalt  }
0x7d: {  	_ =	shalt  }
0x7e: {  	_ =	shalt  }
0x7f: {  	_ =	shalt  }
0x80: {  	_ =	shalt  }
0x81: {  	_ =	shalt  }
0x82: {  	_ =	shalt  }
0x83: {  	_ =	shalt  }
0x84: {  	_ =	shalt  }
0x85: {  	_ =	shalt  }
0x86: {  	_ =	shalt  }
0x87: {  	_ =	shalt  }
.Lfunc_end0:
.L_simem_size_0:
called_computation.2_lowered:
.L_overlay_start_0:
0x88: {  	s2 =	sld [smem:$0x3FD9]  }
0x89: {  	s3 =	sld [smem:$0x3FFE];
	_ =	sdelay $0x1  }
0x8a: {  	s1 =	srdreg.scid  }
0x8b: {  	s0 =	sand.u32 $0x1, s1  }
0x8c: {  	s17 =	sshll.u32 s0, $0xA;
	s2 =	sadd.s32 s3, s2  }
0x8d: {  	s2 =	sadd.s32 s2, s17  }
0x8e: {  	[smem:$0x3FC3] =	sst s2  }
0x8f: {  	_ = 	snop  }
0x90: {  	s2 =	sld [smem:$0x3FD0];
	(tm) =	ssettm $0x1  }
0x91: {  	s18 =	sld [smem:$0x3FFB];
	_ =	sdelay $0x3  }
0x92: {  	_ =	strace s18  }
0x93: {  	s3 =	sld [smem:$0x3FFC];
	_ =	sdelay $0x3  }
0x94: {  	_ =	strace s3  }
0x95: {  	s3 =	sld [smem:$0x3FFD];
	_ =	sdelay $0x3  }
0x96: {  	_ =	strace s3  }
0x97: {  	_ =	strace $0x8FFFFFFF  }
0x98: {  	s19 =	sld [smem:$0x3FDB];
	_ =	sdelay $0x1  }
0x99: {  	s4 =	simm.s32 $_scs_section_size  }
0x9a: {  	s5 =	simm.s32 $_size__tile_overlayer_lowered;
	s6 =	simm.s32 $_tile_overlayer_lowered  }
0x9b: {  	s22 =	simm.s32 $0x1BFF;
	s21 =	sshll.u32 s6, $0x1;
	s3 =	sadd.s32 s4, s19  }
0x9c: {  	s7 =	simm.s32 $0x0;
	s20 =	sshll.u32 s5, $0x1;
	s5 =	sadd.s32 s21, s3  }
0x9d: {  	[timem:s7], [sflag:s22] =	dma.local [hbm:s5], s20  }
0x9e: {  	_ =	swait.ge [sflag:s22], s20  }
0x9f: {  	s4 =	ssub.s32 $0x0, s20;
	[sflag:s22] =	ssyncset.done $0x0  }
0xa0: {  	[sflag:s22] =	ssyncadd.s32 s4;
	_ =	sdelay $0x1  }
0xa1: {  	s23 =	simm.s32 $0x1B8B  }
0xa2: {  	_ =	swait.ge [sflag:s23], $0x1  }
0xa3: {  	[sflag:s23] =	ssyncset.done $0x0  }
0xa4: {  	s25 =	simm.s32 $0x1B8E;
	s24 =	sld [smem:$0x3FFE];
	[sflag:s23] =	ssyncadd.s32 $0xFFFFFFFF  }
0xa5: {  	s26 =	simm.s32 $execute0_lowered;
	[smem:$0x3FD2] =	sst s25  }
0xa6: {  	s5 =	sshll.u32 s26, $0x1;
	_ =	strace $0x8000004C;
	[dreg:$0x1] =	wrdreg $0xFFFFFFFF  }
0xa7: {  	s28 =	simm.s32 $_size_execute0_lowered;
	s3 =	sadd.s32 s3, s5;
	[dreg:$0x0] =	wrdreg $0x0  }
0xa8: {  	s5 =	sshll.u32 s28, $0x1;
	[dreg:$0x2] =	wrdreg s3  }
0xa9: {  	[dreg:$0x3] =	wrdreg s5  }
0xaa: {  	[dreg:$0x4] =	wrdreg $0xC0  }
0xab: {  	_ =	task [dreg:s7], $0x5FFFF  }
0xac: {  	[dreg:$0x1] =	wrdreg $0xFFFFFFFF  }
0xad: {  	[dreg:$0x0] =	wrdreg $0x60  }
0xae: {  	[dreg:$0x2] =	wrdreg s24  }
0xaf: {  	[dreg:$0x3] =	wrdreg s2  }
0xb0: {  	[dreg:$0x4] =	wrdreg $0xA8000  }
0xb1: {  	[dreg:$0x5] =	wrdreg $0x9  }
0xb2: {  	_ =	task.clear_ibuf [dreg:s7], $0x6FFFF;
	_ =	strace $0x9000004C  }
0xb3: {  	s29 =	simm.s32 $0x9;
	_ =	strace $0x8000004E  }
0xb4: {  	_ =	swait.ge [sflag:s29], $0x1  }
0xb5: {  	[sflag:s29] =	ssyncadd.s32 $0xFFFFFFFF  }
0xb6: {  	_ =	strace $0x9000004E  }
0xb7: {  	_ =	sfence  }
0xb8: {  	s30 =	sld [smem:$0x0];
	_ =	sdelay $0x2  }
0xb9: {  	s31 =	sshll.u32 s1, $0xD;
	s1 =	sshrl.u32 s1, $0x2  }
0xba: {  	s3 =	sand.u32 $0x4000, s31;
	s1 =	sadd.s32 s1, s30  }
0xbb: {  	s0 =	sor.u32 s3, s0;
	s1 =	sshll.u32 s1, $0x11  }
0xbc: {  	s0 =	sor.u32 s1, s0  }
0xbd: {  	s0 =	sadd.s32 $0x8F2B, s0  }
0xbe: {  	[sflag:s0] =	ssyncadd.remote.s32 $0x1  }
0xbf: {  	_ =	sfence.sel $0xFFFF  }
0xc0: {  	[dreg:$0x0] =	wrdreg $0xFFFFFFFF;
	(pc) =	sbr.abs _section_cstart, $3  }
0xc1: {  	[dreg:$0x1] =	wrdreg $0xFFFFFFFF  }
0xc2: {  	_ =	task.clear_ibuf [dreg:s7], $0x2FFFF;
	_ =	strace $0x9FFFFFFF  }
0xc3: {  	(tm) =	ssettm $0x7FFFFFFF  }
tec
execute0_lowered:
.L_overlay_start_1:
0x0: {  	(tag) =	ssettag $0x1  }
0x1: {  	s6 =	rddreg [dreg:$0x0]  }
0x2: {  	s0 =	srdreg.scid;
	s7 =	rddreg [dreg:$0x1]  }
0x3: {  	s2 =	rddreg [dreg:$0x2];
	s1 =	stileid.u32;
	s3 =	simm.s32 $0x0  }
0x4: {  	s17 =	simm.s32 $0x2800;
	s18 =	simm.s32 $0x6800;
	s19 =	simm.s32 $0x1  }
0x5: {  	s20 =	simm.s32 $0x2;
	s21 =	simm.s32 $0x1380;
	s22 =	simm.s32 $0x2700  }
0x6: {  	s23 =	simm.s32 $0x2780;
	s5 =	sand.u32 $0x1, s0;
	s0 =	rddreg [dreg:$0x3]  }
0x7: {  	[smem:$0x7FF] =	sst s3;
	s12 =	smul.u32 $0x50000, s1;
	s14 =	sadd.s32 $0x2E400, s6  }
0x8: {  	s25 =	smul.u32 $0x2800, s1;
	s4 =	sshll.u32 s5, $0x4;
	_ =	strace $0x8000004D  }
0x9: {  	s9 =	smul.u32 $0x28000, s5;
	s11 =	ssub.s32 $0x2, s5;
	s5 =	sadd.s32 $0x2E000, s6  }
0xa: {  	s13 =	sor.u32 s1, s4;
	s4 =	sadd.s32 $0x6E00, s6;
	s15 =	sshrl.u32 s11, $0x1  }
0xb: {  	s31 =	sshrl.u32 s12, $0x2;
	s8 =	smul.u32 $0x280, s13;
	s16 =	sadd.s32 s9, s6  }
0xc: {  	s15 =	ssub.s32 s11, s15;
	p0 =	seq.s32 s13, $0x1F;
	s24 =	sadd.s32 $0x2E800, s16  }
0xd: {  	s13 =	smax.u32 s15, $0x1;
	s15 =	simm.s32 $0x3;
	s16 =	simm.s32 $0x80  }
0xe: {  	s10 =	sadd.s32 s8, s6;
	s6 =	sadd.s32 s7, s8;
	s8 =	sadd.s32 s31, s2  }
0xf: {  	s24 =	sadd.s32 s25, s24;
	s25 =	simm.s32 $0x0;
	s7 =	sadd.s32 $0x1E00, s10  }
0x10: {  	s9 =	sadd.s32 $0x4000, s8;
	s10 =	sadd.s32 $0x8000, s8;
	s11 =	sadd.s32 $0xC000, s8  }
0x11: {  	v0 =	vimm.f32 $0.0e+00;
	s12 =	sadd.s32 $0x10000, s8;
	s7 =	smov.u32 @p0 s14;
	s14 =	simm.s32 $0x1400  }
.LBB2_1:
0x12: {  	s26 =	simm.s32 @p0 $0x0  }
0x13: {  	[tilespmem:s26], [sflag:$0x3] =	stream.linear.gather @p0 [hbm4b:s5+s26], $0x1400, $0x38;
	[tilespmem:$0x1E800] =	vst v63  }
0x14: {  	s26 =	simm.s32 @p0 $0x3  }
0x15: {  	_ =	swait.ge @p0 [sflag:s26], $0x1400  }
0x16: {  	[sflag:s26] =	ssyncset.done @p0 $0x0  }
0x17: {  	[sflag:s26] =	ssyncadd.s32 @p0 $0xFFFFEC00;
	s26 =	simm.s32 @!p0 $0x0  }
0x18: {  	[tilespmem:s26], [sflag:$0x3] =	stream.linear.gather @!p0 [hbm4b:s6+s26], $0x1400, $0x38;
	[tilespmem:$0x1E800] =	vst v63  }
0x19: {  	s26 =	simm.s32 @!p0 $0x3  }
0x1a: {  	_ =	swait.ge @!p0 [sflag:s26], $0x1400  }
0x1b: {  	[sflag:s26] =	ssyncset.done @!p0 $0x0  }
0x1c: {  	[sflag:s26] =	ssyncadd.s32 @!p0 $0xFFFFEC00  }
0x1d: {  	[tilespmem:s14], [sflag:$0x3] =	stream.linear.gather [hbm4b:s7+s3], $0x1400, $0x38;
	[tilespmem:$0x1E800] =	vst v63  }
0x1e: {  	_ =	swait.ge [sflag:s15], $0x1400  }
0x1f: {  	[sflag:s15] =	ssyncset.done $0x0  }
0x20: {  	s28 =	simm.s32 $0x200;
	s26 =	simm.s32 $0x0;
	[sflag:s15] =	ssyncadd.s32 $0xFFFFEC00  }
0x21: {  	[tilespmem:s17], [sflag:$0x1] =	stream.indirect.gather [hbm4b:s4+s16], $0x80, s3, s16, $0xb8;
	[tilespmem:$0x1E800] =	vst v63  }
.LBB2_2:
0x22: {  	p1 =	sne.s32 s28, $0xFE00;
	[tilespmem:s26+$0x6870] =	vst v0  }
0x23: {  	[tilespmem:s26+$0x6800] =	vst v0  }
0x24: {  	[tilespmem:s26+$0x6810] =	vst v0  }
.Ltmp0:
0x25: {  	[tilespmem:s26+$0x6820] =	vst v0;
	(pc) =	sbr.rel @p1 .LBB2_2-.Ltmp0, $4  }
0x26: {  	[tilespmem:s26+$0x6830] =	vst v0  }
0x27: {  	[tilespmem:s26+$0x6840] =	vst v0  }
0x28: {  	[tilespmem:s26+$0x6850] =	vst v0  }
0x29: {  	[tilespmem:s26+$0x6860] =	vst v0;
	s26 =	sshra.s32 s28, $0x2;
	s28 =	sadd.s32 $0x200, s28  }
0x2a: {  	[tilespmem:s26+$0x6870] =	vst v0  }
0x2b: {  	[tilespmem:s26+$0x6800] =	vst v0  }
0x2c: {  	[tilespmem:s26+$0x6810] =	vst v0  }
0x2d: {  	[tilespmem:s26+$0x6820] =	vst v0  }
0x2e: {  	[tilespmem:s26+$0x6830] =	vst v0  }
0x2f: {  	[tilespmem:s26+$0x6840] =	vst v0  }
0x30: {  	[tilespmem:s26+$0x6850] =	vst v0  }
0x31: {  	[tilespmem:s26+$0x6860] =	vst v0  }
0x32: {  	[spmem:s8] =	stream.linear.scatter [tilespmem:s18], [sflag:$0x3], $0x4000, $0x38;
	[tilespmem:$0x1E800] =	vst v63  }
0x33: {  	_ =	swait.ge [sflag:s15], $0x4000  }
0x34: {  	[sflag:s15] =	ssyncset.done $0x0  }
0x35: {  	[sflag:s15] =	ssyncadd.s32 $0xFFFFC000  }
0x36: {  	[spmem:s9] =	stream.linear.scatter [tilespmem:s18], [sflag:$0x3], $0x4000, $0x38;
	[tilespmem:$0x1E800] =	vst v63  }
0x37: {  	_ =	swait.ge [sflag:s15], $0x4000  }
0x38: {  	[sflag:s15] =	ssyncset.done $0x0  }
0x39: {  	[sflag:s15] =	ssyncadd.s32 $0xFFFFC000  }
0x3a: {  	[spmem:s10] =	stream.linear.scatter [tilespmem:s18], [sflag:$0x3], $0x4000, $0x38;
	[tilespmem:$0x1E800] =	vst v63  }
0x3b: {  	_ =	swait.ge [sflag:s15], $0x4000  }
0x3c: {  	[sflag:s15] =	ssyncset.done $0x0  }
0x3d: {  	[sflag:s15] =	ssyncadd.s32 $0xFFFFC000  }
0x3e: {  	[spmem:s11] =	stream.linear.scatter [tilespmem:s18], [sflag:$0x3], $0x4000, $0x38;
	[tilespmem:$0x1E800] =	vst v63  }
0x3f: {  	_ =	swait.ge [sflag:s15], $0x4000  }
0x40: {  	[sflag:s15] =	ssyncset.done $0x0  }
0x41: {  	[sflag:s15] =	ssyncadd.s32 $0xFFFFC000  }
0x42: {  	[spmem:s12] =	stream.linear.scatter [tilespmem:s18], [sflag:$0x3], $0x4000, $0x38;
	[tilespmem:$0x1E800] =	vst v63  }
0x43: {  	_ =	swait.ge [sflag:s15], $0x4000  }
0x44: {  	[sflag:s15] =	ssyncset.done $0x0  }
0x45: {  	[sflag:s15] =	ssyncadd.s32 $0xFFFFC000  }
0x46: {  	s31 =	simm.s32 $0x80;
	[bflag:$0x0] =	sbarrier.arrive $0xFFFF  }
0x47: {  	[tilespmem:s18], [sflag:$0x2] =	stream.indirect.gather [hbm4b:s4+s16], $0x80, s31, s16, $0xb8;
	[tilespmem:$0x1E800] =	vst v63  }
0x48: {  	_ =	swait.ge [sflag:s19], $0x4000  }
0x49: {  	[sflag:s19] =	ssyncset.done $0x0  }
0x4a: {  	s29 =	simm.s32 $0x1400;
	[sflag:s19] =	ssyncadd.s32 $0xFFFFC000  }
0x4b: {  	[spmem:s2] =	stream.indirect.scatter.add.f32 [tilespmem:s17], [sflag:$0x3], $0x80, s29, s16, $0xb8;
	[tilespmem:$0x1E800] =	vst v63  }
0x4c: {  	_ =	swait.ge [sflag:s15], $0x4000  }
0x4d: {  	[sflag:s15] =	ssyncset.done $0x0  }
0x4e: {  	s30 =	simm.s32 $0x100;
	[sflag:s15] =	ssyncadd.s32 $0xFFFFC000  }
0x4f: {  	[tilespmem:s17], [sflag:$0x1] =	stream.indirect.gather [hbm4b:s4+s16], $0x80, s30, s16, $0xb8;
	[tilespmem:$0x1E800] =	vst v63  }
0x50: {  	_ =	swait.ge [sflag:s20], $0x4000  }
0x51: {  	[sflag:s20] =	ssyncset.done $0x0  }
0x52: {  	s31 =	simm.s32 $0x1480;
	[sflag:s20] =	ssyncadd.s32 $0xFFFFC000  }
0x53: {  	[spmem:s2] =	stream.indirect.scatter.add.f32 [tilespmem:s18], [sflag:$0x3], $0x80, s31, s16, $0xb8;
	[tilespmem:$0x1E800] =	vst v63  }
0x54: {  	_ =	swait.ge [sflag:s15], $0x4000  }
0x55: {  	s28 =	simm.s32 $0x800;
	s26 =	simm.s32 $0x100;
	[sflag:s15] =	ssyncset.done $0x0  }
.LBB2_4:
0x56: {  	s29 =	sadd.s32 $0x80, s26  }
0x57: {  	[sflag:s15] =	ssyncadd.s32 $0xFFFFC000;
	s30 =	smov.u32 s28;
	s31 =	sadd.s32 $0x400, s28  }
0x58: {  	[tilespmem:s18], [sflag:$0x2] =	stream.indirect.gather [hbm4b:s4+s16], $0x80, s29, s16, $0xb8;
	[tilespmem:$0x1E800] =	vst v63  }
0x59: {  	p1 =	sne.s32 s28, $0x4800;
	_ =	swait.ge [sflag:s19], $0x4000  }
0x5a: {  	[sflag:s19] =	ssyncset.done $0x0  }
0x5b: {  	s28 =	sadd.s32 $0x1400, s26;
	[sflag:s19] =	ssyncadd.s32 $0xFFFFC000  }
0x5c: {  	[spmem:s2] =	stream.indirect.scatter.add.f32 [tilespmem:s17], [sflag:$0x3], $0x80, s28, s16, $0xb8;
	[tilespmem:$0x1E800] =	vst v63  }
0x5d: {  	_ =	swait.ge [sflag:s15], $0x4000  }
0x5e: {  	[sflag:s15] =	ssyncset.done $0x0  }
0x5f: {  	s28 =	sadd.s32 $0x100, s26;
	[sflag:s15] =	ssyncadd.s32 $0xFFFFC000  }
0x60: {  	[tilespmem:s17], [sflag:$0x1] =	stream.indirect.gather [hbm4b:s4+s16], $0x80, s28, s16, $0xb8;
	[tilespmem:$0x1E800] =	vst v63  }
0x61: {  	_ =	swait.ge [sflag:s20], $0x4000  }
.Ltmp1:
0x62: {  	[sflag:s20] =	ssyncset.done $0x0;
	(pc) =	sbr.rel @p1 .LBB2_4-.Ltmp1, $4  }
0x63: {  	s26 =	sadd.s32 $0x1480, s26;
	[sflag:s20] =	ssyncadd.s32 $0xFFFFC000  }
0x64: {  	[spmem:s2] =	stream.indirect.scatter.add.f32 [tilespmem:s18], [sflag:$0x3], $0x80, s26, s16, $0xb8;
	[tilespmem:$0x1E800] =	vst v63  }
0x65: {  	_ =	swait.ge [sflag:s15], $0x4000  }
0x66: {  	s28 =	smov.u32 s31;
	s26 =	sshra.s32 s30, $0x2;
	[sflag:s15] =	ssyncset.done $0x0  }
0x67: {  	s28 =	sadd.s32 $0x80, s26;
	[sflag:s15] =	ssyncadd.s32 $0xFFFFC000  }
0x68: {  	[tilespmem:s18], [sflag:$0x2] =	stream.indirect.gather [hbm4b:s4+s16], $0x80, s28, s16, $0xb8;
	[tilespmem:$0x1E800] =	vst v63  }
0x69: {  	_ =	swait.ge [sflag:s19], $0x4000  }
0x6a: {  	[sflag:s19] =	ssyncset.done $0x0  }
0x6b: {  	s30 =	sadd.s32 $0x1400, s26;
	[sflag:s19] =	ssyncadd.s32 $0xFFFFC000  }
0x6c: {  	[spmem:s2] =	stream.indirect.scatter.add.f32 [tilespmem:s17], [sflag:$0x3], $0x80, s30, s16, $0xb8;
	[tilespmem:$0x1E800] =	vst v63  }
0x6d: {  	_ =	swait.ge [sflag:s15], $0x4000  }
0x6e: {  	[sflag:s15] =	ssyncset.done $0x0  }
0x6f: {  	s31 =	sadd.s32 $0x100, s26;
	[sflag:s15] =	ssyncadd.s32 $0xFFFFC000  }
0x70: {  	[tilespmem:s17], [sflag:$0x1] =	stream.indirect.gather [hbm4b:s4+s16], $0x80, s31, s16, $0xb8;
	[tilespmem:$0x1E800] =	vst v63  }
0x71: {  	_ =	swait.ge [sflag:s20], $0x4000  }
0x72: {  	[sflag:s20] =	ssyncset.done $0x0  }
0x73: {  	s29 =	sadd.s32 $0x1480, s26;
	[sflag:s20] =	ssyncadd.s32 $0xFFFFC000  }
0x74: {  	[spmem:s2] =	stream.indirect.scatter.add.f32 [tilespmem:s18], [sflag:$0x3], $0x80, s29, s16, $0xb8;
	[tilespmem:$0x1E800] =	vst v63  }
0x75: {  	_ =	swait.ge [sflag:s15], $0x4000  }
0x76: {  	[sflag:s15] =	ssyncset.done $0x0  }
0x77: {  	[sflag:s15] =	ssyncadd.s32 $0xFFFFC000  }
0x78: {  	[tilespmem:s18], [sflag:$0x2] =	stream.indirect.gather [hbm4b:s4+s16], $0x80, s21, s16, $0xb8;
	[tilespmem:$0x1E800] =	vst v63  }
0x79: {  	_ =	swait.ge [sflag:s19], $0x4000  }
0x7a: {  	[sflag:s19] =	ssyncset.done $0x0  }
0x7b: {  	[sflag:s19] =	ssyncadd.s32 $0xFFFFC000  }
0x7c: {  	[spmem:s2] =	stream.indirect.scatter.add.f32 [tilespmem:s17], [sflag:$0x3], $0x80, s22, s16, $0xb8;
	[tilespmem:$0x1E800] =	vst v63  }
0x7d: {  	_ =	swait.ge [sflag:s15], $0x4000  }
0x7e: {  	[sflag:s15] =	ssyncset.done $0x0  }
0x7f: {  	[sflag:s15] =	ssyncadd.s32 $0xFFFFC000  }
0x80: {  	_ =	swait.ge [sflag:s20], $0x4000  }
0x81: {  	[sflag:s20] =	ssyncset.done $0x0  }
0x82: {  	[sflag:s20] =	ssyncadd.s32 $0xFFFFC000  }
0x83: {  	[spmem:s2] =	stream.indirect.scatter.add.f32 [tilespmem:s18], [sflag:$0x3], $0x80, s23, s16, $0xb8;
	[tilespmem:$0x1E800] =	vst v63  }
0x84: {  	_ =	swait.ge [sflag:s15], $0x4000  }
0x85: {  	s25 =	sadd.s32 $0x1, s25;
	s30 =	sshll.u32 s1, $0x6;
	[sflag:s15] =	ssyncset.done $0x0  }
0x86: {  	p1 =	sne.s32 s25, s13;
	s26 =	sor.u32 $0x1C03, s30;
	[sflag:s15] =	ssyncadd.s32 $0xFFFFC000  }
.Ltmp2:
0x87: {  	s31 =	sshrl.u32 s8, $0x3;
	[bflag:$0x0] =	sbarrier.arrive $0xFFFF;
	(pc) =	sbr.rel @p1 .LBB2_1-.Ltmp2, $4  }
0x88: {  	[hbm:s24], [sflag:s26] =	dma.local [spmem:s31], $0x2800  }
0x89: {  	_ =	swait.ge [sflag:s15], $0x2800  }
0x8a: {  	[sflag:s15] =	ssyncset.done $0x0  }
0x8b: {  	[sflag:s15] =	ssyncadd.s32 $0xFFFFD800  }
0x8c: {  	_ =	sfence.sel $0x180000  }
0x8d: {  	[bflag:$0x0] =	sbarrier.arrive $0xFFFF  }
0x8e: {  	p0 =	sne.s32 s1, $0x0;
	_ =	strace $0x9000004D  }
0x8f: {  	s0 =	sadd.s32 @!p0 $0x100000, s0;
	[bflag:$0x2] =	sbarrier.arrive $0xFFFF  }
0x90: {  	[sflag:s0] =	ssyncadd.tile.s32 @!p0 $0x1;
	_ =	shalt  }
.Lfunc_end2:
_tile_overlayer_lowered:
.L_overlay_start_2:
0x91: {  	(tag) =	ssettag $0x2  }
0x92: {  	s0 =	rddreg [dreg:$0x0];
	s2 =	stileid.u32  }
0x93: {  	s1 =	rddreg [dreg:$0x1];
	p0 =	sne.s32 s2, $0x0  }
0x94: {  	s3 =	rddreg [dreg:$0x2];
	[bflag:$0x3] =	sbarrier.arrive $0xFFFF;
	s2 =	simm.s32 @!p0 $0x1C03  }
0x95: {  	[timem:s3], [sflag:s2] =	dma.local @!p0 [hbm:s0], s1  }
0x96: {  	s0 =	simm.s32 @!p0 $0x3  }
0x97: {  	_ =	swait.ge @!p0 [sflag:s0], s1  }
0x98: {  	s1 =	ssub.s32 @!p0 $0x0, s1;
	[sflag:s0] =	ssyncset.done @!p0 $0x0  }
0x99: {  	[sflag:s0] =	ssyncadd.s32 @!p0 s1  }
0x9a: {  	[bflag:$0x3] =	sbarrier.arrive $0xFFFF  }
0x9b: {  	_ =	shalt  }

// kernel: kernel.9.cloned.1.call-start
scs
__scs_entry_jumppad:
0x0: {  	(pc) =	sbr.rel $0x88, $3  }
0x1: {  	(tag) =	ssettag $0x0;
	lr =	simm.s32 $0x1  }
0x2: {  	[smem:$0x3F9C] =	sst lr;
	_ =	strace $0xD0000000  }
0x3: {  	_ = 	snop  }
0x4: {  	_ = 	snop  }
0x5: {  	_ = 	snop  }
0x6: {  	_ = 	snop  }
0x7: {  	_ = 	snop  }
__scs_overlays_trampoline_lowered:
0x8: {  	[smem:$0x3FAB] =	sst s0  }
0x9: {  	[smem:$0x3FAC] =	sst s1  }
0xa: {  	[smem:$0x3FAD] =	sst s2  }
0xb: {  	[smem:$0x3FAE] =	sst s3  }
0xc: {  	[smem:$0x3FAF] =	sst s4  }
0xd: {  	[smem:$0x3FB0] =	sst s5  }
0xe: {  	[smem:$0x3FB1] =	sst s6  }
0xf: {  	[smem:$0x3FB2] =	sst s7  }
0x10: {  	[smem:$0x3FB3] =	sst s8  }
0x11: {  	[smem:$0x3FB4] =	sst s9;
	s0 =	simm.s32 @!p0 $0x0  }
0x12: {  	s1 =	sld [smem:$0x3F9A];
	s0 =	simm.s32 @p0 $0x1  }
0x13: {  	[smem:$0x3FB5] =	sst s0;
	s0 =	simm.s32 @!p1 $0x0  }
0x14: {  	s2 =	sld [smem:$0x3F99];
	s0 =	simm.s32 @p1 $0x1  }
0x15: {  	[smem:$0x3FB6] =	sst s0;
	s0 =	simm.s32 @!p2 $0x0  }
0x16: {  	s3 =	sld [smem:$0x3FDB];
	s0 =	simm.s32 @p2 $0x1  }
0x17: {  	s4 =	simm.s32 $0x1BF5;
	[smem:$0x3FB8] =	sst s0  }
0x18: {  	s0 =	sld [smem:$0x3F9B];
	_ =	swait.ge [sflag:s4], $0x0  }
0x19: {  	s7 =	sld [smem:$0x3F9C]  }
0x1a: {  	s8 =	sadd.s32 $0xFFFFE003, lr  }
0x1b: {  	s9 =	sadd.s32 $0xFFFFFEF7, lr;
	s5 =	simm.s32 $0xFFFFFFFF;
	p2 =	slt.u32 s8, $0xFFFFF086  }
0x1c: {  	p1 =	slt.u32 s9, $0xF7A;
	s5 =	simm.s32 @!p2 $0x0  }
0x1d: {  	s5 =	simm.s32 @p1 $0x1;
	p0 =	seq.s32 s7, s2  }
0x1e: {  	s7 =	smul.u32 @!p0 $0xF7A, s2;
	p2 =	seq.s32 @!p0 s5, $0x0  }
0x1f: {  	s9 =	smul.u32 $0xF7A, s1;
	s8 =	simm.s32 @!p0 $0x1BF5;
	p2 =	por !p2, p0  }
0x20: {  	[sflag:s8] =	ssyncset.s32 @!p0 $0xFFFFF086;
	s6 =	sadd.s32 @!p0 s3, s7;
	s7 =	simm.s32 @!p0 $0x108  }
0x21: {  	s3 =	sadd.s32 s3, s9;
	s6 =	sadd.s32 @!p0 $0x88, s6;
	s7 =	simm.s32 @p2 $0x1082  }
0x22: {  	[simem:s7], [sflag:s8] =	dma.local @!p0 [hbm:s6], $0xF7A  }
0x23: {  	s9 =	sor.u32 $0xD0000000, s2;
	s6 =	simm.s32 $0x108;
	_ =	swait.ge @!p0 [sflag:s8], $0x0  }
0x24: {  	s3 =	sadd.s32 $0x88, s3;
	s6 =	simm.s32 @!p1 $0x1082;
	[sflag:s4] =	ssyncset.s32 $0xFFFFF086  }
0x25: {  	[simem:s6], [sflag:s4] =	dma.local [hbm:s3], $0xF7A  }
0x26: {  	[smem:$0x3F9C] =	sst s1;
	(tag) =	ssettag s2;
	_ =	strace s9  }
0x27: {  	s1 =	sld [smem:$0x3FAC]  }
0x28: {  	s2 =	sld [smem:$0x3FAD]  }
0x29: {  	s4 =	sld [smem:$0x3FAF]  }
0x2a: {  	p0 =	seq.s32 s5, $0x0;
	s5 =	sld [smem:$0x3FB0]  }
0x2b: {  	s6 =	sld [smem:$0x3FB1]  }
0x2c: {  	s7 =	sld [smem:$0x3FB2]  }
0x2d: {  	s3 =	simm.s32 $0x108;
	s8 =	sld [smem:$0x3FB3]  }
0x2e: {  	s3 =	simm.s32 @!p0 $0x1082;
	s9 =	sld [smem:$0x3FB4]  }
0x2f: {  	lr =	sadd.s32 s0, s3;
	s0 =	sld [smem:$0x3FAB]  }
0x30: {  	s3 =	sld [smem:$0x3FAE]  }
0x31: {  	[smem:$0x3FB7] =	sst s10  }
0x32: {  	s10 =	sld [smem:$0x3FB5];
	_ =	sdelay $0x3  }
0x33: {  	p0 =	seq.s32 s10, $0x1;
	s10 =	sld [smem:$0x3FB7];
	_ =	sdelay $0x3  }
0x34: {  	[smem:$0x3FB7] =	sst s10  }
0x35: {  	s10 =	sld [smem:$0x3FB6];
	_ =	sdelay $0x3  }
0x36: {  	p1 =	seq.s32 s10, $0x1;
	s10 =	sld [smem:$0x3FB7];
	_ =	sdelay $0x3  }
0x37: {  	[smem:$0x3FB7] =	sst s10  }
0x38: {  	s10 =	sld [smem:$0x3FB8]  }
0x39: {  	_ = 	snop;
	(pc) =	sbr.ind lr, $3  }
0x3a: {  	_ = 	snop  }
0x3b: {  	_ = 	snop  }
0x3c: {  	p2 =	seq.s32 s10, $0x1;
	s10 =	sld [smem:$0x3FB7]  }
0x3d: {  	_ =	shalt  }
0x3e: {  	_ =	shalt  }
0x3f: {  	_ =	shalt  }
0x40: {  	_ =	shalt  }
0x41: {  	_ =	shalt  }
0x42: {  	_ =	shalt  }
0x43: {  	_ =	shalt  }
0x44: {  	_ =	shalt  }
0x45: {  	_ =	shalt  }
0x46: {  	_ =	shalt  }
0x47: {  	_ =	shalt  }
0x48: {  	_ =	shalt  }
0x49: {  	_ =	shalt  }
0x4a: {  	_ =	shalt  }
0x4b: {  	_ =	shalt  }
0x4c: {  	_ =	shalt  }
0x4d: {  	_ =	shalt  }
0x4e: {  	_ =	shalt  }
0x4f: {  	_ =	shalt  }
0x50: {  	_ =	shalt  }
0x51: {  	_ =	shalt  }
0x52: {  	_ =	shalt  }
0x53: {  	_ =	shalt  }
0x54: {  	_ =	shalt  }
0x55: {  	_ =	shalt  }
0x56: {  	_ =	shalt  }
0x57: {  	_ =	shalt  }
0x58: {  	_ =	shalt  }
0x59: {  	_ =	shalt  }
0x5a: {  	_ =	shalt  }
0x5b: {  	_ =	shalt  }
0x5c: {  	_ =	shalt  }
0x5d: {  	_ =	shalt  }
0x5e: {  	_ =	shalt  }
0x5f: {  	_ =	shalt  }
0x60: {  	_ =	shalt  }
0x61: {  	_ =	shalt  }
0x62: {  	_ =	shalt  }
0x63: {  	_ =	shalt  }
0x64: {  	_ =	shalt  }
0x65: {  	_ =	shalt  }
0x66: {  	_ =	shalt  }
0x67: {  	_ =	shalt  }
0x68: {  	_ =	shalt  }
0x69: {  	_ =	shalt  }
0x6a: {  	_ =	shalt  }
0x6b: {  	_ =	shalt  }
0x6c: {  	_ =	shalt  }
0x6d: {  	_ =	shalt  }
0x6e: {  	_ =	shalt  }
0x6f: {  	_ =	shalt  }
0x70: {  	_ =	shalt  }
0x71: {  	_ =	shalt  }
0x72: {  	_ =	shalt  }
0x73: {  	_ =	shalt  }
0x74: {  	_ =	shalt  }
0x75: {  	_ =	shalt  }
0x76: {  	_ =	shalt  }
0x77: {  	_ =	shalt  }
0x78: {  	_ =	shalt  }
0x79: {  	_ =	shalt  }
0x7a: {  	_ =	shalt  }
0x7b: {  	_ =	shalt  }
0x7c: {  	_ =	shalt  }
0x7d: {  	_ =	shalt  }
0x7e: {  	_ =	shalt  }
0x7f: {  	_ =	shalt  }
0x80: {  	_ =	shalt  }
0x81: {  	_ =	shalt  }
0x82: {  	_ =	shalt  }
0x83: {  	_ =	shalt  }
0x84: {  	_ =	shalt  }
0x85: {  	_ =	shalt  }
0x86: {  	_ =	shalt  }
0x87: {  	_ =	shalt  }
.Lfunc_end0:
.L_simem_size_0:
called_computation_lowered:
.L_overlay_start_0:
0x88: {  	s2 =	sld [smem:$0x3FD9]  }
0x89: {  	s3 =	sld [smem:$0x3FFE];
	_ =	sdelay $0x1  }
0x8a: {  	s1 =	srdreg.scid  }
0x8b: {  	s0 =	sand.u32 $0x1, s1  }
0x8c: {  	s17 =	sshll.u32 s0, $0xA;
	s2 =	sadd.s32 s3, s2  }
0x8d: {  	s2 =	sadd.s32 s2, s17  }
0x8e: {  	[smem:$0x3FC3] =	sst s2  }
0x8f: {  	_ = 	snop  }
0x90: {  	s2 =	sld [smem:$0x3FD0];
	(tm) =	ssettm $0x1  }
0x91: {  	s18 =	sld [smem:$0x3FFB];
	_ =	sdelay $0x3  }
0x92: {  	_ =	strace s18  }
0x93: {  	s3 =	sld [smem:$0x3FFC];
	_ =	sdelay $0x3  }
0x94: {  	_ =	strace s3  }
0x95: {  	s3 =	sld [smem:$0x3FFD];
	_ =	sdelay $0x3  }
0x96: {  	_ =	strace s3  }
0x97: {  	_ =	strace $0x8FFFFFFF  }
0x98: {  	s19 =	sld [smem:$0x3FDB];
	_ =	sdelay $0x1  }
0x99: {  	s4 =	simm.s32 $_scs_section_size  }
0x9a: {  	s5 =	simm.s32 $_size__tile_overlayer_lowered;
	s6 =	simm.s32 $_tile_overlayer_lowered  }
0x9b: {  	s22 =	simm.s32 $0x1BFF;
	s21 =	sshll.u32 s6, $0x1;
	s3 =	sadd.s32 s4, s19  }
0x9c: {  	s7 =	simm.s32 $0x0;
	s20 =	sshll.u32 s5, $0x1;
	s5 =	sadd.s32 s21, s3  }
0x9d: {  	[timem:s7], [sflag:s22] =	dma.local [hbm:s5], s20  }
0x9e: {  	_ =	swait.ge [sflag:s22], s20  }
0x9f: {  	s4 =	ssub.s32 $0x0, s20;
	[sflag:s22] =	ssyncset.done $0x0  }
0xa0: {  	[sflag:s22] =	ssyncadd.s32 s4;
	_ =	sdelay $0x1  }
0xa1: {  	s23 =	simm.s32 $0x1B8B  }
0xa2: {  	_ =	swait.ge [sflag:s23], $0x1  }
0xa3: {  	[sflag:s23] =	ssyncset.done $0x0  }
0xa4: {  	s25 =	simm.s32 $0x1B8E;
	s24 =	sld [smem:$0x3FFE];
	[sflag:s23] =	ssyncadd.s32 $0xFFFFFFFF  }
0xa5: {  	s26 =	simm.s32 $execute0_lowered;
	[smem:$0x3FD2] =	sst s25  }
0xa6: {  	s5 =	sshll.u32 s26, $0x1;
	_ =	strace $0x80000046;
	[dreg:$0x1] =	wrdreg $0xFFFFFFFF  }
0xa7: {  	s28 =	simm.s32 $_size_execute0_lowered;
	s3 =	sadd.s32 s3, s5;
	[dreg:$0x0] =	wrdreg $0x0  }
0xa8: {  	s5 =	sshll.u32 s28, $0x1;
	[dreg:$0x2] =	wrdreg s3  }
0xa9: {  	[dreg:$0x3] =	wrdreg s5  }
0xaa: {  	[dreg:$0x4] =	wrdreg $0xC0  }
0xab: {  	_ =	task [dreg:s7], $0x5FFFF  }
0xac: {  	[dreg:$0x1] =	wrdreg $0xFFFFFFFF  }
0xad: {  	[dreg:$0x0] =	wrdreg $0x60  }
0xae: {  	[dreg:$0x2] =	wrdreg s24  }
0xaf: {  	[dreg:$0x3] =	wrdreg s2  }
0xb0: {  	[dreg:$0x4] =	wrdreg $0xA8000  }
0xb1: {  	[dreg:$0x5] =	wrdreg $0x9  }
0xb2: {  	_ =	task.clear_ibuf [dreg:s7], $0x6FFFF;
	_ =	strace $0x90000046  }
0xb3: {  	s29 =	simm.s32 $0x9;
	_ =	strace $0x80000048  }
0xb4: {  	_ =	swait.ge [sflag:s29], $0x1  }
0xb5: {  	[sflag:s29] =	ssyncadd.s32 $0xFFFFFFFF  }
0xb6: {  	_ =	strace $0x90000048  }
0xb7: {  	_ =	sfence  }
0xb8: {  	s30 =	sld [smem:$0x0];
	_ =	sdelay $0x2  }
0xb9: {  	s31 =	sshll.u32 s1, $0xD;
	s1 =	sshrl.u32 s1, $0x2  }
0xba: {  	s3 =	sand.u32 $0x4000, s31;
	s1 =	sadd.s32 s1, s30  }
0xbb: {  	s0 =	sor.u32 s3, s0;
	s1 =	sshll.u32 s1, $0x11  }
0xbc: {  	s0 =	sor.u32 s1, s0  }
0xbd: {  	s0 =	sadd.s32 $0x8F2B, s0  }
0xbe: {  	[sflag:s0] =	ssyncadd.remote.s32 $0x1  }
0xbf: {  	_ =	sfence.sel $0xFFFF  }
0xc0: {  	[dreg:$0x0] =	wrdreg $0xFFFFFFFF;
	(pc) =	sbr.abs _section_cstart, $3  }
0xc1: {  	[dreg:$0x1] =	wrdreg $0xFFFFFFFF  }
0xc2: {  	_ =	task.clear_ibuf [dreg:s7], $0x2FFFF;
	_ =	strace $0x9FFFFFFF  }
0xc3: {  	(tm) =	ssettm $0x7FFFFFFF  }
tec
execute0_lowered:
.L_overlay_start_1:
0x0: {  	(tag) =	ssettag $0x1  }
0x1: {  	s6 =	rddreg [dreg:$0x0]  }
0x2: {  	s0 =	srdreg.scid;
	s7 =	rddreg [dreg:$0x1]  }
0x3: {  	s2 =	rddreg [dreg:$0x2];
	s1 =	stileid.u32;
	s3 =	simm.s32 $0x0  }
0x4: {  	s17 =	simm.s32 $0x2800;
	s18 =	simm.s32 $0x6800;
	s19 =	simm.s32 $0x1  }
0x5: {  	s20 =	simm.s32 $0x2;
	s21 =	simm.s32 $0x1380;
	s22 =	simm.s32 $0x2700  }
0x6: {  	s23 =	simm.s32 $0x2780;
	s5 =	sand.u32 $0x1, s0;
	s0 =	rddreg [dreg:$0x3]  }
0x7: {  	[smem:$0x7FF] =	sst s3;
	s12 =	smul.u32 $0x50000, s1;
	s14 =	sadd.s32 $0x2E400, s6  }
0x8: {  	s25 =	smul.u32 $0x2800, s1;
	s4 =	sshll.u32 s5, $0x4;
	_ =	strace $0x80000047  }
0x9: {  	s9 =	smul.u32 $0x28000, s5;
	s11 =	ssub.s32 $0x2, s5;
	s5 =	sadd.s32 $0x2E000, s6  }
0xa: {  	s13 =	sor.u32 s1, s4;
	s4 =	sadd.s32 $0x6E00, s6;
	s15 =	sshrl.u32 s11, $0x1  }
0xb: {  	s31 =	sshrl.u32 s12, $0x2;
	s8 =	smul.u32 $0x280, s13;
	s16 =	sadd.s32 s9, s6  }
0xc: {  	s15 =	ssub.s32 s11, s15;
	p0 =	seq.s32 s13, $0x1F;
	s24 =	sadd.s32 $0x2E800, s16  }
0xd: {  	s13 =	smax.u32 s15, $0x1;
	s15 =	simm.s32 $0x3;
	s16 =	simm.s32 $0x80  }
0xe: {  	s10 =	sadd.s32 s8, s6;
	s6 =	sadd.s32 s7, s8;
	s8 =	sadd.s32 s31, s2  }
0xf: {  	s24 =	sadd.s32 s25, s24;
	s25 =	simm.s32 $0x0;
	s7 =	sadd.s32 $0x1E00, s10  }
0x10: {  	s9 =	sadd.s32 $0x4000, s8;
	s10 =	sadd.s32 $0x8000, s8;
	s11 =	sadd.s32 $0xC000, s8  }
0x11: {  	v0 =	vimm.f32 $0.0e+00;
	s12 =	sadd.s32 $0x10000, s8;
	s7 =	smov.u32 @p0 s14;
	s14 =	simm.s32 $0x1400  }
.LBB2_1:
0x12: {  	s26 =	simm.s32 @p0 $0x0  }
0x13: {  	[tilespmem:s26], [sflag:$0x3] =	stream.linear.gather @p0 [hbm4b:s5+s26], $0x1400, $0x38;
	[tilespmem:$0x1E800] =	vst v63  }
0x14: {  	s26 =	simm.s32 @p0 $0x3  }
0x15: {  	_ =	swait.ge @p0 [sflag:s26], $0x1400  }
0x16: {  	[sflag:s26] =	ssyncset.done @p0 $0x0  }
0x17: {  	[sflag:s26] =	ssyncadd.s32 @p0 $0xFFFFEC00;
	s26 =	simm.s32 @!p0 $0x0  }
0x18: {  	[tilespmem:s26], [sflag:$0x3] =	stream.linear.gather @!p0 [hbm4b:s6+s26], $0x1400, $0x38;
	[tilespmem:$0x1E800] =	vst v63  }
0x19: {  	s26 =	simm.s32 @!p0 $0x3  }
0x1a: {  	_ =	swait.ge @!p0 [sflag:s26], $0x1400  }
0x1b: {  	[sflag:s26] =	ssyncset.done @!p0 $0x0  }
0x1c: {  	[sflag:s26] =	ssyncadd.s32 @!p0 $0xFFFFEC00  }
0x1d: {  	[tilespmem:s14], [sflag:$0x3] =	stream.linear.gather [hbm4b:s7+s3], $0x1400, $0x38;
	[tilespmem:$0x1E800] =	vst v63  }
0x1e: {  	_ =	swait.ge [sflag:s15], $0x1400  }
0x1f: {  	[sflag:s15] =	ssyncset.done $0x0  }
0x20: {  	s28 =	simm.s32 $0x200;
	s26 =	simm.s32 $0x0;
	[sflag:s15] =	ssyncadd.s32 $0xFFFFEC00  }
0x21: {  	[tilespmem:s17], [sflag:$0x1] =	stream.indirect.gather [hbm4b:s4+s16], $0x80, s3, s16, $0xb8;
	[tilespmem:$0x1E800] =	vst v63  }
.LBB2_2:
0x22: {  	p1 =	sne.s32 s28, $0xFE00;
	[tilespmem:s26+$0x6870] =	vst v0  }
0x23: {  	[tilespmem:s26+$0x6800] =	vst v0  }
0x24: {  	[tilespmem:s26+$0x6810] =	vst v0  }
.Ltmp0:
0x25: {  	[tilespmem:s26+$0x6820] =	vst v0;
	(pc) =	sbr.rel @p1 .LBB2_2-.Ltmp0, $4  }
0x26: {  	[tilespmem:s26+$0x6830] =	vst v0  }
0x27: {  	[tilespmem:s26+$0x6840] =	vst v0  }
0x28: {  	[tilespmem:s26+$0x6850] =	vst v0  }
0x29: {  	[tilespmem:s26+$0x6860] =	vst v0;
	s26 =	sshra.s32 s28, $0x2;
	s28 =	sadd.s32 $0x200, s28  }
0x2a: {  	[tilespmem:s26+$0x6870] =	vst v0  }
0x2b: {  	[tilespmem:s26+$0x6800] =	vst v0  }
0x2c: {  	[tilespmem:s26+$0x6810] =	vst v0  }
0x2d: {  	[tilespmem:s26+$0x6820] =	vst v0  }
0x2e: {  	[tilespmem:s26+$0x6830] =	vst v0  }
0x2f: {  	[tilespmem:s26+$0x6840] =	vst v0  }
0x30: {  	[tilespmem:s26+$0x6850] =	vst v0  }
0x31: {  	[tilespmem:s26+$0x6860] =	vst v0  }
0x32: {  	[spmem:s8] =	stream.linear.scatter [tilespmem:s18], [sflag:$0x3], $0x4000, $0x38;
	[tilespmem:$0x1E800] =	vst v63  }
0x33: {  	_ =	swait.ge [sflag:s15], $0x4000  }
0x34: {  	[sflag:s15] =	ssyncset.done $0x0  }
0x35: {  	[sflag:s15] =	ssyncadd.s32 $0xFFFFC000  }
0x36: {  	[spmem:s9] =	stream.linear.scatter [tilespmem:s18], [sflag:$0x3], $0x4000, $0x38;
	[tilespmem:$0x1E800] =	vst v63  }
0x37: {  	_ =	swait.ge [sflag:s15], $0x4000  }
0x38: {  	[sflag:s15] =	ssyncset.done $0x0  }
0x39: {  	[sflag:s15] =	ssyncadd.s32 $0xFFFFC000  }
0x3a: {  	[spmem:s10] =	stream.linear.scatter [tilespmem:s18], [sflag:$0x3], $0x4000, $0x38;
	[tilespmem:$0x1E800] =	vst v63  }
0x3b: {  	_ =	swait.ge [sflag:s15], $0x4000  }
0x3c: {  	[sflag:s15] =	ssyncset.done $0x0  }
0x3d: {  	[sflag:s15] =	ssyncadd.s32 $0xFFFFC000  }
0x3e: {  	[spmem:s11] =	stream.linear.scatter [tilespmem:s18], [sflag:$0x3], $0x4000, $0x38;
	[tilespmem:$0x1E800] =	vst v63  }
0x3f: {  	_ =	swait.ge [sflag:s15], $0x4000  }
0x40: {  	[sflag:s15] =	ssyncset.done $0x0  }
0x41: {  	[sflag:s15] =	ssyncadd.s32 $0xFFFFC000  }
0x42: {  	[spmem:s12] =	stream.linear.scatter [tilespmem:s18], [sflag:$0x3], $0x4000, $0x38;
	[tilespmem:$0x1E800] =	vst v63  }
0x43: {  	_ =	swait.ge [sflag:s15], $0x4000  }
0x44: {  	[sflag:s15] =	ssyncset.done $0x0  }
0x45: {  	[sflag:s15] =	ssyncadd.s32 $0xFFFFC000  }
0x46: {  	s31 =	simm.s32 $0x80;
	[bflag:$0x0] =	sbarrier.arrive $0xFFFF  }
0x47: {  	[tilespmem:s18], [sflag:$0x2] =	stream.indirect.gather [hbm4b:s4+s16], $0x80, s31, s16, $0xb8;
	[tilespmem:$0x1E800] =	vst v63  }
0x48: {  	_ =	swait.ge [sflag:s19], $0x4000  }
0x49: {  	[sflag:s19] =	ssyncset.done $0x0  }
0x4a: {  	s29 =	simm.s32 $0x1400;
	[sflag:s19] =	ssyncadd.s32 $0xFFFFC000  }
0x4b: {  	[spmem:s2] =	stream.indirect.scatter.add.f32 [tilespmem:s17], [sflag:$0x3], $0x80, s29, s16, $0xb8;
	[tilespmem:$0x1E800] =	vst v63  }
0x4c: {  	_ =	swait.ge [sflag:s15], $0x4000  }
0x4d: {  	[sflag:s15] =	ssyncset.done $0x0  }
0x4e: {  	s30 =	simm.s32 $0x100;
	[sflag:s15] =	ssyncadd.s32 $0xFFFFC000  }
0x4f: {  	[tilespmem:s17], [sflag:$0x1] =	stream.indirect.gather [hbm4b:s4+s16], $0x80, s30, s16, $0xb8;
	[tilespmem:$0x1E800] =	vst v63  }
0x50: {  	_ =	swait.ge [sflag:s20], $0x4000  }
0x51: {  	[sflag:s20] =	ssyncset.done $0x0  }
0x52: {  	s31 =	simm.s32 $0x1480;
	[sflag:s20] =	ssyncadd.s32 $0xFFFFC000  }
0x53: {  	[spmem:s2] =	stream.indirect.scatter.add.f32 [tilespmem:s18], [sflag:$0x3], $0x80, s31, s16, $0xb8;
	[tilespmem:$0x1E800] =	vst v63  }
0x54: {  	_ =	swait.ge [sflag:s15], $0x4000  }
0x55: {  	s28 =	simm.s32 $0x800;
	s26 =	simm.s32 $0x100;
	[sflag:s15] =	ssyncset.done $0x0  }
.LBB2_4:
0x56: {  	s29 =	sadd.s32 $0x80, s26  }
0x57: {  	[sflag:s15] =	ssyncadd.s32 $0xFFFFC000;
	s30 =	smov.u32 s28;
	s31 =	sadd.s32 $0x400, s28  }
0x58: {  	[tilespmem:s18], [sflag:$0x2] =	stream.indirect.gather [hbm4b:s4+s16], $0x80, s29, s16, $0xb8;
	[tilespmem:$0x1E800] =	vst v63  }
0x59: {  	p1 =	sne.s32 s28, $0x4800;
	_ =	swait.ge [sflag:s19], $0x4000  }
0x5a: {  	[sflag:s19] =	ssyncset.done $0x0  }
0x5b: {  	s28 =	sadd.s32 $0x1400, s26;
	[sflag:s19] =	ssyncadd.s32 $0xFFFFC000  }
0x5c: {  	[spmem:s2] =	stream.indirect.scatter.add.f32 [tilespmem:s17], [sflag:$0x3], $0x80, s28, s16, $0xb8;
	[tilespmem:$0x1E800] =	vst v63  }
0x5d: {  	_ =	swait.ge [sflag:s15], $0x4000  }
0x5e: {  	[sflag:s15] =	ssyncset.done $0x0  }
0x5f: {  	s28 =	sadd.s32 $0x100, s26;
	[sflag:s15] =	ssyncadd.s32 $0xFFFFC000  }
0x60: {  	[tilespmem:s17], [sflag:$0x1] =	stream.indirect.gather [hbm4b:s4+s16], $0x80, s28, s16, $0xb8;
	[tilespmem:$0x1E800] =	vst v63  }
0x61: {  	_ =	swait.ge [sflag:s20], $0x4000  }
.Ltmp1:
0x62: {  	[sflag:s20] =	ssyncset.done $0x0;
	(pc) =	sbr.rel @p1 .LBB2_4-.Ltmp1, $4  }
0x63: {  	s26 =	sadd.s32 $0x1480, s26;
	[sflag:s20] =	ssyncadd.s32 $0xFFFFC000  }
0x64: {  	[spmem:s2] =	stream.indirect.scatter.add.f32 [tilespmem:s18], [sflag:$0x3], $0x80, s26, s16, $0xb8;
	[tilespmem:$0x1E800] =	vst v63  }
0x65: {  	_ =	swait.ge [sflag:s15], $0x4000  }
0x66: {  	s28 =	smov.u32 s31;
	s26 =	sshra.s32 s30, $0x2;
	[sflag:s15] =	ssyncset.done $0x0  }
0x67: {  	s28 =	sadd.s32 $0x80, s26;
	[sflag:s15] =	ssyncadd.s32 $0xFFFFC000  }
0x68: {  	[tilespmem:s18], [sflag:$0x2] =	stream.indirect.gather [hbm4b:s4+s16], $0x80, s28, s16, $0xb8;
	[tilespmem:$0x1E800] =	vst v63  }
0x69: {  	_ =	swait.ge [sflag:s19], $0x4000  }
0x6a: {  	[sflag:s19] =	ssyncset.done $0x0  }
0x6b: {  	s30 =	sadd.s32 $0x1400, s26;
	[sflag:s19] =	ssyncadd.s32 $0xFFFFC000  }
0x6c: {  	[spmem:s2] =	stream.indirect.scatter.add.f32 [tilespmem:s17], [sflag:$0x3], $0x80, s30, s16, $0xb8;
	[tilespmem:$0x1E800] =	vst v63  }
0x6d: {  	_ =	swait.ge [sflag:s15], $0x4000  }
0x6e: {  	[sflag:s15] =	ssyncset.done $0x0  }
0x6f: {  	s31 =	sadd.s32 $0x100, s26;
	[sflag:s15] =	ssyncadd.s32 $0xFFFFC000  }
0x70: {  	[tilespmem:s17], [sflag:$0x1] =	stream.indirect.gather [hbm4b:s4+s16], $0x80, s31, s16, $0xb8;
	[tilespmem:$0x1E800] =	vst v63  }
0x71: {  	_ =	swait.ge [sflag:s20], $0x4000  }
0x72: {  	[sflag:s20] =	ssyncset.done $0x0  }
0x73: {  	s29 =	sadd.s32 $0x1480, s26;
	[sflag:s20] =	ssyncadd.s32 $0xFFFFC000  }
0x74: {  	[spmem:s2] =	stream.indirect.scatter.add.f32 [tilespmem:s18], [sflag:$0x3], $0x80, s29, s16, $0xb8;
	[tilespmem:$0x1E800] =	vst v63  }
0x75: {  	_ =	swait.ge [sflag:s15], $0x4000  }
0x76: {  	[sflag:s15] =	ssyncset.done $0x0  }
0x77: {  	[sflag:s15] =	ssyncadd.s32 $0xFFFFC000  }
0x78: {  	[tilespmem:s18], [sflag:$0x2] =	stream.indirect.gather [hbm4b:s4+s16], $0x80, s21, s16, $0xb8;
	[tilespmem:$0x1E800] =	vst v63  }
0x79: {  	_ =	swait.ge [sflag:s19], $0x4000  }
0x7a: {  	[sflag:s19] =	ssyncset.done $0x0  }
0x7b: {  	[sflag:s19] =	ssyncadd.s32 $0xFFFFC000  }
0x7c: {  	[spmem:s2] =	stream.indirect.scatter.add.f32 [tilespmem:s17], [sflag:$0x3], $0x80, s22, s16, $0xb8;
	[tilespmem:$0x1E800] =	vst v63  }
0x7d: {  	_ =	swait.ge [sflag:s15], $0x4000  }
0x7e: {  	[sflag:s15] =	ssyncset.done $0x0  }
0x7f: {  	[sflag:s15] =	ssyncadd.s32 $0xFFFFC000  }
0x80: {  	_ =	swait.ge [sflag:s20], $0x4000  }
0x81: {  	[sflag:s20] =	ssyncset.done $0x0  }
0x82: {  	[sflag:s20] =	ssyncadd.s32 $0xFFFFC000  }
0x83: {  	[spmem:s2] =	stream.indirect.scatter.add.f32 [tilespmem:s18], [sflag:$0x3], $0x80, s23, s16, $0xb8;
	[tilespmem:$0x1E800] =	vst v63  }
0x84: {  	_ =	swait.ge [sflag:s15], $0x4000  }
0x85: {  	s25 =	sadd.s32 $0x1, s25;
	s30 =	sshll.u32 s1, $0x6;
	[sflag:s15] =	ssyncset.done $0x0  }
0x86: {  	p1 =	sne.s32 s25, s13;
	s26 =	sor.u32 $0x1C03, s30;
	[sflag:s15] =	ssyncadd.s32 $0xFFFFC000  }
.Ltmp2:
0x87: {  	s31 =	sshrl.u32 s8, $0x3;
	[bflag:$0x0] =	sbarrier.arrive $0xFFFF;
	(pc) =	sbr.rel @p1 .LBB2_1-.Ltmp2, $4  }
0x88: {  	[hbm:s24], [sflag:s26] =	dma.local [spmem:s31], $0x2800  }
0x89: {  	_ =	swait.ge [sflag:s15], $0x2800  }
0x8a: {  	[sflag:s15] =	ssyncset.done $0x0  }
0x8b: {  	[sflag:s15] =	ssyncadd.s32 $0xFFFFD800  }
0x8c: {  	_ =	sfence.sel $0x180000  }
0x8d: {  	[bflag:$0x0] =	sbarrier.arrive $0xFFFF  }
0x8e: {  	p0 =	sne.s32 s1, $0x0;
	_ =	strace $0x90000047  }
0x8f: {  	s0 =	sadd.s32 @!p0 $0x100000, s0;
	[bflag:$0x2] =	sbarrier.arrive $0xFFFF  }
0x90: {  	[sflag:s0] =	ssyncadd.tile.s32 @!p0 $0x1;
	_ =	shalt  }
.Lfunc_end2:
_tile_overlayer_lowered:
.L_overlay_start_2:
0x91: {  	(tag) =	ssettag $0x2  }
0x92: {  	s0 =	rddreg [dreg:$0x0];
	s2 =	stileid.u32  }
0x93: {  	s1 =	rddreg [dreg:$0x1];
	p0 =	sne.s32 s2, $0x0  }
0x94: {  	s3 =	rddreg [dreg:$0x2];
	[bflag:$0x3] =	sbarrier.arrive $0xFFFF;
	s2 =	simm.s32 @!p0 $0x1C03  }
0x95: {  	[timem:s3], [sflag:s2] =	dma.local @!p0 [hbm:s0], s1  }
0x96: {  	s0 =	simm.s32 @!p0 $0x3  }
0x97: {  	_ =	swait.ge @!p0 [sflag:s0], s1  }
0x98: {  	s1 =	ssub.s32 @!p0 $0x0, s1;
	[sflag:s0] =	ssyncset.done @!p0 $0x0  }
0x99: {  	[sflag:s0] =	ssyncadd.s32 @!p0 s1  }
0x9a: {  	[bflag:$0x3] =	sbarrier.arrive $0xFFFF  }
0x9b: {  	_ =	shalt  }

</sc_bundles>
